<compile_context>
chip_gen: v7x
topology: tpu7x:2x2x1
jax: 0.10.2.dev20260603
libtpu: 0.0.44.dev20260713+nightly
codegen_flags: <defaults>
</compile_context>

<pallas_src>
import functools

import jax
import jax.numpy as jnp
from jax import lax
from jax.experimental import pallas as pl
from jax.experimental.pallas import tpu as pltpu
from jax.experimental.pallas import tpu_sc as plsc

COST_CLASS = 2.0
COST_BBOX = 5.0
COST_GIOU = 2.0
ALPHA = 0.25
GAMMA = 2.0
OTA_K = 5

TQ = 4000

_INT_BIG = 2**31 - 1
_F32_INF = float("inf")


def _lex_less(av, ai, bv, bi):
    return (av < bv) | ((av == bv) & (ai < bi))


def _cost_iou_tile(logits, pb, gt, labels, q0):
    C = logits.shape[1]
    G = gt.shape[1]
    pcx, pcy, pw, ph = pb[:, 0:1], pb[:, 1:2], pb[:, 2:3], pb[:, 3:4]
    px0 = pcx - 0.5 * pw
    py0 = pcy - 0.5 * ph
    px1 = pcx + 0.5 * pw
    py1 = pcy + 0.5 * ph
    gcx, gcy, gw, gh = gt[0:1, :], gt[1:2, :], gt[2:3, :], gt[3:4, :]
    gx0 = gcx - 0.5 * gw
    gy0 = gcy - 0.5 * gh
    gx1 = gcx + 0.5 * gw
    gy1 = gcy + 0.5 * gh

    acx = (px0 + px1) * 0.5
    acy = (py0 + py1) * 0.5
    tcx = (gx0 + gx1) * 0.5
    tcy = (gy0 + gy1) * 0.5
    tw = gx1 - gx0
    th = gy1 - gy0
    xx0 = tcx - 0.5 * tw
    xy0 = tcy - 0.5 * th
    xx1 = tcx + 0.5 * tw
    xy1 = tcy + 0.5 * th
    in_boxes = (acx > xx0) & (acx < xx1) & (acy > xy0) & (acy < xy1)
    w2 = xx1 - xx0
    h2 = xy1 - xy0
    cr = 2.5
    in_centers = ((acx > (tcx - cr * w2)) & (acx < (tcx + cr * w2))
                  & (acy > (tcy - cr * h2)) & (acy < (tcy + cr * h2)))
    fg_mask = (jnp.sum(in_boxes.astype(jnp.int32), axis=1, keepdims=True) > 0) | (
        jnp.sum(in_centers.astype(jnp.int32), axis=1, keepdims=True) > 0)
    in_bc = in_boxes & in_centers

    onehot = (lax.broadcasted_iota(jnp.int32, (C, G), 0) == labels).astype(jnp.float32)
    glog = lax.dot_general(logits, onehot, (((1,), (0,)), ((), ())),
                           precision=lax.Precision.HIGHEST,
                           preferred_element_type=jnp.float32)
    p = jax.nn.sigmoid(glog)
    neg = (1.0 - ALPHA) * (p * p) * (-jnp.log(1.0 - p + 1e-8))
    pos = ALPHA * ((1.0 - p) * (1.0 - p)) * (-jnp.log(p + 1e-8))
    cost_class = pos - neg

    cost_bbox = (jnp.abs(px0 - gx0) + jnp.abs(py0 - gy0)
                 + jnp.abs(px1 - gx1) + jnp.abs(py1 - gy1))

    area1 = (px1 - px0) * (py1 - py0)
    area2 = (gx1 - gx0) * (gy1 - gy0)
    ltx = jnp.maximum(px0, gx0)
    lty = jnp.maximum(py0, gy0)
    rbx = jnp.minimum(px1, gx1)
    rby = jnp.minimum(py1, gy1)
    iw = jnp.maximum(rbx - ltx, 0.0)
    ih = jnp.maximum(rby - lty, 0.0)
    inter = iw * ih
    union = area1 + area2 - inter
    iou = inter / union
    eltx = jnp.minimum(px0, gx0)
    elty = jnp.minimum(py0, gy0)
    erbx = jnp.maximum(px1, gx1)
    erby = jnp.maximum(py1, gy1)
    ew = jnp.maximum(erbx - eltx, 0.0)
    eh = jnp.maximum(erby - elty, 0.0)
    earea = ew * eh
    giou = iou - (earea - union) / earea
    cost_giou = -giou

    cost = (COST_BBOX * cost_bbox + COST_CLASS * cost_class
            + COST_GIOU * cost_giou + 100.0 * (~in_bc).astype(jnp.float32))
    cost = jnp.where(fg_mask, cost, cost + 10000.0)
    return cost, iou


def _pass1_kernel(logits_ref, pb_ref, gt_ref, lab_ref,
                  cost_ref, thrv_ref, thri_ref,
                  c5v, c5i, i5v, *, nt, g):
    i = pl.program_id(1)

    @pl.when(i == 0)
    def _init():
        c5v[...] = jnp.full_like(c5v[...], _F32_INF)
        c5i[...] = jnp.full_like(c5i[...], _INT_BIG)
        i5v[...] = jnp.full_like(i5v[...], -_F32_INF)

    cost, iou = _cost_iou_tile(logits_ref[0], pb_ref[0], gt_ref[0],
                               lab_ref[0], i * TQ)
    cost_ref[0] = cost

    rows = lax.broadcasted_iota(jnp.int32, (TQ, g), 0) + i * TQ

    work = cost
    for _ in range(OTA_K):
        mv = jnp.min(work, axis=0, keepdims=True)
        mi = jnp.min(jnp.where(work == mv, rows, _INT_BIG), axis=0, keepdims=True)
        cv, ci = mv, mi
        for s in range(OTA_K):
            sv = c5v[s:s + 1, :]
            si = c5i[s:s + 1, :]
            lt = _lex_less(cv, ci, sv, si)
            nsv = jnp.where(lt, cv, sv)
            nsi = jnp.where(lt, ci, si)
            cv = jnp.where(lt, sv, cv)
            ci = jnp.where(lt, si, ci)
            c5v[s:s + 1, :] = nsv
            c5i[s:s + 1, :] = nsi
        work = jnp.where(rows == mi, _F32_INF, work)

    work = iou
    for _ in range(OTA_K):
        mv = jnp.max(work, axis=0, keepdims=True)
        mi = jnp.min(jnp.where(work == mv, rows, _INT_BIG), axis=0, keepdims=True)
        cv = mv
        for s in range(OTA_K):
            sv = i5v[s:s + 1, :]
            hi = jnp.maximum(cv, sv)
            lo = jnp.minimum(cv, sv)
            i5v[s:s + 1, :] = hi
            cv = lo
        work = jnp.where(rows == mi, -_F32_INF, work)

    @pl.when(i == nt - 1)
    def _finalize():
        s = i5v[OTA_K - 1:OTA_K, :]
        c = jnp.zeros_like(s)
        for j in range(OTA_K - 2, -1, -1):
            x = i5v[j:j + 1, :]
            t = s + x
            bp = t - s
            e = (s - (t - bp)) + (x - bp)
            c = c + e
            s = t
        base_floor = jnp.floor(s)
        frac = (s - base_floor) + c
        ks = jnp.maximum((base_floor + jnp.floor(frac)).astype(jnp.int32), 1)
        tv = jnp.zeros_like(s)
        ti = jnp.zeros_like(ks)
        for j in range(OTA_K):
            sel = ks == (j + 1)
            tv = jnp.where(sel, c5v[j:j + 1, :], tv)
            ti = jnp.where(sel, c5i[j:j + 1, :], ti)
        thrv_ref[0] = tv
        thri_ref[0] = ti


def _pass2_kernel(cost_ref, thrv_ref, thri_ref,
                  match_ref, colsum_ref, pos_ref,
                  acc_cs, acc_ev, acc_ei, *, nt, g):
    i = pl.program_id(1)

    @pl.when(i == 0)
    def _init():
        acc_cs[...] = jnp.zeros_like(acc_cs[...])
        acc_ev[...] = jnp.full_like(acc_ev[...], _F32_INF)
        acc_ei[...] = jnp.full_like(acc_ei[...], _INT_BIG)

    cost = cost_ref[0]
    tv = thrv_ref[0]
    ti = thri_ref[0]
    rows = lax.broadcasted_iota(jnp.int32, (TQ, g), 0) + i * TQ
    lanes = lax.broadcasted_iota(jnp.int32, (TQ, g), 1)

    selected = (cost < tv) | ((cost == tv) & (rows <= ti))
    amg = jnp.sum(selected.astype(jnp.float32), axis=1, keepdims=True)
    multi = amg > 1.0
    rmv = jnp.min(cost, axis=1, keepdims=True)
    rmi = jnp.min(jnp.where(cost == rmv, lanes, _INT_BIG), axis=1, keepdims=True)
    onehot = (lanes == rmi).astype(jnp.float32)
    m = jnp.where(multi, onehot, selected.astype(jnp.float32))
    match_ref[0] = jnp.concatenate(
        [m, jnp.zeros((m.shape[0], 128 - g), jnp.float32)], axis=1)

    acc_cs[...] = acc_cs[...] + jnp.sum(m, axis=0, keepdims=True)
    ecost = jnp.where(amg == 0.0, cost, _F32_INF)
    evv = jnp.min(ecost, axis=0, keepdims=True)
    evi = jnp.min(jnp.where(ecost == evv, rows, _INT_BIG), axis=0, keepdims=True)
    upd = _lex_less(evv, evi, acc_ev[...], acc_ei[...])
    acc_ev[...] = jnp.where(upd, evv, acc_ev[...])
    acc_ei[...] = jnp.where(upd, evi, acc_ei[...])

    @pl.when(i == nt - 1)
    def _finalize():
        colsum_ref[0] = acc_cs[...]
        pos_ref[0] = jnp.where(acc_ev[...] == _F32_INF,
                               jnp.zeros_like(acc_ei[...]), acc_ei[...])


def kernel(pred_logits, pred_boxes, tgt_boxes, image_size_xyxy, tgt_labels):
    del image_size_xyxy
    bs, q, c = pred_logits.shape
    g = tgt_boxes.shape[1]
    nt = q // TQ

    gt_t = jnp.transpose(tgt_boxes, (0, 2, 1))
    labels = tgt_labels.reshape(bs, 1, g)

    cost, thrv, thri = pl.pallas_call(
        functools.partial(_pass1_kernel, nt=nt, g=g),
        grid=(bs, nt),
        in_specs=[
            pl.BlockSpec((1, TQ, c), lambda b, i: (b, i, 0)),
            pl.BlockSpec((1, TQ, 4), lambda b, i: (b, i, 0)),
            pl.BlockSpec((1, 4, g), lambda b, i: (b, 0, 0)),
            pl.BlockSpec((1, 1, g), lambda b, i: (b, 0, 0)),
        ],
        out_specs=[
            pl.BlockSpec((1, TQ, g), lambda b, i: (b, i, 0)),
            pl.BlockSpec((1, 1, g), lambda b, i: (b, 0, 0)),
            pl.BlockSpec((1, 1, g), lambda b, i: (b, 0, 0)),
        ],
        out_shape=[
            jax.ShapeDtypeStruct((bs, q, g), jnp.float32),
            jax.ShapeDtypeStruct((bs, 1, g), jnp.float32),
            jax.ShapeDtypeStruct((bs, 1, g), jnp.int32),
        ],
        scratch_shapes=[
            pltpu.VMEM((OTA_K, g), jnp.float32),
            pltpu.VMEM((OTA_K, g), jnp.int32),
            pltpu.VMEM((OTA_K, g), jnp.float32),
        ],
        compiler_params=pltpu.CompilerParams(
            dimension_semantics=("arbitrary", "arbitrary")),
    )(pred_logits, pred_boxes, gt_t, labels)

    matching, colsum, pos = pl.pallas_call(
        functools.partial(_pass2_kernel, nt=nt, g=g),
        grid=(bs, nt),
        in_specs=[
            pl.BlockSpec((1, TQ, g), lambda b, i: (b, i, 0)),
            pl.BlockSpec((1, 1, g), lambda b, i: (b, 0, 0)),
            pl.BlockSpec((1, 1, g), lambda b, i: (b, 0, 0)),
        ],
        out_specs=[
            pl.BlockSpec((1, TQ, 128), lambda b, i: (b, i, 0)),
            pl.BlockSpec((1, 1, g), lambda b, i: (b, 0, 0)),
            pl.BlockSpec((1, 1, g), lambda b, i: (b, 0, 0)),
        ],
        out_shape=[
            jax.ShapeDtypeStruct((bs, q, 128), jnp.float32),
            jax.ShapeDtypeStruct((bs, 1, g), jnp.float32),
            jax.ShapeDtypeStruct((bs, 1, g), jnp.int32),
        ],
        scratch_shapes=[
            pltpu.VMEM((1, g), jnp.float32),
            pltpu.VMEM((1, g), jnp.float32),
            pltpu.VMEM((1, g), jnp.int32),
        ],
        compiler_params=pltpu.CompilerParams(
            dimension_semantics=("arbitrary", "arbitrary")),
    )(cost, thrv, thri)

    mesh = plsc.VectorSubcoreMesh(core_axis_name="c", subcore_axis_name="s")

    gp = ((g + 15) // 16) * 16

    @functools.partial(
        pl.kernel, mesh=mesh, out_type=(),
        compiler_params=pltpu.CompilerParams(needs_layout_passes=False),
        scratch_types=[
            pltpu.VMEM((g,), jnp.float32),
            pltpu.VMEM((g,), jnp.int32),
            pltpu.VMEM((gp,), jnp.int32),
            pltpu.VMEM((gp,), jnp.float32),
            pltpu.SemaphoreType.DMA,
        ],
    )
    def _fixup(match_hbm, colsum_hbm, pos_hbm, cs_v, pos_v, idx_v, val_v, sem):
        wid = lax.axis_index("c") * 16 + lax.axis_index("s")

        @pl.when(wid == 0)
        def _work():
            for b in range(bs):
                pltpu.sync_copy(colsum_hbm.at[b, 0], cs_v)
                pltpu.sync_copy(pos_hbm.at[b, 0], pos_v)
                for j in range(gp // 16):
                    sl = pl.ds(j * 16, 16)
                    it = lax.iota(jnp.int32, 16) + (j * 16)
                    gi = jnp.where(it < g, it, it - 16)
                    pv = plsc.load_gather(pos_v, [gi])
                    csv = plsc.load_gather(cs_v, [gi])
                    idx_v[sl] = (b * q + pv) * 128 + gi
                    val_v[sl] = jnp.where(csv == 0.0, 1.0, 0.0)
                pltpu.async_copy(val_v, match_hbm.at[idx_v], sem).wait()

    match_ref = jax.new_ref(matching.reshape(bs * q * 128))
    _fixup(match_ref, colsum, pos)
    return jax.freeze(match_ref).reshape(bs, q, 128)[:, :, :g]

# --- scband reference (transcript-rebuilt; emitter-appended) ---
"""Pipeline reference for scband-hungarian-matcher-dynamic-k-84155589198425 (READ-ONLY COPY).

The authoritative reference and input builder live on the scoring server;
editing this copy changes nothing except your own understanding.
"""

import jax, jax.numpy as jnp
import numpy as np

COST_CLASS = 2.0
COST_BBOX = 5.0
COST_GIOU = 2.0
ALPHA = 0.25
GAMMA = 2.0
OTA_K = 5

def box_cxcywh_to_xyxy(b):
    cx, cy, w, h = b[..., 0], b[..., 1], b[..., 2], b[..., 3]
    return jnp.stack([cx - 0.5 * w, cy - 0.5 * h, cx + 0.5 * w, cy + 0.5 * h], axis=-1)

def box_xyxy_to_cxcywh(b):
    x0, y0, x1, y1 = b[..., 0], b[..., 1], b[..., 2], b[..., 3]
    return jnp.stack([(x0 + x1) * 0.5, (y0 + y1) * 0.5, x1 - x0, y1 - y0], axis=-1)

def box_area(b):
    return (b[..., 2] - b[..., 0]) * (b[..., 3] - b[..., 1])

def box_iou(b1, b2):
    area1 = box_area(b1)
    area2 = box_area(b2)
    lt = jnp.maximum(b1[:, None, :2], b2[None, :, :2])
    rb = jnp.minimum(b1[:, None, 2:], b2[None, :, 2:])
    wh = jnp.clip(rb - lt, 0.0, None)
    inter = wh[..., 0] * wh[..., 1]
    union = area1[:, None] + area2[None, :] - inter
    return inter / union, union

def generalized_box_iou(b1, b2):
    iou, union = box_iou(b1, b2)
    lt = jnp.minimum(b1[:, None, :2], b2[None, :, :2])
    rb = jnp.maximum(b1[:, None, 2:], b2[None, :, 2:])
    wh = jnp.clip(rb - lt, 0.0, None)
    area = wh[..., 0] * wh[..., 1]
    return iou - (area - union) / area

def get_in_boxes_info(boxes, target_gts):
    xy = box_cxcywh_to_xyxy(target_gts)
    acx = boxes[:, 0:1]
    acy = boxes[:, 1:2]
    b_l = acx > xy[:, 0][None, :]
    b_r = acx < xy[:, 2][None, :]
    b_t = acy > xy[:, 1][None, :]
    b_b = acy < xy[:, 3][None, :]
    is_in_boxes = b_l & b_r & b_t & b_b
    is_in_boxes_all = is_in_boxes.sum(1) > 0
    cr = 2.5
    w = xy[:, 2] - xy[:, 0]
    h = xy[:, 3] - xy[:, 1]
    b_l = acx > (target_gts[:, 0] - cr * w)[None, :]
    b_r = acx < (target_gts[:, 0] + cr * w)[None, :]
    b_t = acy > (target_gts[:, 1] - cr * h)[None, :]
    b_b = acy < (target_gts[:, 1] + cr * h)[None, :]
    is_in_centers = b_l & b_r & b_t & b_b
    is_in_centers_all = is_in_centers.sum(1) > 0
    return is_in_boxes_all | is_in_centers_all, is_in_boxes & is_in_centers

def dynamic_k_matching(cost, ious, num_gt):
    Q = cost.shape[0]
    topk_ious = jnp.sort(ious, axis=0)[-OTA_K:, :]
    s = topk_ious[0]
    c = jnp.zeros_like(s)
    for i in range(1, OTA_K):
        x = topk_ious[i]
        t = s + x
        bp = t - s
        e = (s - (t - bp)) + (x - bp)
        c = c + e
        s = t
    base_floor = jnp.floor(s)
    frac = (s - base_floor) + c
    dynamic_ks = jnp.maximum((base_floor + jnp.floor(frac)).astype(jnp.int32), 1)
    order = jnp.argsort(cost, axis=0)
    ranks = jnp.argsort(order, axis=0)
    matching = (ranks < dynamic_ks[None, :]).astype(jnp.float32)
    amg = matching.sum(1)
    amg_multi = amg > 1
    row_argmin = jnp.argmin(cost, axis=1)
    onehot_rows = (jnp.arange(num_gt)[None, :] == row_argmin[:, None]).astype(jnp.float32)
    matching = jnp.where(amg_multi[:, None], onehot_rows, matching)
    row_ids = jnp.arange(Q)[:, None]

    def cond_fn(carry):
        it, m, p = carry
        return jnp.any(m.sum(0) == 0) & (it < 50)

    def body_fn(carry):
        it, m, p = carry
        it = it + 1
        matched_q = m.sum(1) > 0
        p = p + matched_q.astype(jnp.int32)
        unmatch = m.sum(0) == 0
        pm = jnp.min(p)
        eff = jnp.where((p == pm)[:, None], cost, jnp.inf)
        pos = jnp.argmin(eff, axis=0)
        assign = row_ids == pos[None, :]
        m = jnp.where(unmatch[None, :] & assign, 1.0, m)
        cond2 = jnp.any(m.sum(1) > 1)
        dedup = jnp.where(amg_multi[:, None], onehot_rows, m)
        m = jnp.where(cond2, dedup, m)
        return (it, m, p)

    it0 = jnp.asarray(0, dtype=jnp.int32)
    p0 = jnp.zeros((Q,), dtype=jnp.int32)
    _, matching, _ = jax.lax.while_loop(cond_fn, body_fn, (it0, matching, p0))
    return matching

def compute_cost(bz_prob, bz_pred_boxes, bz_tgt_boxes, img, ids):
    bz_boxes = box_cxcywh_to_xyxy(bz_pred_boxes) * img
    gt_xyxy = box_cxcywh_to_xyxy(bz_tgt_boxes) * img
    fg_mask, in_bc = get_in_boxes_info(box_xyxy_to_cxcywh(bz_boxes), box_xyxy_to_cxcywh(gt_xyxy))
    neg = (1.0 - ALPHA) * bz_prob ** GAMMA * (-jnp.log(1.0 - bz_prob + 1e-8))
    pos = ALPHA * (1.0 - bz_prob) ** GAMMA * (-jnp.log(bz_prob + 1e-8))
    cost_class = pos[:, ids] - neg[:, ids]
    out_n = bz_boxes / img
    tgt_n = gt_xyxy / img
    cost_bbox = jnp.sum(jnp.abs(out_n[:, None, :] - tgt_n[None, :, :]), axis=-1)
    cost_giou = -generalized_box_iou(bz_boxes, gt_xyxy)
    cost = COST_BBOX * cost_bbox + COST_CLASS * cost_class + COST_GIOU * cost_giou + 100.0 * (~in_bc).astype(jnp.float32)
    cost = jnp.where(fg_mask[:, None], cost, cost + 10000.0)
    return cost, bz_boxes, gt_xyxy

def setup_inputs(seed: int = 0):
    key = jax.random.key(seed)
    k1, k2, k3, k4 = jax.random.split(key, 4)
    bs, Q, G, C = 2, 20000, 100, 80
    return {
        'pred_logits': jax.random.normal(k1, (bs, Q, C), dtype=jnp.float32),
        'pred_boxes': jax.random.uniform(k2, (bs, Q, 4), dtype=jnp.float32),
        'tgt_boxes': jax.random.uniform(k3, (bs, G, 4), dtype=jnp.float32),
        'image_size_xyxy': jnp.ones((bs, 4), dtype=jnp.float32),
        'tgt_labels': jax.random.randint(k4, (bs, G), 0, C, dtype=jnp.int32),
    }

def reference(pred_logits, pred_boxes, tgt_boxes, image_size_xyxy, tgt_labels):
    bs = pred_logits.shape[0]
    out_prob = jax.nn.sigmoid(pred_logits)
    mats = []
    for b in range(bs):
        cost, bz_boxes, gt_xyxy = compute_cost(out_prob[b], pred_boxes[b], tgt_boxes[b], image_size_xyxy[b], tgt_labels[b])
        ious, _ = box_iou(bz_boxes, gt_xyxy)
        matching = dynamic_k_matching(cost, ious, gt_xyxy.shape[0])
        mats.append(jnp.asarray(matching, dtype=jnp.float32))
    return jnp.stack(mats)

if __name__ == "__main__":
    import jax
    _d = setup_inputs()
    print(jax.jit(kernel)(*tuple(_d.values())))

</pallas_src>

<mosaic_0001>
#map = affine_map<(d0, d1) -> (0)>
#map1 = affine_map<(d0, d1) -> (0, 0, 0)>
module attributes {stable_mosaic.version = 14 : i64} {
  func.func @new_body(%arg0: i32, %arg1: i32, %arg2: memref<5120000xf32, #tpu.memory_space<hbm>>, %arg3: memref<2x1x100xf32, #tpu.memory_space<hbm>>, %arg4: memref<2x1x100xi32, #tpu.memory_space<hbm>>, %arg5: memref<5120000xf32, #tpu.memory_space<hbm>>, %arg6: memref<100xf32, #tpu.memory_space<vmem>>, %arg7: memref<100xi32, #tpu.memory_space<vmem>>, %arg8: memref<112xi32, #tpu.memory_space<vmem>>, %arg9: memref<112xf32, #tpu.memory_space<vmem>>, %arg10: memref<!tpu.dma_semaphore, #tpu.memory_space<semaphore_mem>>) attributes {dimension_semantics = [#tpu.dimension_semantics<core_parallel>, #tpu.dimension_semantics<subcore_parallel>], iteration_bounds = array<i64: 2, 16>, scalar_prefetch = 0 : i64, scratch_operands = 5 : i64, tpu.core_type = #tpu.core_type<sc_vector_subcore>, window_params = [{transform_indices = #map}, {transform_indices = #map1}, {transform_indices = #map1}, {transform_indices = #map}]} {
    %mul3A = arith.constant 16 : i32
    %mul3A_0 = arith.muli %arg0, %mul3A : i32
    %add3A = arith.addi %mul3A_0, %arg1 : i32
    %eq3A = arith.constant 0 : i32
    %eq3A_1 = arith.cmpi eq, %add3A, %eq3A : i32
    %convert_element_type3A = arith.extui %eq3A_1 : i1 to i32
    %cond3A = arith.constant 0 : i32
    %cond3A_2 = arith.cmpi ne, %convert_element_type3A, %cond3A : i32
    scf.if %cond3A_2 {
      %run_scoped3A = arith.constant 0 : i32
      %run_scoped3A_3 = arith.constant 0 : i32
      "tpu.region"() ({
        %run_scoped3A_456 = tpu.sem_alloc : memref<!tpu.dma_semaphore, #tpu.memory_space<semaphore_mem>>
        %dma_start3A_457 = arith.constant 0 : i32
        %dma_start3A_458 = tpu.memref_slice %arg3[%run_scoped3A, %run_scoped3A_3, %dma_start3A_457] : memref<2x1x100xf32, #tpu.memory_space<hbm>> -> memref<1x1x100xf32, #tpu.memory_space<hbm>>
        %dma_start3A_459 = tpu.memref_squeeze %dma_start3A_458 : memref<1x1x100xf32, #tpu.memory_space<hbm>> -> memref<100xf32, #tpu.memory_space<hbm>>
        %dma_start3A_460 = arith.constant 0 : i32
        %dma_start3A_461 = tpu.memref_slice %arg3[%run_scoped3A, %run_scoped3A_3, %dma_start3A_460] : memref<2x1x100xf32, #tpu.memory_space<hbm>> -> memref<1x1x100xf32, #tpu.memory_space<hbm>>
        %dma_start3A_462 = tpu.memref_squeeze %dma_start3A_461 : memref<1x1x100xf32, #tpu.memory_space<hbm>> -> memref<100xf32, #tpu.memory_space<hbm>>
        tpu.enqueue_dma source(%dma_start3A_462 : memref<100xf32, #tpu.memory_space<hbm>>) target(%arg6 : memref<100xf32, #tpu.memory_space<vmem>>) target_semaphore(%run_scoped3A_456 : memref<!tpu.dma_semaphore, #tpu.memory_space<semaphore_mem>>)
        %dma_wait3A_463 = arith.constant 0 : i32
        %dma_wait3A_464 = tpu.memref_slice %arg3[%run_scoped3A, %run_scoped3A_3, %dma_wait3A_463] : memref<2x1x100xf32, #tpu.memory_space<hbm>> -> memref<1x1x100xf32, #tpu.memory_space<hbm>>
        %dma_wait3A_465 = tpu.memref_squeeze %dma_wait3A_464 : memref<1x1x100xf32, #tpu.memory_space<hbm>> -> memref<100xf32, #tpu.memory_space<hbm>>
        %dma_wait3A_466 = arith.constant 0 : i32
        %dma_wait3A_467 = tpu.memref_slice %arg3[%run_scoped3A, %run_scoped3A_3, %dma_wait3A_466] : memref<2x1x100xf32, #tpu.memory_space<hbm>> -> memref<1x1x100xf32, #tpu.memory_space<hbm>>
        %dma_wait3A_468 = tpu.memref_squeeze %dma_wait3A_467 : memref<1x1x100xf32, #tpu.memory_space<hbm>> -> memref<100xf32, #tpu.memory_space<hbm>>
        tpu.wait_dma2 semaphore(%run_scoped3A_456 : memref<!tpu.dma_semaphore, #tpu.memory_space<semaphore_mem>>) src(%dma_wait3A_468 : memref<100xf32, #tpu.memory_space<hbm>>) dst(%arg6 : memref<100xf32, #tpu.memory_space<vmem>>)
        tpu.yield
      }) : () -> ()
      %run_scoped3A_4 = arith.constant 0 : i32
      %run_scoped3A_5 = arith.constant 0 : i32
      "tpu.region"() ({
        %run_scoped3A_456 = tpu.sem_alloc : memref<!tpu.dma_semaphore, #tpu.memory_space<semaphore_mem>>
        %dma_start3A_457 = arith.constant 0 : i32
        %dma_start3A_458 = tpu.memref_slice %arg4[%run_scoped3A_4, %run_scoped3A_5, %dma_start3A_457] : memref<2x1x100xi32, #tpu.memory_space<hbm>> -> memref<1x1x100xi32, #tpu.memory_space<hbm>>
        %dma_start3A_459 = tpu.memref_squeeze %dma_start3A_458 : memref<1x1x100xi32, #tpu.memory_space<hbm>> -> memref<100xi32, #tpu.memory_space<hbm>>
        %dma_start3A_460 = arith.constant 0 : i32
        %dma_start3A_461 = tpu.memref_slice %arg4[%run_scoped3A_4, %run_scoped3A_5, %dma_start3A_460] : memref<2x1x100xi32, #tpu.memory_space<hbm>> -> memref<1x1x100xi32, #tpu.memory_space<hbm>>
        %dma_start3A_462 = tpu.memref_squeeze %dma_start3A_461 : memref<1x1x100xi32, #tpu.memory_space<hbm>> -> memref<100xi32, #tpu.memory_space<hbm>>
        tpu.enqueue_dma source(%dma_start3A_462 : memref<100xi32, #tpu.memory_space<hbm>>) target(%arg7 : memref<100xi32, #tpu.memory_space<vmem>>) target_semaphore(%run_scoped3A_456 : memref<!tpu.dma_semaphore, #tpu.memory_space<semaphore_mem>>)
        %dma_wait3A_463 = arith.constant 0 : i32
        %dma_wait3A_464 = tpu.memref_slice %arg4[%run_scoped3A_4, %run_scoped3A_5, %dma_wait3A_463] : memref<2x1x100xi32, #tpu.memory_space<hbm>> -> memref<1x1x100xi32, #tpu.memory_space<hbm>>
        %dma_wait3A_465 = tpu.memref_squeeze %dma_wait3A_464 : memref<1x1x100xi32, #tpu.memory_space<hbm>> -> memref<100xi32, #tpu.memory_space<hbm>>
        %dma_wait3A_466 = arith.constant 0 : i32
        %dma_wait3A_467 = tpu.memref_slice %arg4[%run_scoped3A_4, %run_scoped3A_5, %dma_wait3A_466] : memref<2x1x100xi32, #tpu.memory_space<hbm>> -> memref<1x1x100xi32, #tpu.memory_space<hbm>>
        %dma_wait3A_468 = tpu.memref_squeeze %dma_wait3A_467 : memref<1x1x100xi32, #tpu.memory_space<hbm>> -> memref<100xi32, #tpu.memory_space<hbm>>
        tpu.wait_dma2 semaphore(%run_scoped3A_456 : memref<!tpu.dma_semaphore, #tpu.memory_space<semaphore_mem>>) src(%dma_wait3A_468 : memref<100xi32, #tpu.memory_space<hbm>>) dst(%arg7 : memref<100xi32, #tpu.memory_space<vmem>>)
        tpu.yield
      }) : () -> ()
      %iota3A = tpu.iota {dimensions = array<i32: 0>} : vector<16xi32>
      %add3A_6 = arith.constant 0 : i32
      %add3A_7 = vector.broadcast %add3A_6 : i32 to vector<16xi32>
      %add3A_8 = arith.addi %iota3A, %add3A_7 : vector<16xi32>
      %lt3A = arith.constant 100 : i32
      %lt3A_9 = vector.broadcast %lt3A : i32 to vector<16xi32>
      %lt3A_10 = arith.cmpi slt, %add3A_8, %lt3A_9 : vector<16xi32>
      %sub3A = arith.constant 16 : i32
      %sub3A_11 = vector.broadcast %sub3A : i32 to vector<16xi32>
      %sub3A_12 = arith.subi %add3A_8, %sub3A_11 : vector<16xi32>
      %select_n3A = arith.select %lt3A_10, %add3A_8, %sub3A_12 : vector<16xi1>, vector<16xi32>
      %gather3A = tpu.vector_load_idx %arg7[%select_n3A] : memref<100xi32, #tpu.memory_space<vmem>>[vector<16xi32>], vector<16xi32>,
      %gather3A_13 = tpu.vector_load_idx %arg6[%select_n3A] : memref<100xf32, #tpu.memory_space<vmem>>[vector<16xi32>], vector<16xf32>,
      %add3A_14 = arith.constant 0 : i32
      %add3A_15 = vector.broadcast %add3A_14 : i32 to vector<16xi32>
      %add3A_16 = arith.addi %add3A_15, %gather3A : vector<16xi32>
      %mul3A_17 = arith.constant 128 : i32
      %mul3A_18 = vector.broadcast %mul3A_17 : i32 to vector<16xi32>
      %mul3A_19 = arith.muli %add3A_16, %mul3A_18 : vector<16xi32>
      %add3A_20 = arith.addi %mul3A_19, %select_n3A : vector<16xi32>
      %swap3A = arith.constant 0 : index
      %swap3A_21 = tpu.vector_load %arg8[%swap3A] {strides = array<i32>} : memref<112xi32, #tpu.memory_space<vmem>>, vector<16xi32>,
      tpu.vector_store %arg8[%swap3A], %add3A_20 {strides = array<i32>} : memref<112xi32, #tpu.memory_space<vmem>>, vector<16xi32>,
      %eq3A_22 = arith.constant 0.000000e+00 : f32
      %eq3A_23 = vector.broadcast %eq3A_22 : f32 to vector<16xf32>
      %eq3A_24 = arith.cmpf oeq, %gather3A_13, %eq3A_23 : vector<16xf32>
      %jit3A = arith.constant 1.000000e+00 : f32
      %jit3A_25 = arith.constant 0.000000e+00 : f32
      %broadcast_in_dim3A = vector.broadcast %jit3A : f32 to vector<16xf32>
      %broadcast_in_dim3A_26 = vector.broadcast %jit3A_25 : f32 to vector<16xf32>
      %select_n3A_27 = arith.select %eq3A_24, %broadcast_in_dim3A, %broadcast_in_dim3A_26 : vector<16xi1>, vector<16xf32>
      %swap3A_28 = arith.constant 0 : index
      %swap3A_29 = tpu.vector_load %arg9[%swap3A_28] {strides = array<i32>} : memref<112xf32, #tpu.memory_space<vmem>>, vector<16xf32>,
      tpu.vector_store %arg9[%swap3A_28], %select_n3A_27 {strides = array<i32>} : memref<112xf32, #tpu.memory_space<vmem>>, vector<16xf32>,
      %iota3A_30 = tpu.iota {dimensions = array<i32: 0>} : vector<16xi32>
      %add3A_31 = arith.constant 16 : i32
      %add3A_32 = vector.broadcast %add3A_31 : i32 to vector<16xi32>
      %add3A_33 = arith.addi %iota3A_30, %add3A_32 : vector<16xi32>
      %lt3A_34 = arith.constant 100 : i32
      %lt3A_35 = vector.broadcast %lt3A_34 : i32 to vector<16xi32>
      %lt3A_36 = arith.cmpi slt, %add3A_33, %lt3A_35 : vector<16xi32>
      %sub3A_37 = arith.constant 16 : i32
      %sub3A_38 = vector.broadcast %sub3A_37 : i32 to vector<16xi32>
      %sub3A_39 = arith.subi %add3A_33, %sub3A_38 : vector<16xi32>
      %select_n3A_40 = arith.select %lt3A_36, %add3A_33, %sub3A_39 : vector<16xi1>, vector<16xi32>
      %gather3A_41 = tpu.vector_load_idx %arg7[%select_n3A_40] : memref<100xi32, #tpu.memory_space<vmem>>[vector<16xi32>], vector<16xi32>,
      %gather3A_42 = tpu.vector_load_idx %arg6[%select_n3A_40] : memref<100xf32, #tpu.memory_space<vmem>>[vector<16xi32>], vector<16xf32>,
      %add3A_43 = arith.constant 0 : i32
      %add3A_44 = vector.broadcast %add3A_43 : i32 to vector<16xi32>
      %add3A_45 = arith.addi %add3A_44, %gather3A_41 : vector<16xi32>
      %mul3A_46 = arith.constant 128 : i32
      %mul3A_47 = vector.broadcast %mul3A_46 : i32 to vector<16xi32>
      %mul3A_48 = arith.muli %add3A_45, %mul3A_47 : vector<16xi32>
      %add3A_49 = arith.addi %mul3A_48, %select_n3A_40 : vector<16xi32>
      %swap3A_50 = arith.constant 16 : index
      %swap3A_51 = tpu.vector_load %arg8[%swap3A_50] {strides = array<i32>} : memref<112xi32, #tpu.memory_space<vmem>>, vector<16xi32>,
      tpu.vector_store %arg8[%swap3A_50], %add3A_49 {strides = array<i32>} : memref<112xi32, #tpu.memory_space<vmem>>, vector<16xi32>,
      %eq3A_52 = arith.constant 0.000000e+00 : f32
      %eq3A_53 = vector.broadcast %eq3A_52 : f32 to vector<16xf32>
      %eq3A_54 = arith.cmpf oeq, %gather3A_42, %eq3A_53 : vector<16xf32>
      %jit3A_55 = arith.constant 1.000000e+00 : f32
      %jit3A_56 = arith.constant 0.000000e+00 : f32
      %broadcast_in_dim3A_57 = vector.broadcast %jit3A_55 : f32 to vector<16xf32>
      %broadcast_in_dim3A_58 = vector.broadcast %jit3A_56 : f32 to vector<16xf32>
      %select_n3A_59 = arith.select %eq3A_54, %broadcast_in_dim3A_57, %broadcast_in_dim3A_58 : vector<16xi1>, vector<16xf32>
      %swap3A_60 = arith.constant 16 : index
      %swap3A_61 = tpu.vector_load %arg9[%swap3A_60] {strides = array<i32>} : memref<112xf32, #tpu.memory_space<vmem>>, vector<16xf32>,
      tpu.vector_store %arg9[%swap3A_60], %select_n3A_59 {strides = array<i32>} : memref<112xf32, #tpu.memory_space<vmem>>, vector<16xf32>,
      %iota3A_62 = tpu.iota {dimensions = array<i32: 0>} : vector<16xi32>
      %add3A_63 = arith.constant 32 : i32
      %add3A_64 = vector.broadcast %add3A_63 : i32 to vector<16xi32>
      %add3A_65 = arith.addi %iota3A_62, %add3A_64 : vector<16xi32>
      %lt3A_66 = arith.constant 100 : i32
      %lt3A_67 = vector.broadcast %lt3A_66 : i32 to vector<16xi32>
      %lt3A_68 = arith.cmpi slt, %add3A_65, %lt3A_67 : vector<16xi32>
      %sub3A_69 = arith.constant 16 : i32
      %sub3A_70 = vector.broadcast %sub3A_69 : i32 to vector<16xi32>
      %sub3A_71 = arith.subi %add3A_65, %sub3A_70 : vector<16xi32>
      %select_n3A_72 = arith.select %lt3A_68, %add3A_65, %sub3A_71 : vector<16xi1>, vector<16xi32>
      %gather3A_73 = tpu.vector_load_idx %arg7[%select_n3A_72] : memref<100xi32, #tpu.memory_space<vmem>>[vector<16xi32>], vector<16xi32>,
      %gather3A_74 = tpu.vector_load_idx %arg6[%select_n3A_72] : memref<100xf32, #tpu.memory_space<vmem>>[vector<16xi32>], vector<16xf32>,
      %add3A_75 = arith.constant 0 : i32
      %add3A_76 = vector.broadcast %add3A_75 : i32 to vector<16xi32>
      %add3A_77 = arith.addi %add3A_76, %gather3A_73 : vector<16xi32>
      %mul3A_78 = arith.constant 128 : i32
      %mul3A_79 = vector.broadcast %mul3A_78 : i32 to vector<16xi32>
      %mul3A_80 = arith.muli %add3A_77, %mul3A_79 : vector<16xi32>
      %add3A_81 = arith.addi %mul3A_80, %select_n3A_72 : vector<16xi32>
      %swap3A_82 = arith.constant 32 : index
      %swap3A_83 = tpu.vector_load %arg8[%swap3A_82] {strides = array<i32>} : memref<112xi32, #tpu.memory_space<vmem>>, vector<16xi32>,
      tpu.vector_store %arg8[%swap3A_82], %add3A_81 {strides = array<i32>} : memref<112xi32, #tpu.memory_space<vmem>>, vector<16xi32>,
      %eq3A_84 = arith.constant 0.000000e+00 : f32
      %eq3A_85 = vector.broadcast %eq3A_84 : f32 to vector<16xf32>
      %eq3A_86 = arith.cmpf oeq, %gather3A_74, %eq3A_85 : vector<16xf32>
      %jit3A_87 = arith.constant 1.000000e+00 : f32
      %jit3A_88 = arith.constant 0.000000e+00 : f32
      %broadcast_in_dim3A_89 = vector.broadcast %jit3A_87 : f32 to vector<16xf32>
      %broadcast_in_dim3A_90 = vector.broadcast %jit3A_88 : f32 to vector<16xf32>
      %select_n3A_91 = arith.select %eq3A_86, %broadcast_in_dim3A_89, %broadcast_in_dim3A_90 : vector<16xi1>, vector<16xf32>
      %swap3A_92 = arith.constant 32 : index
      %swap3A_93 = tpu.vector_load %arg9[%swap3A_92] {strides = array<i32>} : memref<112xf32, #tpu.memory_space<vmem>>, vector<16xf32>,
      tpu.vector_store %arg9[%swap3A_92], %select_n3A_91 {strides = array<i32>} : memref<112xf32, #tpu.memory_space<vmem>>, vector<16xf32>,
      %iota3A_94 = tpu.iota {dimensions = array<i32: 0>} : vector<16xi32>
      %add3A_95 = arith.constant 48 : i32
      %add3A_96 = vector.broadcast %add3A_95 : i32 to vector<16xi32>
      %add3A_97 = arith.addi %iota3A_94, %add3A_96 : vector<16xi32>
      %lt3A_98 = arith.constant 100 : i32
      %lt3A_99 = vector.broadcast %lt3A_98 : i32 to vector<16xi32>
      %lt3A_100 = arith.cmpi slt, %add3A_97, %lt3A_99 : vector<16xi32>
      %sub3A_101 = arith.constant 16 : i32
      %sub3A_102 = vector.broadcast %sub3A_101 : i32 to vector<16xi32>
      %sub3A_103 = arith.subi %add3A_97, %sub3A_102 : vector<16xi32>
      %select_n3A_104 = arith.select %lt3A_100, %add3A_97, %sub3A_103 : vector<16xi1>, vector<16xi32>
      %gather3A_105 = tpu.vector_load_idx %arg7[%select_n3A_104] : memref<100xi32, #tpu.memory_space<vmem>>[vector<16xi32>], vector<16xi32>,
      %gather3A_106 = tpu.vector_load_idx %arg6[%select_n3A_104] : memref<100xf32, #tpu.memory_space<vmem>>[vector<16xi32>], vector<16xf32>,
      %add3A_107 = arith.constant 0 : i32
      %add3A_108 = vector.broadcast %add3A_107 : i32 to vector<16xi32>
      %add3A_109 = arith.addi %add3A_108, %gather3A_105 : vector<16xi32>
      %mul3A_110 = arith.constant 128 : i32
      %mul3A_111 = vector.broadcast %mul3A_110 : i32 to vector<16xi32>
      %mul3A_112 = arith.muli %add3A_109, %mul3A_111 : vector<16xi32>
      %add3A_113 = arith.addi %mul3A_112, %select_n3A_104 : vector<16xi32>
      %swap3A_114 = arith.constant 48 : index
      %swap3A_115 = tpu.vector_load %arg8[%swap3A_114] {strides = array<i32>} : memref<112xi32, #tpu.memory_space<vmem>>, vector<16xi32>,
      tpu.vector_store %arg8[%swap3A_114], %add3A_113 {strides = array<i32>} : memref<112xi32, #tpu.memory_space<vmem>>, vector<16xi32>,
      %eq3A_116 = arith.constant 0.000000e+00 : f32
      %eq3A_117 = vector.broadcast %eq3A_116 : f32 to vector<16xf32>
      %eq3A_118 = arith.cmpf oeq, %gather3A_106, %eq3A_117 : vector<16xf32>
      %jit3A_119 = arith.constant 1.000000e+00 : f32
      %jit3A_120 = arith.constant 0.000000e+00 : f32
      %broadcast_in_dim3A_121 = vector.broadcast %jit3A_119 : f32 to vector<16xf32>
      %broadcast_in_dim3A_122 = vector.broadcast %jit3A_120 : f32 to vector<16xf32>
      %select_n3A_123 = arith.select %eq3A_118, %broadcast_in_dim3A_121, %broadcast_in_dim3A_122 : vector<16xi1>, vector<16xf32>
      %swap3A_124 = arith.constant 48 : index
      %swap3A_125 = tpu.vector_load %arg9[%swap3A_124] {strides = array<i32>} : memref<112xf32, #tpu.memory_space<vmem>>, vector<16xf32>,
      tpu.vector_store %arg9[%swap3A_124], %select_n3A_123 {strides = array<i32>} : memref<112xf32, #tpu.memory_space<vmem>>, vector<16xf32>,
      %iota3A_126 = tpu.iota {dimensions = array<i32: 0>} : vector<16xi32>
      %add3A_127 = arith.constant 64 : i32
      %add3A_128 = vector.broadcast %add3A_127 : i32 to vector<16xi32>
      %add3A_129 = arith.addi %iota3A_126, %add3A_128 : vector<16xi32>
      %lt3A_130 = arith.constant 100 : i32
      %lt3A_131 = vector.broadcast %lt3A_130 : i32 to vector<16xi32>
      %lt3A_132 = arith.cmpi slt, %add3A_129, %lt3A_131 : vector<16xi32>
      %sub3A_133 = arith.constant 16 : i32
      %sub3A_134 = vector.broadcast %sub3A_133 : i32 to vector<16xi32>
      %sub3A_135 = arith.subi %add3A_129, %sub3A_134 : vector<16xi32>
      %select_n3A_136 = arith.select %lt3A_132, %add3A_129, %sub3A_135 : vector<16xi1>, vector<16xi32>
      %gather3A_137 = tpu.vector_load_idx %arg7[%select_n3A_136] : memref<100xi32, #tpu.memory_space<vmem>>[vector<16xi32>], vector<16xi32>,
      %gather3A_138 = tpu.vector_load_idx %arg6[%select_n3A_136] : memref<100xf32, #tpu.memory_space<vmem>>[vector<16xi32>], vector<16xf32>,
      %add3A_139 = arith.constant 0 : i32
      %add3A_140 = vector.broadcast %add3A_139 : i32 to vector<16xi32>
      %add3A_141 = arith.addi %add3A_140, %gather3A_137 : vector<16xi32>
      %mul3A_142 = arith.constant 128 : i32
      %mul3A_143 = vector.broadcast %mul3A_142 : i32 to vector<16xi32>
      %mul3A_144 = arith.muli %add3A_141, %mul3A_143 : vector<16xi32>
      %add3A_145 = arith.addi %mul3A_144, %select_n3A_136 : vector<16xi32>
      %swap3A_146 = arith.constant 64 : index
      %swap3A_147 = tpu.vector_load %arg8[%swap3A_146] {strides = array<i32>} : memref<112xi32, #tpu.memory_space<vmem>>, vector<16xi32>,
      tpu.vector_store %arg8[%swap3A_146], %add3A_145 {strides = array<i32>} : memref<112xi32, #tpu.memory_space<vmem>>, vector<16xi32>,
      %eq3A_148 = arith.constant 0.000000e+00 : f32
      %eq3A_149 = vector.broadcast %eq3A_148 : f32 to vector<16xf32>
      %eq3A_150 = arith.cmpf oeq, %gather3A_138, %eq3A_149 : vector<16xf32>
      %jit3A_151 = arith.constant 1.000000e+00 : f32
      %jit3A_152 = arith.constant 0.000000e+00 : f32
      %broadcast_in_dim3A_153 = vector.broadcast %jit3A_151 : f32 to vector<16xf32>
      %broadcast_in_dim3A_154 = vector.broadcast %jit3A_152 : f32 to vector<16xf32>
      %select_n3A_155 = arith.select %eq3A_150, %broadcast_in_dim3A_153, %broadcast_in_dim3A_154 : vector<16xi1>, vector<16xf32>
      %swap3A_156 = arith.constant 64 : index
      %swap3A_157 = tpu.vector_load %arg9[%swap3A_156] {strides = array<i32>} : memref<112xf32, #tpu.memory_space<vmem>>, vector<16xf32>,
      tpu.vector_store %arg9[%swap3A_156], %select_n3A_155 {strides = array<i32>} : memref<112xf32, #tpu.memory_space<vmem>>, vector<16xf32>,
      %iota3A_158 = tpu.iota {dimensions = array<i32: 0>} : vector<16xi32>
      %add3A_159 = arith.constant 80 : i32
      %add3A_160 = vector.broadcast %add3A_159 : i32 to vector<16xi32>
      %add3A_161 = arith.addi %iota3A_158, %add3A_160 : vector<16xi32>
      %lt3A_162 = arith.constant 100 : i32
      %lt3A_163 = vector.broadcast %lt3A_162 : i32 to vector<16xi32>
      %lt3A_164 = arith.cmpi slt, %add3A_161, %lt3A_163 : vector<16xi32>
      %sub3A_165 = arith.constant 16 : i32
      %sub3A_166 = vector.broadcast %sub3A_165 : i32 to vector<16xi32>
      %sub3A_167 = arith.subi %add3A_161, %sub3A_166 : vector<16xi32>
      %select_n3A_168 = arith.select %lt3A_164, %add3A_161, %sub3A_167 : vector<16xi1>, vector<16xi32>
      %gather3A_169 = tpu.vector_load_idx %arg7[%select_n3A_168] : memref<100xi32, #tpu.memory_space<vmem>>[vector<16xi32>], vector<16xi32>,
      %gather3A_170 = tpu.vector_load_idx %arg6[%select_n3A_168] : memref<100xf32, #tpu.memory_space<vmem>>[vector<16xi32>], vector<16xf32>,
      %add3A_171 = arith.constant 0 : i32
      %add3A_172 = vector.broadcast %add3A_171 : i32 to vector<16xi32>
      %add3A_173 = arith.addi %add3A_172, %gather3A_169 : vector<16xi32>
      %mul3A_174 = arith.constant 128 : i32
      %mul3A_175 = vector.broadcast %mul3A_174 : i32 to vector<16xi32>
      %mul3A_176 = arith.muli %add3A_173, %mul3A_175 : vector<16xi32>
      %add3A_177 = arith.addi %mul3A_176, %select_n3A_168 : vector<16xi32>
      %swap3A_178 = arith.constant 80 : index
      %swap3A_179 = tpu.vector_load %arg8[%swap3A_178] {strides = array<i32>} : memref<112xi32, #tpu.memory_space<vmem>>, vector<16xi32>,
      tpu.vector_store %arg8[%swap3A_178], %add3A_177 {strides = array<i32>} : memref<112xi32, #tpu.memory_space<vmem>>, vector<16xi32>,
      %eq3A_180 = arith.constant 0.000000e+00 : f32
      %eq3A_181 = vector.broadcast %eq3A_180 : f32 to vector<16xf32>
      %eq3A_182 = arith.cmpf oeq, %gather3A_170, %eq3A_181 : vector<16xf32>
      %jit3A_183 = arith.constant 1.000000e+00 : f32
      %jit3A_184 = arith.constant 0.000000e+00 : f32
      %broadcast_in_dim3A_185 = vector.broadcast %jit3A_183 : f32 to vector<16xf32>
      %broadcast_in_dim3A_186 = vector.broadcast %jit3A_184 : f32 to vector<16xf32>
      %select_n3A_187 = arith.select %eq3A_182, %broadcast_in_dim3A_185, %broadcast_in_dim3A_186 : vector<16xi1>, vector<16xf32>
      %swap3A_188 = arith.constant 80 : index
      %swap3A_189 = tpu.vector_load %arg9[%swap3A_188] {strides = array<i32>} : memref<112xf32, #tpu.memory_space<vmem>>, vector<16xf32>,
      tpu.vector_store %arg9[%swap3A_188], %select_n3A_187 {strides = array<i32>} : memref<112xf32, #tpu.memory_space<vmem>>, vector<16xf32>,
      %iota3A_190 = tpu.iota {dimensions = array<i32: 0>} : vector<16xi32>
      %add3A_191 = arith.constant 96 : i32
      %add3A_192 = vector.broadcast %add3A_191 : i32 to vector<16xi32>
      %add3A_193 = arith.addi %iota3A_190, %add3A_192 : vector<16xi32>
      %lt3A_194 = arith.constant 100 : i32
      %lt3A_195 = vector.broadcast %lt3A_194 : i32 to vector<16xi32>
      %lt3A_196 = arith.cmpi slt, %add3A_193, %lt3A_195 : vector<16xi32>
      %sub3A_197 = arith.constant 16 : i32
      %sub3A_198 = vector.broadcast %sub3A_197 : i32 to vector<16xi32>
      %sub3A_199 = arith.subi %add3A_193, %sub3A_198 : vector<16xi32>
      %select_n3A_200 = arith.select %lt3A_196, %add3A_193, %sub3A_199 : vector<16xi1>, vector<16xi32>
      %gather3A_201 = tpu.vector_load_idx %arg7[%select_n3A_200] : memref<100xi32, #tpu.memory_space<vmem>>[vector<16xi32>], vector<16xi32>,
      %gather3A_202 = tpu.vector_load_idx %arg6[%select_n3A_200] : memref<100xf32, #tpu.memory_space<vmem>>[vector<16xi32>], vector<16xf32>,
      %add3A_203 = arith.constant 0 : i32
      %add3A_204 = vector.broadcast %add3A_203 : i32 to vector<16xi32>
      %add3A_205 = arith.addi %add3A_204, %gather3A_201 : vector<16xi32>
      %mul3A_206 = arith.constant 128 : i32
      %mul3A_207 = vector.broadcast %mul3A_206 : i32 to vector<16xi32>
      %mul3A_208 = arith.muli %add3A_205, %mul3A_207 : vector<16xi32>
      %add3A_209 = arith.addi %mul3A_208, %select_n3A_200 : vector<16xi32>
      %swap3A_210 = arith.constant 96 : index
      %swap3A_211 = tpu.vector_load %arg8[%swap3A_210] {strides = array<i32>} : memref<112xi32, #tpu.memory_space<vmem>>, vector<16xi32>,
      tpu.vector_store %arg8[%swap3A_210], %add3A_209 {strides = array<i32>} : memref<112xi32, #tpu.memory_space<vmem>>, vector<16xi32>,
      %eq3A_212 = arith.constant 0.000000e+00 : f32
      %eq3A_213 = vector.broadcast %eq3A_212 : f32 to vector<16xf32>
      %eq3A_214 = arith.cmpf oeq, %gather3A_202, %eq3A_213 : vector<16xf32>
      %jit3A_215 = arith.constant 1.000000e+00 : f32
      %jit3A_216 = arith.constant 0.000000e+00 : f32
      %broadcast_in_dim3A_217 = vector.broadcast %jit3A_215 : f32 to vector<16xf32>
      %broadcast_in_dim3A_218 = vector.broadcast %jit3A_216 : f32 to vector<16xf32>
      %select_n3A_219 = arith.select %eq3A_214, %broadcast_in_dim3A_217, %broadcast_in_dim3A_218 : vector<16xi1>, vector<16xf32>
      %swap3A_220 = arith.constant 96 : index
      %swap3A_221 = tpu.vector_load %arg9[%swap3A_220] {strides = array<i32>} : memref<112xf32, #tpu.memory_space<vmem>>, vector<16xf32>,
      tpu.vector_store %arg9[%swap3A_220], %select_n3A_219 {strides = array<i32>} : memref<112xf32, #tpu.memory_space<vmem>>, vector<16xf32>,
      %dma_start3A = arith.constant 0 : i32
      %dma_start3A_222 = tpu.memref_slice %arg2[%dma_start3A] : memref<5120000xf32, #tpu.memory_space<hbm>> -> memref<5120000xf32, #tpu.memory_space<hbm>>
      tpu.enqueue_indirect_dma source(%arg9 : memref<112xf32, #tpu.memory_space<vmem>>) target(%dma_start3A_222 : memref<5120000xf32, #tpu.memory_space<hbm>>) offsets(%arg8 : memref<112xi32, #tpu.memory_space<vmem>>) semaphore(%arg10 : memref<!tpu.dma_semaphore, #tpu.memory_space<semaphore_mem>>)
      %dma_wait3A = arith.constant 0 : i32
      %dma_wait3A_223 = tpu.memref_slice %arg2[%dma_wait3A] : memref<5120000xf32, #tpu.memory_space<hbm>> -> memref<5120000xf32, #tpu.memory_space<hbm>>
      tpu.wait_indirect_dma semaphore(%arg10 : memref<!tpu.dma_semaphore, #tpu.memory_space<semaphore_mem>>) src(%arg9 : memref<112xf32, #tpu.memory_space<vmem>>) dst(%dma_wait3A_223 : memref<5120000xf32, #tpu.memory_space<hbm>>)
      %run_scoped3A_224 = arith.constant 1 : i32
      %run_scoped3A_225 = arith.constant 0 : i32
      "tpu.region"() ({
        %run_scoped3A_456 = tpu.sem_alloc : memref<!tpu.dma_semaphore, #tpu.memory_space<semaphore_mem>>
        %dma_start3A_457 = arith.constant 0 : i32
        %dma_start3A_458 = tpu.memref_slice %arg3[%run_scoped3A_224, %run_scoped3A_225, %dma_start3A_457] : memref<2x1x100xf32, #tpu.memory_space<hbm>> -> memref<1x1x100xf32, #tpu.memory_space<hbm>>
        %dma_start3A_459 = tpu.memref_squeeze %dma_start3A_458 : memref<1x1x100xf32, #tpu.memory_space<hbm>> -> memref<100xf32, #tpu.memory_space<hbm>>
        %dma_start3A_460 = arith.constant 0 : i32
        %dma_start3A_461 = tpu.memref_slice %arg3[%run_scoped3A_224, %run_scoped3A_225, %dma_start3A_460] : memref<2x1x100xf32, #tpu.memory_space<hbm>> -> memref<1x1x100xf32, #tpu.memory_space<hbm>>
        %dma_start3A_462 = tpu.memref_squeeze %dma_start3A_461 : memref<1x1x100xf32, #tpu.memory_space<hbm>> -> memref<100xf32, #tpu.memory_space<hbm>>
        tpu.enqueue_dma source(%dma_start3A_462 : memref<100xf32, #tpu.memory_space<hbm>>) target(%arg6 : memref<100xf32, #tpu.memory_space<vmem>>) target_semaphore(%run_scoped3A_456 : memref<!tpu.dma_semaphore, #tpu.memory_space<semaphore_mem>>)
        %dma_wait3A_463 = arith.constant 0 : i32
        %dma_wait3A_464 = tpu.memref_slice %arg3[%run_scoped3A_224, %run_scoped3A_225, %dma_wait3A_463] : memref<2x1x100xf32, #tpu.memory_space<hbm>> -> memref<1x1x100xf32, #tpu.memory_space<hbm>>
        %dma_wait3A_465 = tpu.memref_squeeze %dma_wait3A_464 : memref<1x1x100xf32, #tpu.memory_space<hbm>> -> memref<100xf32, #tpu.memory_space<hbm>>
        %dma_wait3A_466 = arith.constant 0 : i32
        %dma_wait3A_467 = tpu.memref_slice %arg3[%run_scoped3A_224, %run_scoped3A_225, %dma_wait3A_466] : memref<2x1x100xf32, #tpu.memory_space<hbm>> -> memref<1x1x100xf32, #tpu.memory_space<hbm>>
        %dma_wait3A_468 = tpu.memref_squeeze %dma_wait3A_467 : memref<1x1x100xf32, #tpu.memory_space<hbm>> -> memref<100xf32, #tpu.memory_space<hbm>>
        tpu.wait_dma2 semaphore(%run_scoped3A_456 : memref<!tpu.dma_semaphore, #tpu.memory_space<semaphore_mem>>) src(%dma_wait3A_468 : memref<100xf32, #tpu.memory_space<hbm>>) dst(%arg6 : memref<100xf32, #tpu.memory_space<vmem>>)
        tpu.yield
      }) : () -> ()
      %run_scoped3A_226 = arith.constant 1 : i32
      %run_scoped3A_227 = arith.constant 0 : i32
      "tpu.region"() ({
        %run_scoped3A_456 = tpu.sem_alloc : memref<!tpu.dma_semaphore, #tpu.memory_space<semaphore_mem>>
        %dma_start3A_457 = arith.constant 0 : i32
        %dma_start3A_458 = tpu.memref_slice %arg4[%run_scoped3A_226, %run_scoped3A_227, %dma_start3A_457] : memref<2x1x100xi32, #tpu.memory_space<hbm>> -> memref<1x1x100xi32, #tpu.memory_space<hbm>>
        %dma_start3A_459 = tpu.memref_squeeze %dma_start3A_458 : memref<1x1x100xi32, #tpu.memory_space<hbm>> -> memref<100xi32, #tpu.memory_space<hbm>>
        %dma_start3A_460 = arith.constant 0 : i32
        %dma_start3A_461 = tpu.memref_slice %arg4[%run_scoped3A_226, %run_scoped3A_227, %dma_start3A_460] : memref<2x1x100xi32, #tpu.memory_space<hbm>> -> memref<1x1x100xi32, #tpu.memory_space<hbm>>
        %dma_start3A_462 = tpu.memref_squeeze %dma_start3A_461 : memref<1x1x100xi32, #tpu.memory_space<hbm>> -> memref<100xi32, #tpu.memory_space<hbm>>
        tpu.enqueue_dma source(%dma_start3A_462 : memref<100xi32, #tpu.memory_space<hbm>>) target(%arg7 : memref<100xi32, #tpu.memory_space<vmem>>) target_semaphore(%run_scoped3A_456 : memref<!tpu.dma_semaphore, #tpu.memory_space<semaphore_mem>>)
        %dma_wait3A_463 = arith.constant 0 : i32
        %dma_wait3A_464 = tpu.memref_slice %arg4[%run_scoped3A_226, %run_scoped3A_227, %dma_wait3A_463] : memref<2x1x100xi32, #tpu.memory_space<hbm>> -> memref<1x1x100xi32, #tpu.memory_space<hbm>>
        %dma_wait3A_465 = tpu.memref_squeeze %dma_wait3A_464 : memref<1x1x100xi32, #tpu.memory_space<hbm>> -> memref<100xi32, #tpu.memory_space<hbm>>
        %dma_wait3A_466 = arith.constant 0 : i32
        %dma_wait3A_467 = tpu.memref_slice %arg4[%run_scoped3A_226, %run_scoped3A_227, %dma_wait3A_466] : memref<2x1x100xi32, #tpu.memory_space<hbm>> -> memref<1x1x100xi32, #tpu.memory_space<hbm>>
        %dma_wait3A_468 = tpu.memref_squeeze %dma_wait3A_467 : memref<1x1x100xi32, #tpu.memory_space<hbm>> -> memref<100xi32, #tpu.memory_space<hbm>>
        tpu.wait_dma2 semaphore(%run_scoped3A_456 : memref<!tpu.dma_semaphore, #tpu.memory_space<semaphore_mem>>) src(%dma_wait3A_468 : memref<100xi32, #tpu.memory_space<hbm>>) dst(%arg7 : memref<100xi32, #tpu.memory_space<vmem>>)
        tpu.yield
      }) : () -> ()
      %iota3A_228 = tpu.iota {dimensions = array<i32: 0>} : vector<16xi32>
      %add3A_229 = arith.constant 0 : i32
      %add3A_230 = vector.broadcast %add3A_229 : i32 to vector<16xi32>
      %add3A_231 = arith.addi %iota3A_228, %add3A_230 : vector<16xi32>
      %lt3A_232 = arith.constant 100 : i32
      %lt3A_233 = vector.broadcast %lt3A_232 : i32 to vector<16xi32>
      %lt3A_234 = arith.cmpi slt, %add3A_231, %lt3A_233 : vector<16xi32>
      %sub3A_235 = arith.constant 16 : i32
      %sub3A_236 = vector.broadcast %sub3A_235 : i32 to vector<16xi32>
      %sub3A_237 = arith.subi %add3A_231, %sub3A_236 : vector<16xi32>
      %select_n3A_238 = arith.select %lt3A_234, %add3A_231, %sub3A_237 : vector<16xi1>, vector<16xi32>
      %gather3A_239 = tpu.vector_load_idx %arg7[%select_n3A_238] : memref<100xi32, #tpu.memory_space<vmem>>[vector<16xi32>], vector<16xi32>,
      %gather3A_240 = tpu.vector_load_idx %arg6[%select_n3A_238] : memref<100xf32, #tpu.memory_space<vmem>>[vector<16xi32>], vector<16xf32>,
      %add3A_241 = arith.constant 20000 : i32
      %add3A_242 = vector.broadcast %add3A_241 : i32 to vector<16xi32>
      %add3A_243 = arith.addi %add3A_242, %gather3A_239 : vector<16xi32>
      %mul3A_244 = arith.constant 128 : i32
      %mul3A_245 = vector.broadcast %mul3A_244 : i32 to vector<16xi32>
      %mul3A_246 = arith.muli %add3A_243, %mul3A_245 : vector<16xi32>
      %add3A_247 = arith.addi %mul3A_246, %select_n3A_238 : vector<16xi32>
      %swap3A_248 = arith.constant 0 : index
      %swap3A_249 = tpu.vector_load %arg8[%swap3A_248] {strides = array<i32>} : memref<112xi32, #tpu.memory_space<vmem>>, vector<16xi32>,
      tpu.vector_store %arg8[%swap3A_248], %add3A_247 {strides = array<i32>} : memref<112xi32, #tpu.memory_space<vmem>>, vector<16xi32>,
      %eq3A_250 = arith.constant 0.000000e+00 : f32
      %eq3A_251 = vector.broadcast %eq3A_250 : f32 to vector<16xf32>
      %eq3A_252 = arith.cmpf oeq, %gather3A_240, %eq3A_251 : vector<16xf32>
      %jit3A_253 = arith.constant 1.000000e+00 : f32
      %jit3A_254 = arith.constant 0.000000e+00 : f32
      %broadcast_in_dim3A_255 = vector.broadcast %jit3A_253 : f32 to vector<16xf32>
      %broadcast_in_dim3A_256 = vector.broadcast %jit3A_254 : f32 to vector<16xf32>
      %select_n3A_257 = arith.select %eq3A_252, %broadcast_in_dim3A_255, %broadcast_in_dim3A_256 : vector<16xi1>, vector<16xf32>
      %swap3A_258 = arith.constant 0 : index
      %swap3A_259 = tpu.vector_load %arg9[%swap3A_258] {strides = array<i32>} : memref<112xf32, #tpu.memory_space<vmem>>, vector<16xf32>,
      tpu.vector_store %arg9[%swap3A_258], %select_n3A_257 {strides = array<i32>} : memref<112xf32, #tpu.memory_space<vmem>>, vector<16xf32>,
      %iota3A_260 = tpu.iota {dimensions = array<i32: 0>} : vector<16xi32>
      %add3A_261 = arith.constant 16 : i32
      %add3A_262 = vector.broadcast %add3A_261 : i32 to vector<16xi32>
      %add3A_263 = arith.addi %iota3A_260, %add3A_262 : vector<16xi32>
      %lt3A_264 = arith.constant 100 : i32
      %lt3A_265 = vector.broadcast %lt3A_264 : i32 to vector<16xi32>
      %lt3A_266 = arith.cmpi slt, %add3A_263, %lt3A_265 : vector<16xi32>
      %sub3A_267 = arith.constant 16 : i32
      %sub3A_268 = vector.broadcast %sub3A_267 : i32 to vector<16xi32>
      %sub3A_269 = arith.subi %add3A_263, %sub3A_268 : vector<16xi32>
      %select_n3A_270 = arith.select %lt3A_266, %add3A_263, %sub3A_269 : vector<16xi1>, vector<16xi32>
      %gather3A_271 = tpu.vector_load_idx %arg7[%select_n3A_270] : memref<100xi32, #tpu.memory_space<vmem>>[vector<16xi32>], vector<16xi32>,
      %gather3A_272 = tpu.vector_load_idx %arg6[%select_n3A_270] : memref<100xf32, #tpu.memory_space<vmem>>[vector<16xi32>], vector<16xf32>,
      %add3A_273 = arith.constant 20000 : i32
      %add3A_274 = vector.broadcast %add3A_273 : i32 to vector<16xi32>
      %add3A_275 = arith.addi %add3A_274, %gather3A_271 : vector<16xi32>
      %mul3A_276 = arith.constant 128 : i32
      %mul3A_277 = vector.broadcast %mul3A_276 : i32 to vector<16xi32>
      %mul3A_278 = arith.muli %add3A_275, %mul3A_277 : vector<16xi32>
      %add3A_279 = arith.addi %mul3A_278, %select_n3A_270 : vector<16xi32>
      %swap3A_280 = arith.constant 16 : index
      %swap3A_281 = tpu.vector_load %arg8[%swap3A_280] {strides = array<i32>} : memref<112xi32, #tpu.memory_space<vmem>>, vector<16xi32>,
      tpu.vector_store %arg8[%swap3A_280], %add3A_279 {strides = array<i32>} : memref<112xi32, #tpu.memory_space<vmem>>, vector<16xi32>,
      %eq3A_282 = arith.constant 0.000000e+00 : f32
      %eq3A_283 = vector.broadcast %eq3A_282 : f32 to vector<16xf32>
      %eq3A_284 = arith.cmpf oeq, %gather3A_272, %eq3A_283 : vector<16xf32>
      %jit3A_285 = arith.constant 1.000000e+00 : f32
      %jit3A_286 = arith.constant 0.000000e+00 : f32
      %broadcast_in_dim3A_287 = vector.broadcast %jit3A_285 : f32 to vector<16xf32>
      %broadcast_in_dim3A_288 = vector.broadcast %jit3A_286 : f32 to vector<16xf32>
      %select_n3A_289 = arith.select %eq3A_284, %broadcast_in_dim3A_287, %broadcast_in_dim3A_288 : vector<16xi1>, vector<16xf32>
      %swap3A_290 = arith.constant 16 : index
      %swap3A_291 = tpu.vector_load %arg9[%swap3A_290] {strides = array<i32>} : memref<112xf32, #tpu.memory_space<vmem>>, vector<16xf32>,
      tpu.vector_store %arg9[%swap3A_290], %select_n3A_289 {strides = array<i32>} : memref<112xf32, #tpu.memory_space<vmem>>, vector<16xf32>,
      %iota3A_292 = tpu.iota {dimensions = array<i32: 0>} : vector<16xi32>
      %add3A_293 = arith.constant 32 : i32
      %add3A_294 = vector.broadcast %add3A_293 : i32 to vector<16xi32>
      %add3A_295 = arith.addi %iota3A_292, %add3A_294 : vector<16xi32>
      %lt3A_296 = arith.constant 100 : i32
      %lt3A_297 = vector.broadcast %lt3A_296 : i32 to vector<16xi32>
      %lt3A_298 = arith.cmpi slt, %add3A_295, %lt3A_297 : vector<16xi32>
      %sub3A_299 = arith.constant 16 : i32
      %sub3A_300 = vector.broadcast %sub3A_299 : i32 to vector<16xi32>
      %sub3A_301 = arith.subi %add3A_295, %sub3A_300 : vector<16xi32>
      %select_n3A_302 = arith.select %lt3A_298, %add3A_295, %sub3A_301 : vector<16xi1>, vector<16xi32>
      %gather3A_303 = tpu.vector_load_idx %arg7[%select_n3A_302] : memref<100xi32, #tpu.memory_space<vmem>>[vector<16xi32>], vector<16xi32>,
      %gather3A_304 = tpu.vector_load_idx %arg6[%select_n3A_302] : memref<100xf32, #tpu.memory_space<vmem>>[vector<16xi32>], vector<16xf32>,
      %add3A_305 = arith.constant 20000 : i32
      %add3A_306 = vector.broadcast %add3A_305 : i32 to vector<16xi32>
      %add3A_307 = arith.addi %add3A_306, %gather3A_303 : vector<16xi32>
      %mul3A_308 = arith.constant 128 : i32
      %mul3A_309 = vector.broadcast %mul3A_308 : i32 to vector<16xi32>
      %mul3A_310 = arith.muli %add3A_307, %mul3A_309 : vector<16xi32>
      %add3A_311 = arith.addi %mul3A_310, %select_n3A_302 : vector<16xi32>
      %swap3A_312 = arith.constant 32 : index
      %swap3A_313 = tpu.vector_load %arg8[%swap3A_312] {strides = array<i32>} : memref<112xi32, #tpu.memory_space<vmem>>, vector<16xi32>,
      tpu.vector_store %arg8[%swap3A_312], %add3A_311 {strides = array<i32>} : memref<112xi32, #tpu.memory_space<vmem>>, vector<16xi32>,
      %eq3A_314 = arith.constant 0.000000e+00 : f32
      %eq3A_315 = vector.broadcast %eq3A_314 : f32 to vector<16xf32>
      %eq3A_316 = arith.cmpf oeq, %gather3A_304, %eq3A_315 : vector<16xf32>
      %jit3A_317 = arith.constant 1.000000e+00 : f32
      %jit3A_318 = arith.constant 0.000000e+00 : f32
      %broadcast_in_dim3A_319 = vector.broadcast %jit3A_317 : f32 to vector<16xf32>
      %broadcast_in_dim3A_320 = vector.broadcast %jit3A_318 : f32 to vector<16xf32>
      %select_n3A_321 = arith.select %eq3A_316, %broadcast_in_dim3A_319, %broadcast_in_dim3A_320 : vector<16xi1>, vector<16xf32>
      %swap3A_322 = arith.constant 32 : index
      %swap3A_323 = tpu.vector_load %arg9[%swap3A_322] {strides = array<i32>} : memref<112xf32, #tpu.memory_space<vmem>>, vector<16xf32>,
      tpu.vector_store %arg9[%swap3A_322], %select_n3A_321 {strides = array<i32>} : memref<112xf32, #tpu.memory_space<vmem>>, vector<16xf32>,
      %iota3A_324 = tpu.iota {dimensions = array<i32: 0>} : vector<16xi32>
      %add3A_325 = arith.constant 48 : i32
      %add3A_326 = vector.broadcast %add3A_325 : i32 to vector<16xi32>
      %add3A_327 = arith.addi %iota3A_324, %add3A_326 : vector<16xi32>
      %lt3A_328 = arith.constant 100 : i32
      %lt3A_329 = vector.broadcast %lt3A_328 : i32 to vector<16xi32>
      %lt3A_330 = arith.cmpi slt, %add3A_327, %lt3A_329 : vector<16xi32>
      %sub3A_331 = arith.constant 16 : i32
      %sub3A_332 = vector.broadcast %sub3A_331 : i32 to vector<16xi32>
      %sub3A_333 = arith.subi %add3A_327, %sub3A_332 : vector<16xi32>
      %select_n3A_334 = arith.select %lt3A_330, %add3A_327, %sub3A_333 : vector<16xi1>, vector<16xi32>
      %gather3A_335 = tpu.vector_load_idx %arg7[%select_n3A_334] : memref<100xi32, #tpu.memory_space<vmem>>[vector<16xi32>], vector<16xi32>,
      %gather3A_336 = tpu.vector_load_idx %arg6[%select_n3A_334] : memref<100xf32, #tpu.memory_space<vmem>>[vector<16xi32>], vector<16xf32>,
      %add3A_337 = arith.constant 20000 : i32
      %add3A_338 = vector.broadcast %add3A_337 : i32 to vector<16xi32>
      %add3A_339 = arith.addi %add3A_338, %gather3A_335 : vector<16xi32>
      %mul3A_340 = arith.constant 128 : i32
      %mul3A_341 = vector.broadcast %mul3A_340 : i32 to vector<16xi32>
      %mul3A_342 = arith.muli %add3A_339, %mul3A_341 : vector<16xi32>
      %add3A_343 = arith.addi %mul3A_342, %select_n3A_334 : vector<16xi32>
      %swap3A_344 = arith.constant 48 : index
      %swap3A_345 = tpu.vector_load %arg8[%swap3A_344] {strides = array<i32>} : memref<112xi32, #tpu.memory_space<vmem>>, vector<16xi32>,
      tpu.vector_store %arg8[%swap3A_344], %add3A_343 {strides = array<i32>} : memref<112xi32, #tpu.memory_space<vmem>>, vector<16xi32>,
      %eq3A_346 = arith.constant 0.000000e+00 : f32
      %eq3A_347 = vector.broadcast %eq3A_346 : f32 to vector<16xf32>
      %eq3A_348 = arith.cmpf oeq, %gather3A_336, %eq3A_347 : vector<16xf32>
      %jit3A_349 = arith.constant 1.000000e+00 : f32
      %jit3A_350 = arith.constant 0.000000e+00 : f32
      %broadcast_in_dim3A_351 = vector.broadcast %jit3A_349 : f32 to vector<16xf32>
      %broadcast_in_dim3A_352 = vector.broadcast %jit3A_350 : f32 to vector<16xf32>
      %select_n3A_353 = arith.select %eq3A_348, %broadcast_in_dim3A_351, %broadcast_in_dim3A_352 : vector<16xi1>, vector<16xf32>
      %swap3A_354 = arith.constant 48 : index
      %swap3A_355 = tpu.vector_load %arg9[%swap3A_354] {strides = array<i32>} : memref<112xf32, #tpu.memory_space<vmem>>, vector<16xf32>,
      tpu.vector_store %arg9[%swap3A_354], %select_n3A_353 {strides = array<i32>} : memref<112xf32, #tpu.memory_space<vmem>>, vector<16xf32>,
      %iota3A_356 = tpu.iota {dimensions = array<i32: 0>} : vector<16xi32>
      %add3A_357 = arith.constant 64 : i32
      %add3A_358 = vector.broadcast %add3A_357 : i32 to vector<16xi32>
      %add3A_359 = arith.addi %iota3A_356, %add3A_358 : vector<16xi32>
      %lt3A_360 = arith.constant 100 : i32
      %lt3A_361 = vector.broadcast %lt3A_360 : i32 to vector<16xi32>
      %lt3A_362 = arith.cmpi slt, %add3A_359, %lt3A_361 : vector<16xi32>
      %sub3A_363 = arith.constant 16 : i32
      %sub3A_364 = vector.broadcast %sub3A_363 : i32 to vector<16xi32>
      %sub3A_365 = arith.subi %add3A_359, %sub3A_364 : vector<16xi32>
      %select_n3A_366 = arith.select %lt3A_362, %add3A_359, %sub3A_365 : vector<16xi1>, vector<16xi32>
      %gather3A_367 = tpu.vector_load_idx %arg7[%select_n3A_366] : memref<100xi32, #tpu.memory_space<vmem>>[vector<16xi32>], vector<16xi32>,
      %gather3A_368 = tpu.vector_load_idx %arg6[%select_n3A_366] : memref<100xf32, #tpu.memory_space<vmem>>[vector<16xi32>], vector<16xf32>,
      %add3A_369 = arith.constant 20000 : i32
      %add3A_370 = vector.broadcast %add3A_369 : i32 to vector<16xi32>
      %add3A_371 = arith.addi %add3A_370, %gather3A_367 : vector<16xi32>
      %mul3A_372 = arith.constant 128 : i32
      %mul3A_373 = vector.broadcast %mul3A_372 : i32 to vector<16xi32>
      %mul3A_374 = arith.muli %add3A_371, %mul3A_373 : vector<16xi32>
      %add3A_375 = arith.addi %mul3A_374, %select_n3A_366 : vector<16xi32>
      %swap3A_376 = arith.constant 64 : index
      %swap3A_377 = tpu.vector_load %arg8[%swap3A_376] {strides = array<i32>} : memref<112xi32, #tpu.memory_space<vmem>>, vector<16xi32>,
      tpu.vector_store %arg8[%swap3A_376], %add3A_375 {strides = array<i32>} : memref<112xi32, #tpu.memory_space<vmem>>, vector<16xi32>,
      %eq3A_378 = arith.constant 0.000000e+00 : f32
      %eq3A_379 = vector.broadcast %eq3A_378 : f32 to vector<16xf32>
      %eq3A_380 = arith.cmpf oeq, %gather3A_368, %eq3A_379 : vector<16xf32>
      %jit3A_381 = arith.constant 1.000000e+00 : f32
      %jit3A_382 = arith.constant 0.000000e+00 : f32
      %broadcast_in_dim3A_383 = vector.broadcast %jit3A_381 : f32 to vector<16xf32>
      %broadcast_in_dim3A_384 = vector.broadcast %jit3A_382 : f32 to vector<16xf32>
      %select_n3A_385 = arith.select %eq3A_380, %broadcast_in_dim3A_383, %broadcast_in_dim3A_384 : vector<16xi1>, vector<16xf32>
      %swap3A_386 = arith.constant 64 : index
      %swap3A_387 = tpu.vector_load %arg9[%swap3A_386] {strides = array<i32>} : memref<112xf32, #tpu.memory_space<vmem>>, vector<16xf32>,
      tpu.vector_store %arg9[%swap3A_386], %select_n3A_385 {strides = array<i32>} : memref<112xf32, #tpu.memory_space<vmem>>, vector<16xf32>,
      %iota3A_388 = tpu.iota {dimensions = array<i32: 0>} : vector<16xi32>
      %add3A_389 = arith.constant 80 : i32
      %add3A_390 = vector.broadcast %add3A_389 : i32 to vector<16xi32>
      %add3A_391 = arith.addi %iota3A_388, %add3A_390 : vector<16xi32>
      %lt3A_392 = arith.constant 100 : i32
      %lt3A_393 = vector.broadcast %lt3A_392 : i32 to vector<16xi32>
      %lt3A_394 = arith.cmpi slt, %add3A_391, %lt3A_393 : vector<16xi32>
      %sub3A_395 = arith.constant 16 : i32
      %sub3A_396 = vector.broadcast %sub3A_395 : i32 to vector<16xi32>
      %sub3A_397 = arith.subi %add3A_391, %sub3A_396 : vector<16xi32>
      %select_n3A_398 = arith.select %lt3A_394, %add3A_391, %sub3A_397 : vector<16xi1>, vector<16xi32>
      %gather3A_399 = tpu.vector_load_idx %arg7[%select_n3A_398] : memref<100xi32, #tpu.memory_space<vmem>>[vector<16xi32>], vector<16xi32>,
      %gather3A_400 = tpu.vector_load_idx %arg6[%select_n3A_398] : memref<100xf32, #tpu.memory_space<vmem>>[vector<16xi32>], vector<16xf32>,
      %add3A_401 = arith.constant 20000 : i32
      %add3A_402 = vector.broadcast %add3A_401 : i32 to vector<16xi32>
      %add3A_403 = arith.addi %add3A_402, %gather3A_399 : vector<16xi32>
      %mul3A_404 = arith.constant 128 : i32
      %mul3A_405 = vector.broadcast %mul3A_404 : i32 to vector<16xi32>
      %mul3A_406 = arith.muli %add3A_403, %mul3A_405 : vector<16xi32>
      %add3A_407 = arith.addi %mul3A_406, %select_n3A_398 : vector<16xi32>
      %swap3A_408 = arith.constant 80 : index
      %swap3A_409 = tpu.vector_load %arg8[%swap3A_408] {strides = array<i32>} : memref<112xi32, #tpu.memory_space<vmem>>, vector<16xi32>,
      tpu.vector_store %arg8[%swap3A_408], %add3A_407 {strides = array<i32>} : memref<112xi32, #tpu.memory_space<vmem>>, vector<16xi32>,
      %eq3A_410 = arith.constant 0.000000e+00 : f32
      %eq3A_411 = vector.broadcast %eq3A_410 : f32 to vector<16xf32>
      %eq3A_412 = arith.cmpf oeq, %gather3A_400, %eq3A_411 : vector<16xf32>
      %jit3A_413 = arith.constant 1.000000e+00 : f32
      %jit3A_414 = arith.constant 0.000000e+00 : f32
      %broadcast_in_dim3A_415 = vector.broadcast %jit3A_413 : f32 to vector<16xf32>
      %broadcast_in_dim3A_416 = vector.broadcast %jit3A_414 : f32 to vector<16xf32>
      %select_n3A_417 = arith.select %eq3A_412, %broadcast_in_dim3A_415, %broadcast_in_dim3A_416 : vector<16xi1>, vector<16xf32>
      %swap3A_418 = arith.constant 80 : index
      %swap3A_419 = tpu.vector_load %arg9[%swap3A_418] {strides = array<i32>} : memref<112xf32, #tpu.memory_space<vmem>>, vector<16xf32>,
      tpu.vector_store %arg9[%swap3A_418], %select_n3A_417 {strides = array<i32>} : memref<112xf32, #tpu.memory_space<vmem>>, vector<16xf32>,
      %iota3A_420 = tpu.iota {dimensions = array<i32: 0>} : vector<16xi32>
      %add3A_421 = arith.constant 96 : i32
      %add3A_422 = vector.broadcast %add3A_421 : i32 to vector<16xi32>
      %add3A_423 = arith.addi %iota3A_420, %add3A_422 : vector<16xi32>
      %lt3A_424 = arith.constant 100 : i32
      %lt3A_425 = vector.broadcast %lt3A_424 : i32 to vector<16xi32>
      %lt3A_426 = arith.cmpi slt, %add3A_423, %lt3A_425 : vector<16xi32>
      %sub3A_427 = arith.constant 16 : i32
      %sub3A_428 = vector.broadcast %sub3A_427 : i32 to vector<16xi32>
      %sub3A_429 = arith.subi %add3A_423, %sub3A_428 : vector<16xi32>
      %select_n3A_430 = arith.select %lt3A_426, %add3A_423, %sub3A_429 : vector<16xi1>, vector<16xi32>
      %gather3A_431 = tpu.vector_load_idx %arg7[%select_n3A_430] : memref<100xi32, #tpu.memory_space<vmem>>[vector<16xi32>], vector<16xi32>,
      %gather3A_432 = tpu.vector_load_idx %arg6[%select_n3A_430] : memref<100xf32, #tpu.memory_space<vmem>>[vector<16xi32>], vector<16xf32>,
      %add3A_433 = arith.constant 20000 : i32
      %add3A_434 = vector.broadcast %add3A_433 : i32 to vector<16xi32>
      %add3A_435 = arith.addi %add3A_434, %gather3A_431 : vector<16xi32>
      %mul3A_436 = arith.constant 128 : i32
      %mul3A_437 = vector.broadcast %mul3A_436 : i32 to vector<16xi32>
      %mul3A_438 = arith.muli %add3A_435, %mul3A_437 : vector<16xi32>
      %add3A_439 = arith.addi %mul3A_438, %select_n3A_430 : vector<16xi32>
      %swap3A_440 = arith.constant 96 : index
      %swap3A_441 = tpu.vector_load %arg8[%swap3A_440] {strides = array<i32>} : memref<112xi32, #tpu.memory_space<vmem>>, vector<16xi32>,
      tpu.vector_store %arg8[%swap3A_440], %add3A_439 {strides = array<i32>} : memref<112xi32, #tpu.memory_space<vmem>>, vector<16xi32>,
      %eq3A_442 = arith.constant 0.000000e+00 : f32
      %eq3A_443 = vector.broadcast %eq3A_442 : f32 to vector<16xf32>
      %eq3A_444 = arith.cmpf oeq, %gather3A_432, %eq3A_443 : vector<16xf32>
      %jit3A_445 = arith.constant 1.000000e+00 : f32
      %jit3A_446 = arith.constant 0.000000e+00 : f32
      %broadcast_in_dim3A_447 = vector.broadcast %jit3A_445 : f32 to vector<16xf32>
      %broadcast_in_dim3A_448 = vector.broadcast %jit3A_446 : f32 to vector<16xf32>
      %select_n3A_449 = arith.select %eq3A_444, %broadcast_in_dim3A_447, %broadcast_in_dim3A_448 : vector<16xi1>, vector<16xf32>
      %swap3A_450 = arith.constant 96 : index
      %swap3A_451 = tpu.vector_load %arg9[%swap3A_450] {strides = array<i32>} : memref<112xf32, #tpu.memory_space<vmem>>, vector<16xf32>,
      tpu.vector_store %arg9[%swap3A_450], %select_n3A_449 {strides = array<i32>} : memref<112xf32, #tpu.memory_space<vmem>>, vector<16xf32>,
      %dma_start3A_452 = arith.constant 0 : i32
      %dma_start3A_453 = tpu.memref_slice %arg2[%dma_start3A_452] : memref<5120000xf32, #tpu.memory_space<hbm>> -> memref<5120000xf32, #tpu.memory_space<hbm>>
      tpu.enqueue_indirect_dma source(%arg9 : memref<112xf32, #tpu.memory_space<vmem>>) target(%dma_start3A_453 : memref<5120000xf32, #tpu.memory_space<hbm>>) offsets(%arg8 : memref<112xi32, #tpu.memory_space<vmem>>) semaphore(%arg10 : memref<!tpu.dma_semaphore, #tpu.memory_space<semaphore_mem>>)
      %dma_wait3A_454 = arith.constant 0 : i32
      %dma_wait3A_455 = tpu.memref_slice %arg2[%dma_wait3A_454] : memref<5120000xf32, #tpu.memory_space<hbm>> -> memref<5120000xf32, #tpu.memory_space<hbm>>
      tpu.wait_indirect_dma semaphore(%arg10 : memref<!tpu.dma_semaphore, #tpu.memory_space<semaphore_mem>>) src(%arg9 : memref<112xf32, #tpu.memory_space<vmem>>) dst(%dma_wait3A_455 : memref<5120000xf32, #tpu.memory_space<hbm>>)
    } else {
    }
    return
  }
}

module attributes {stable_mosaic.version = 14 : i64} {
  func.func @_pass2_kernel(%arg0: i32, %arg1: i32, %arg2: memref<1x4000x100xf32, #tpu.memory_space<vmem>>, %arg3: memref<1x1x100xf32, #tpu.memory_space<vmem>>, %arg4: memref<1x1x100xi32, #tpu.memory_space<vmem>>, %arg5: memref<1x4000x128xf32, #tpu.memory_space<vmem>>, %arg6: memref<1x1x100xf32, #tpu.memory_space<vmem>>, %arg7: memref<1x1x100xi32, #tpu.memory_space<vmem>>, %arg8: memref<1x100xf32, #tpu.memory_space<vmem>>, %arg9: memref<1x100xf32, #tpu.memory_space<vmem>>, %arg10: memref<1x100xi32, #tpu.memory_space<vmem>>) attributes {dimension_semantics = [#tpu.dimension_semantics<arbitrary>, #tpu.dimension_semantics<arbitrary>], iteration_bounds = array<i64: 2, 5>, scalar_prefetch = 0 : i64, scratch_operands = 3 : i64, tpu.core_type = #tpu.core_type<tc>, window_params = [{transform_indices = @transform_0, window_bounds = array<i64: 1, 4000, 100>}, {transform_indices = @transform_1, window_bounds = array<i64: 1, 1, 100>}, {transform_indices = @transform_2, window_bounds = array<i64: 1, 1, 100>}, {transform_indices = @transform_3, window_bounds = array<i64: 1, 4000, 128>}, {transform_indices = @transform_4, window_bounds = array<i64: 1, 1, 100>}, {transform_indices = @transform_5, window_bounds = array<i64: 1, 1, 100>}]} {
    %eq3A = arith.constant 0 : i32
    %eq3A_0 = arith.cmpi eq, %arg1, %eq3A : i32
    %convert_element_type3A = arith.extui %eq3A_0 : i1 to i32
    %cond3A = arith.constant 0 : i32
    %cond3A_1 = arith.cmpi ne, %convert_element_type3A, %cond3A : i32
    scf.if %cond3A_1 {
      %broadcast_in_dim3A_111 = arith.constant 0.000000e+00 : f32
      %broadcast_in_dim3A_112 = vector.broadcast %broadcast_in_dim3A_111 : f32 to vector<1x100xf32>
      %swap3A_113 = arith.constant 0 : index
      %swap3A_114 = arith.constant 0 : index
      %swap3A_115 = vector.load %arg8[%swap3A_113, %swap3A_114] : memref<1x100xf32, #tpu.memory_space<vmem>>, vector<1x100xf32>
      tpu.vector_store %arg8[%swap3A_113, %swap3A_114], %broadcast_in_dim3A_112 {strides = array<i32>} : memref<1x100xf32, #tpu.memory_space<vmem>>, vector<1x100xf32>,
      %broadcast_in_dim3A_116 = arith.constant 0x7F800000 : f32
      %broadcast_in_dim3A_117 = vector.broadcast %broadcast_in_dim3A_116 : f32 to vector<1x100xf32>
      %swap3A_118 = arith.constant 0 : index
      %swap3A_119 = arith.constant 0 : index
      %swap3A_120 = vector.load %arg9[%swap3A_118, %swap3A_119] : memref<1x100xf32, #tpu.memory_space<vmem>>, vector<1x100xf32>
      tpu.vector_store %arg9[%swap3A_118, %swap3A_119], %broadcast_in_dim3A_117 {strides = array<i32>} : memref<1x100xf32, #tpu.memory_space<vmem>>, vector<1x100xf32>,
      %broadcast_in_dim3A_121 = arith.constant 2147483647 : i32
      %broadcast_in_dim3A_122 = vector.broadcast %broadcast_in_dim3A_121 : i32 to vector<1x100xi32>
      %swap3A_123 = arith.constant 0 : index
      %swap3A_124 = arith.constant 0 : index
      %swap3A_125 = vector.load %arg10[%swap3A_123, %swap3A_124] : memref<1x100xi32, #tpu.memory_space<vmem>>, vector<1x100xi32>
      tpu.vector_store %arg10[%swap3A_123, %swap3A_124], %broadcast_in_dim3A_122 {strides = array<i32>} : memref<1x100xi32, #tpu.memory_space<vmem>>, vector<1x100xi32>,
    } else {
    }
    %get3A = arith.constant 0 : index
    %get3A_2 = arith.constant 0 : index
    %get3A_3 = arith.constant 0 : index
    %get3A_4 = vector.load %arg2[%get3A, %get3A_2, %get3A_3] : memref<1x4000x100xf32, #tpu.memory_space<vmem>>, vector<1x4000x100xf32>
    %get3A_5 = vector.shape_cast %get3A_4 : vector<1x4000x100xf32> to vector<4000x100xf32>
    %get3A_6 = arith.constant 0 : index
    %get3A_7 = arith.constant 0 : index
    %get3A_8 = arith.constant 0 : index
    %get3A_9 = vector.load %arg3[%get3A_6, %get3A_7, %get3A_8] : memref<1x1x100xf32, #tpu.memory_space<vmem>>, vector<1x1x100xf32>
    %get3A_10 = vector.shape_cast %get3A_9 : vector<1x1x100xf32> to vector<1x100xf32>
    %get3A_11 = arith.constant 0 : index
    %get3A_12 = arith.constant 0 : index
    %get3A_13 = arith.constant 0 : index
    %get3A_14 = vector.load %arg4[%get3A_11, %get3A_12, %get3A_13] : memref<1x1x100xi32, #tpu.memory_space<vmem>>, vector<1x1x100xi32>
    %get3A_15 = vector.shape_cast %get3A_14 : vector<1x1x100xi32> to vector<1x100xi32>
    %iota3A = tpu.iota {dimensions = array<i32: 0>} : vector<4000x100xi32>
    %mul3A = arith.constant 4000 : i32
    %mul3A_16 = arith.muli %arg1, %mul3A : i32
    %add3A = vector.broadcast %mul3A_16 : i32 to vector<4000x100xi32>
    %add3A_17 = arith.addi %iota3A, %add3A : vector<4000x100xi32>
    %iota3A_18 = tpu.iota {dimensions = array<i32: 1>} : vector<4000x100xi32>
    %lt3A = vector.broadcast %get3A_10 : vector<1x100xf32> to vector<4000x100xf32>
    %lt3A_19 = arith.cmpf olt, %get3A_5, %lt3A : vector<4000x100xf32>
    %eq3A_20 = vector.broadcast %get3A_10 : vector<1x100xf32> to vector<4000x100xf32>
    %eq3A_21 = arith.cmpf oeq, %get3A_5, %eq3A_20 : vector<4000x100xf32>
    %le3A = vector.broadcast %get3A_15 : vector<1x100xi32> to vector<4000x100xi32>
    %le3A_22 = arith.cmpi sle, %add3A_17, %le3A : vector<4000x100xi32>
    %and3A = arith.andi %eq3A_21, %le3A_22 : vector<4000x100xi1>
    %or3A = arith.ori %lt3A_19, %and3A : vector<4000x100xi1>
    %convert_element_type3A_23 = arith.extui %or3A : vector<4000x100xi1> to vector<4000x100xi32>
    %convert_element_type3A_24 = arith.sitofp %convert_element_type3A_23 : vector<4000x100xi32> to vector<4000x100xf32>
    %reduce_sum3A = arith.constant dense<0.000000e+00> : vector<4000xf32>
    %reduce_sum3A_25 = vector.multi_reduction <add>, %convert_element_type3A_24, %reduce_sum3A [1] : vector<4000x100xf32> to vector<4000xf32>
    %broadcast_in_dim3A = vector.shape_cast %reduce_sum3A_25 : vector<4000xf32> to vector<4000x1xf32>
    %gt3A = arith.constant 1.000000e+00 : f32
    %gt3A_26 = vector.broadcast %gt3A : f32 to vector<4000x1xf32>
    %gt3A_27 = arith.cmpf ogt, %broadcast_in_dim3A, %gt3A_26 : vector<4000x1xf32>
    %reduce_min3A = arith.constant dense<0x7F800000> : vector<4000xf32>
    %reduce_min3A_28 = vector.multi_reduction <minimumf>, %get3A_5, %reduce_min3A [1] : vector<4000x100xf32> to vector<4000xf32>
    %broadcast_in_dim3A_29 = vector.shape_cast %reduce_min3A_28 : vector<4000xf32> to vector<4000x1xf32>
    %eq3A_30 = vector.broadcast %broadcast_in_dim3A_29 : vector<4000x1xf32> to vector<4000x100xf32>
    %eq3A_31 = arith.cmpf oeq, %get3A_5, %eq3A_30 : vector<4000x100xf32>
    %jit3A = arith.constant 2147483647 : i32
    %broadcast_in_dim3A_32 = vector.broadcast %jit3A : i32 to vector<4000x100xi32>
    %select_n3A = arith.select %eq3A_31, %iota3A_18, %broadcast_in_dim3A_32 : vector<4000x100xi1>, vector<4000x100xi32>
    %reduce_min3A_33 = arith.constant dense<2147483647> : vector<4000xi32>
    %reduce_min3A_34 = vector.multi_reduction <minsi>, %select_n3A, %reduce_min3A_33 [1] : vector<4000x100xi32> to vector<4000xi32>
    %broadcast_in_dim3A_35 = vector.shape_cast %reduce_min3A_34 : vector<4000xi32> to vector<4000x1xi32>
    %eq3A_36 = vector.broadcast %broadcast_in_dim3A_35 : vector<4000x1xi32> to vector<4000x100xi32>
    %eq3A_37 = arith.cmpi eq, %iota3A_18, %eq3A_36 : vector<4000x100xi32>
    %convert_element_type3A_38 = arith.extui %eq3A_37 : vector<4000x100xi1> to vector<4000x100xi32>
    %convert_element_type3A_39 = arith.sitofp %convert_element_type3A_38 : vector<4000x100xi32> to vector<4000x100xf32>
    %convert_element_type3A_40 = arith.extui %or3A : vector<4000x100xi1> to vector<4000x100xi32>
    %convert_element_type3A_41 = arith.sitofp %convert_element_type3A_40 : vector<4000x100xi32> to vector<4000x100xf32>
    %broadcast_in_dim3A_42 = vector.shape_cast %gt3A_27 : vector<4000x1xi1> to vector<4000x1xi1>
    %broadcast_in_dim3A_43 = vector.broadcast %broadcast_in_dim3A_42 : vector<4000x1xi1> to vector<4000x100xi1>
    %select_n3A_44 = arith.select %broadcast_in_dim3A_43, %convert_element_type3A_39, %convert_element_type3A_41 : vector<4000x100xi1>, vector<4000x100xf32>
    %broadcast_in_dim3A_45 = arith.constant 0.000000e+00 : f32
    %broadcast_in_dim3A_46 = vector.broadcast %broadcast_in_dim3A_45 : f32 to vector<4000x28xf32>
    %concatenate3A = tpu.concatenate %select_n3A_44, %broadcast_in_dim3A_46 in 1 : vector<4000x100xf32>, vector<4000x28xf32> -> vector<4000x128xf32>
    %swap3A = arith.constant 0 : index
    %swap3A_47 = arith.constant 0 : index
    %swap3A_48 = arith.constant 0 : index
    %swap3A_49 = vector.load %arg5[%swap3A, %swap3A_47, %swap3A_48] : memref<1x4000x128xf32, #tpu.memory_space<vmem>>, vector<1x4000x128xf32>
    %swap3A_50 = vector.shape_cast %swap3A_49 : vector<1x4000x128xf32> to vector<4000x128xf32>
    %swap3A_51 = vector.shape_cast %concatenate3A : vector<4000x128xf32> to vector<1x4000x128xf32>
    tpu.vector_store %arg5[%swap3A, %swap3A_47, %swap3A_48], %swap3A_51 {strides = array<i32>} : memref<1x4000x128xf32, #tpu.memory_space<vmem>>, vector<1x4000x128xf32>,
    %get3A_52 = arith.constant 0 : index
    %get3A_53 = arith.constant 0 : index
    %get3A_54 = vector.load %arg8[%get3A_52, %get3A_53] : memref<1x100xf32, #tpu.memory_space<vmem>>, vector<1x100xf32>
    %reduce_sum3A_55 = arith.constant dense<0.000000e+00> : vector<100xf32>
    %reduce_sum3A_56 = vector.multi_reduction <add>, %select_n3A_44, %reduce_sum3A_55 [0] : vector<4000x100xf32> to vector<100xf32>
    %broadcast_in_dim3A_57 = vector.shape_cast %reduce_sum3A_56 : vector<100xf32> to vector<1x100xf32>
    %add3A_58 = arith.addf %get3A_54, %broadcast_in_dim3A_57 : vector<1x100xf32>
    %swap3A_59 = arith.constant 0 : index
    %swap3A_60 = arith.constant 0 : index
    %swap3A_61 = vector.load %arg8[%swap3A_59, %swap3A_60] : memref<1x100xf32, #tpu.memory_space<vmem>>, vector<1x100xf32>
    tpu.vector_store %arg8[%swap3A_59, %swap3A_60], %add3A_58 {strides = array<i32>} : memref<1x100xf32, #tpu.memory_space<vmem>>, vector<1x100xf32>,
    %eq3A_62 = arith.constant 0.000000e+00 : f32
    %eq3A_63 = vector.broadcast %eq3A_62 : f32 to vector<4000x1xf32>
    %eq3A_64 = arith.cmpf oeq, %broadcast_in_dim3A, %eq3A_63 : vector<4000x1xf32>
    %jit3A_65 = arith.constant 0x7F800000 : f32
    %broadcast_in_dim3A_66 = vector.shape_cast %eq3A_64 : vector<4000x1xi1> to vector<4000x1xi1>
    %broadcast_in_dim3A_67 = vector.broadcast %broadcast_in_dim3A_66 : vector<4000x1xi1> to vector<4000x100xi1>
    %broadcast_in_dim3A_68 = vector.broadcast %jit3A_65 : f32 to vector<4000x100xf32>
    %select_n3A_69 = arith.select %broadcast_in_dim3A_67, %get3A_5, %broadcast_in_dim3A_68 : vector<4000x100xi1>, vector<4000x100xf32>
    %reduce_min3A_70 = arith.constant dense<0x7F800000> : vector<100xf32>
    %reduce_min3A_71 = vector.multi_reduction <minimumf>, %select_n3A_69, %reduce_min3A_70 [0] : vector<4000x100xf32> to vector<100xf32>
    %broadcast_in_dim3A_72 = vector.shape_cast %reduce_min3A_71 : vector<100xf32> to vector<1x100xf32>
    %eq3A_73 = vector.broadcast %broadcast_in_dim3A_72 : vector<1x100xf32> to vector<4000x100xf32>
    %eq3A_74 = arith.cmpf oeq, %select_n3A_69, %eq3A_73 : vector<4000x100xf32>
    %jit3A_75 = arith.constant 2147483647 : i32
    %broadcast_in_dim3A_76 = vector.broadcast %jit3A_75 : i32 to vector<4000x100xi32>
    %select_n3A_77 = arith.select %eq3A_74, %add3A_17, %broadcast_in_dim3A_76 : vector<4000x100xi1>, vector<4000x100xi32>
    %reduce_min3A_78 = arith.constant dense<2147483647> : vector<100xi32>
    %reduce_min3A_79 = vector.multi_reduction <minsi>, %select_n3A_77, %reduce_min3A_78 [0] : vector<4000x100xi32> to vector<100xi32>
    %broadcast_in_dim3A_80 = vector.shape_cast %reduce_min3A_79 : vector<100xi32> to vector<1x100xi32>
    %get3A_81 = arith.constant 0 : index
    %get3A_82 = arith.constant 0 : index
    %get3A_83 = vector.load %arg9[%get3A_81, %get3A_82] : memref<1x100xf32, #tpu.memory_space<vmem>>, vector<1x100xf32>
    %get3A_84 = arith.constant 0 : index
    %get3A_85 = arith.constant 0 : index
    %get3A_86 = vector.load %arg10[%get3A_84, %get3A_85] : memref<1x100xi32, #tpu.memory_space<vmem>>, vector<1x100xi32>
    %lt3A_87 = arith.cmpf olt, %broadcast_in_dim3A_72, %get3A_83 : vector<1x100xf32>
    %eq3A_88 = arith.cmpf oeq, %broadcast_in_dim3A_72, %get3A_83 : vector<1x100xf32>
    %lt3A_89 = arith.cmpi slt, %broadcast_in_dim3A_80, %get3A_86 : vector<1x100xi32>
    %and3A_90 = arith.andi %eq3A_88, %lt3A_89 : vector<1x100xi1>
    %or3A_91 = arith.ori %lt3A_87, %and3A_90 : vector<1x100xi1>
    %get3A_92 = arith.constant 0 : index
    %get3A_93 = arith.constant 0 : index
    %get3A_94 = vector.load %arg9[%get3A_92, %get3A_93] : memref<1x100xf32, #tpu.memory_space<vmem>>, vector<1x100xf32>
    %select_n3A_95 = arith.select %or3A_91, %broadcast_in_dim3A_72, %get3A_94 : vector<1x100xi1>, vector<1x100xf32>
    %swap3A_96 = arith.constant 0 : index
    %swap3A_97 = arith.constant 0 : index
    %swap3A_98 = vector.load %arg9[%swap3A_96, %swap3A_97] : memref<1x100xf32, #tpu.memory_space<vmem>>, vector<1x100xf32>
    tpu.vector_store %arg9[%swap3A_96, %swap3A_97], %select_n3A_95 {strides = array<i32>} : memref<1x100xf32, #tpu.memory_space<vmem>>, vector<1x100xf32>,
    %get3A_99 = arith.constant 0 : index
    %get3A_100 = arith.constant 0 : index
    %get3A_101 = vector.load %arg10[%get3A_99, %get3A_100] : memref<1x100xi32, #tpu.memory_space<vmem>>, vector<1x100xi32>
    %select_n3A_102 = arith.select %or3A_91, %broadcast_in_dim3A_80, %get3A_101 : vector<1x100xi1>, vector<1x100xi32>
    %swap3A_103 = arith.constant 0 : index
    %swap3A_104 = arith.constant 0 : index
    %swap3A_105 = vector.load %arg10[%swap3A_103, %swap3A_104] : memref<1x100xi32, #tpu.memory_space<vmem>>, vector<1x100xi32>
    tpu.vector_store %arg10[%swap3A_103, %swap3A_104], %select_n3A_102 {strides = array<i32>} : memref<1x100xi32, #tpu.memory_space<vmem>>, vector<1x100xi32>,
    %eq3A_106 = arith.constant 4 : i32
    %eq3A_107 = arith.cmpi eq, %arg1, %eq3A_106 : i32
    %convert_element_type3A_108 = arith.extui %eq3A_107 : i1 to i32
    %cond3A_109 = arith.constant 0 : i32
    %cond3A_110 = arith.cmpi ne, %convert_element_type3A_108, %cond3A_109 : i32
    scf.if %cond3A_110 {
      %get3A_111 = arith.constant 0 : index
      %get3A_112 = arith.constant 0 : index
      %get3A_113 = vector.load %arg8[%get3A_111, %get3A_112] : memref<1x100xf32, #tpu.memory_space<vmem>>, vector<1x100xf32>
      %swap3A_114 = arith.constant 0 : index
      %swap3A_115 = arith.constant 0 : index
      %swap3A_116 = arith.constant 0 : index
      %swap3A_117 = vector.load %arg6[%swap3A_114, %swap3A_115, %swap3A_116] : memref<1x1x100xf32, #tpu.memory_space<vmem>>, vector<1x1x100xf32>
      %swap3A_118 = vector.shape_cast %swap3A_117 : vector<1x1x100xf32> to vector<1x100xf32>
      %swap3A_119 = vector.shape_cast %get3A_113 : vector<1x100xf32> to vector<1x1x100xf32>
      tpu.vector_store %arg6[%swap3A_114, %swap3A_115, %swap3A_116], %swap3A_119 {strides = array<i32>} : memref<1x1x100xf32, #tpu.memory_space<vmem>>, vector<1x1x100xf32>,
      %get3A_120 = arith.constant 0 : index
      %get3A_121 = arith.constant 0 : index
      %get3A_122 = vector.load %arg9[%get3A_120, %get3A_121] : memref<1x100xf32, #tpu.memory_space<vmem>>, vector<1x100xf32>
      %eq3A_123 = arith.constant 0x7F800000 : f32
      %eq3A_124 = vector.broadcast %eq3A_123 : f32 to vector<1x100xf32>
      %eq3A_125 = arith.cmpf oeq, %get3A_122, %eq3A_124 : vector<1x100xf32>
      %broadcast_in_dim3A_126 = arith.constant 0 : i32
      %broadcast_in_dim3A_127 = vector.broadcast %broadcast_in_dim3A_126 : i32 to vector<1x100xi32>
      %get3A_128 = arith.constant 0 : index
      %get3A_129 = arith.constant 0 : index
      %get3A_130 = vector.load %arg10[%get3A_128, %get3A_129] : memref<1x100xi32, #tpu.memory_space<vmem>>, vector<1x100xi32>
      %select_n3A_131 = arith.select %eq3A_125, %broadcast_in_dim3A_127, %get3A_130 : vector<1x100xi1>, vector<1x100xi32>
      %swap3A_132 = arith.constant 0 : index
      %swap3A_133 = arith.constant 0 : index
      %swap3A_134 = arith.constant 0 : index
      %swap3A_135 = vector.load %arg7[%swap3A_132, %swap3A_133, %swap3A_134] : memref<1x1x100xi32, #tpu.memory_space<vmem>>, vector<1x1x100xi32>
      %swap3A_136 = vector.shape_cast %swap3A_135 : vector<1x1x100xi32> to vector<1x100xi32>
      %swap3A_137 = vector.shape_cast %select_n3A_131 : vector<1x100xi32> to vector<1x1x100xi32>
      tpu.vector_store %arg7[%swap3A_132, %swap3A_133, %swap3A_134], %swap3A_137 {strides = array<i32>} : memref<1x1x100xi32, #tpu.memory_space<vmem>>, vector<1x1x100xi32>,
    } else {
    }
    return
  }
  func.func @transform_0(%arg0: i32, %arg1: i32) -> (i32, i32, i32) {
    %c0_i32 = arith.constant 0 : i32
    %c0_i32_0 = arith.constant 0 : i32
    return %arg0, %arg1, %c0_i32 : i32, i32, i32
  }
  func.func @transform_1(%arg0: i32, %arg1: i32) -> (i32, i32, i32) {
    %c0_i32 = arith.constant 0 : i32
    %c0_i32_0 = arith.constant 0 : i32
    %c0_i32_1 = arith.constant 0 : i32
    return %arg0, %c0_i32, %c0_i32_0 : i32, i32, i32
  }
  func.func @transform_2(%arg0: i32, %arg1: i32) -> (i32, i32, i32) {
    %c0_i32 = arith.constant 0 : i32
    %c0_i32_0 = arith.constant 0 : i32
    %c0_i32_1 = arith.constant 0 : i32
    return %arg0, %c0_i32, %c0_i32_0 : i32, i32, i32
  }
  func.func @transform_3(%arg0: i32, %arg1: i32) -> (i32, i32, i32) {
    %c0_i32 = arith.constant 0 : i32
    %c0_i32_0 = arith.constant 0 : i32
    return %arg0, %arg1, %c0_i32 : i32, i32, i32
  }
  func.func @transform_4(%arg0: i32, %arg1: i32) -> (i32, i32, i32) {
    %c0_i32 = arith.constant 0 : i32
    %c0_i32_0 = arith.constant 0 : i32
    %c0_i32_1 = arith.constant 0 : i32
    return %arg0, %c0_i32, %c0_i32_0 : i32, i32, i32
  }
  func.func @transform_5(%arg0: i32, %arg1: i32) -> (i32, i32, i32) {
    %c0_i32 = arith.constant 0 : i32
    %c0_i32_0 = arith.constant 0 : i32
    %c0_i32_1 = arith.constant 0 : i32
    return %arg0, %c0_i32, %c0_i32_0 : i32, i32, i32
  }
}

module attributes {stable_mosaic.version = 14 : i64} {
  func.func @_pass1_kernel(%arg0: i32, %arg1: i32, %arg2: memref<1x4000x80xf32, #tpu.memory_space<vmem>>, %arg3: memref<1x4000x4xf32, #tpu.memory_space<vmem>>, %arg4: memref<1x4x100xf32, #tpu.memory_space<vmem>>, %arg5: memref<1x1x100xi32, #tpu.memory_space<vmem>>, %arg6: memref<1x4000x100xf32, #tpu.memory_space<vmem>>, %arg7: memref<1x1x100xf32, #tpu.memory_space<vmem>>, %arg8: memref<1x1x100xi32, #tpu.memory_space<vmem>>, %arg9: memref<5x100xf32, #tpu.memory_space<vmem>>, %arg10: memref<5x100xi32, #tpu.memory_space<vmem>>, %arg11: memref<5x100xf32, #tpu.memory_space<vmem>>) attributes {dimension_semantics = [#tpu.dimension_semantics<arbitrary>, #tpu.dimension_semantics<arbitrary>], iteration_bounds = array<i64: 2, 5>, scalar_prefetch = 0 : i64, scratch_operands = 3 : i64, tpu.core_type = #tpu.core_type<tc>, window_params = [{transform_indices = @transform_0, window_bounds = array<i64: 1, 4000, 80>}, {transform_indices = @transform_1, window_bounds = array<i64: 1, 4000, 4>}, {transform_indices = @transform_2, window_bounds = array<i64: 1, 4, 100>}, {transform_indices = @transform_3, window_bounds = array<i64: 1, 1, 100>}, {transform_indices = @transform_4, window_bounds = array<i64: 1, 4000, 100>}, {transform_indices = @transform_5, window_bounds = array<i64: 1, 1, 100>}, {transform_indices = @transform_6, window_bounds = array<i64: 1, 1, 100>}]} {
    %eq3A = arith.constant 0 : i32
    %eq3A_0 = arith.cmpi eq, %arg1, %eq3A : i32
    %convert_element_type3A = arith.extui %eq3A_0 : i1 to i32
    %cond3A = arith.constant 0 : i32
    %cond3A_1 = arith.cmpi ne, %convert_element_type3A, %cond3A : i32
    scf.if %cond3A_1 {
      %broadcast_in_dim3A_1152 = arith.constant 0x7F800000 : f32
      %broadcast_in_dim3A_1153 = vector.broadcast %broadcast_in_dim3A_1152 : f32 to vector<5x100xf32>
      %swap3A_1154 = arith.constant 0 : index
      %swap3A_1155 = arith.constant 0 : index
      %swap3A_1156 = vector.load %arg9[%swap3A_1154, %swap3A_1155] : memref<5x100xf32, #tpu.memory_space<vmem>>, vector<5x100xf32>
      tpu.vector_store %arg9[%swap3A_1154, %swap3A_1155], %broadcast_in_dim3A_1153 {strides = array<i32>} : memref<5x100xf32, #tpu.memory_space<vmem>>, vector<5x100xf32>,
      %broadcast_in_dim3A_1157 = arith.constant 2147483647 : i32
      %broadcast_in_dim3A_1158 = vector.broadcast %broadcast_in_dim3A_1157 : i32 to vector<5x100xi32>
      %swap3A_1159 = arith.constant 0 : index
      %swap3A_1160 = arith.constant 0 : index
      %swap3A_1161 = vector.load %arg10[%swap3A_1159, %swap3A_1160] : memref<5x100xi32, #tpu.memory_space<vmem>>, vector<5x100xi32>
      tpu.vector_store %arg10[%swap3A_1159, %swap3A_1160], %broadcast_in_dim3A_1158 {strides = array<i32>} : memref<5x100xi32, #tpu.memory_space<vmem>>, vector<5x100xi32>,
      %broadcast_in_dim3A_1162 = arith.constant 0xFF800000 : f32
      %broadcast_in_dim3A_1163 = vector.broadcast %broadcast_in_dim3A_1162 : f32 to vector<5x100xf32>
      %swap3A_1164 = arith.constant 0 : index
      %swap3A_1165 = arith.constant 0 : index
      %swap3A_1166 = vector.load %arg11[%swap3A_1164, %swap3A_1165] : memref<5x100xf32, #tpu.memory_space<vmem>>, vector<5x100xf32>
      tpu.vector_store %arg11[%swap3A_1164, %swap3A_1165], %broadcast_in_dim3A_1163 {strides = array<i32>} : memref<5x100xf32, #tpu.memory_space<vmem>>, vector<5x100xf32>,
    } else {
    }
    %get3A = arith.constant 0 : index
    %get3A_2 = arith.constant 0 : index
    %get3A_3 = arith.constant 0 : index
    %get3A_4 = vector.load %arg2[%get3A, %get3A_2, %get3A_3] : memref<1x4000x80xf32, #tpu.memory_space<vmem>>, vector<1x4000x80xf32>
    %get3A_5 = vector.shape_cast %get3A_4 : vector<1x4000x80xf32> to vector<4000x80xf32>
    %get3A_6 = arith.constant 0 : index
    %get3A_7 = arith.constant 0 : index
    %get3A_8 = arith.constant 0 : index
    %get3A_9 = vector.load %arg3[%get3A_6, %get3A_7, %get3A_8] : memref<1x4000x4xf32, #tpu.memory_space<vmem>>, vector<1x4000x4xf32>
    %get3A_10 = vector.shape_cast %get3A_9 : vector<1x4000x4xf32> to vector<4000x4xf32>
    %get3A_11 = arith.constant 0 : index
    %get3A_12 = arith.constant 0 : index
    %get3A_13 = arith.constant 0 : index
    %get3A_14 = vector.load %arg4[%get3A_11, %get3A_12, %get3A_13] : memref<1x4x100xf32, #tpu.memory_space<vmem>>, vector<1x4x100xf32>
    %get3A_15 = vector.shape_cast %get3A_14 : vector<1x4x100xf32> to vector<4x100xf32>
    %get3A_16 = arith.constant 0 : index
    %get3A_17 = arith.constant 0 : index
    %get3A_18 = arith.constant 0 : index
    %get3A_19 = vector.load %arg5[%get3A_16, %get3A_17, %get3A_18] : memref<1x1x100xi32, #tpu.memory_space<vmem>>, vector<1x1x100xi32>
    %get3A_20 = vector.shape_cast %get3A_19 : vector<1x1x100xi32> to vector<1x100xi32>
    %slice3A = vector.extract_strided_slice %get3A_10 {offsets = [0, 0], sizes = [4000, 1], strides = [1, 1]} : vector<4000x4xf32> to vector<4000x1xf32>
    %slice3A_21 = vector.extract_strided_slice %get3A_10 {offsets = [0, 1], sizes = [4000, 1], strides = [1, 1]} : vector<4000x4xf32> to vector<4000x1xf32>
    %slice3A_22 = vector.extract_strided_slice %get3A_10 {offsets = [0, 2], sizes = [4000, 1], strides = [1, 1]} : vector<4000x4xf32> to vector<4000x1xf32>
    %slice3A_23 = vector.extract_strided_slice %get3A_10 {offsets = [0, 3], sizes = [4000, 1], strides = [1, 1]} : vector<4000x4xf32> to vector<4000x1xf32>
    %mul3A = arith.constant 5.000000e-01 : f32
    %mul3A_24 = vector.broadcast %mul3A : f32 to vector<4000x1xf32>
    %mul3A_25 = arith.mulf %mul3A_24, %slice3A_22 : vector<4000x1xf32>
    %sub3A = arith.subf %slice3A, %mul3A_25 : vector<4000x1xf32>
    %mul3A_26 = arith.constant 5.000000e-01 : f32
    %mul3A_27 = vector.broadcast %mul3A_26 : f32 to vector<4000x1xf32>
    %mul3A_28 = arith.mulf %mul3A_27, %slice3A_23 : vector<4000x1xf32>
    %sub3A_29 = arith.subf %slice3A_21, %mul3A_28 : vector<4000x1xf32>
    %mul3A_30 = arith.constant 5.000000e-01 : f32
    %mul3A_31 = vector.broadcast %mul3A_30 : f32 to vector<4000x1xf32>
    %mul3A_32 = arith.mulf %mul3A_31, %slice3A_22 : vector<4000x1xf32>
    %add3A = arith.addf %slice3A, %mul3A_32 : vector<4000x1xf32>
    %mul3A_33 = arith.constant 5.000000e-01 : f32
    %mul3A_34 = vector.broadcast %mul3A_33 : f32 to vector<4000x1xf32>
    %mul3A_35 = arith.mulf %mul3A_34, %slice3A_23 : vector<4000x1xf32>
    %add3A_36 = arith.addf %slice3A_21, %mul3A_35 : vector<4000x1xf32>
    %slice3A_37 = vector.extract_strided_slice %get3A_15 {offsets = [0, 0], sizes = [1, 100], strides = [1, 1]} : vector<4x100xf32> to vector<1x100xf32>
    %slice3A_38 = vector.extract_strided_slice %get3A_15 {offsets = [1, 0], sizes = [1, 100], strides = [1, 1]} : vector<4x100xf32> to vector<1x100xf32>
    %slice3A_39 = vector.extract_strided_slice %get3A_15 {offsets = [2, 0], sizes = [1, 100], strides = [1, 1]} : vector<4x100xf32> to vector<1x100xf32>
    %slice3A_40 = vector.extract_strided_slice %get3A_15 {offsets = [3, 0], sizes = [1, 100], strides = [1, 1]} : vector<4x100xf32> to vector<1x100xf32>
    %mul3A_41 = arith.constant 5.000000e-01 : f32
    %mul3A_42 = vector.broadcast %mul3A_41 : f32 to vector<1x100xf32>
    %mul3A_43 = arith.mulf %mul3A_42, %slice3A_39 : vector<1x100xf32>
    %sub3A_44 = arith.subf %slice3A_37, %mul3A_43 : vector<1x100xf32>
    %mul3A_45 = arith.constant 5.000000e-01 : f32
    %mul3A_46 = vector.broadcast %mul3A_45 : f32 to vector<1x100xf32>
    %mul3A_47 = arith.mulf %mul3A_46, %slice3A_40 : vector<1x100xf32>
    %sub3A_48 = arith.subf %slice3A_38, %mul3A_47 : vector<1x100xf32>
    %mul3A_49 = arith.constant 5.000000e-01 : f32
    %mul3A_50 = vector.broadcast %mul3A_49 : f32 to vector<1x100xf32>
    %mul3A_51 = arith.mulf %mul3A_50, %slice3A_39 : vector<1x100xf32>
    %add3A_52 = arith.addf %slice3A_37, %mul3A_51 : vector<1x100xf32>
    %mul3A_53 = arith.constant 5.000000e-01 : f32
    %mul3A_54 = vector.broadcast %mul3A_53 : f32 to vector<1x100xf32>
    %mul3A_55 = arith.mulf %mul3A_54, %slice3A_40 : vector<1x100xf32>
    %add3A_56 = arith.addf %slice3A_38, %mul3A_55 : vector<1x100xf32>
    %add3A_57 = arith.addf %sub3A, %add3A : vector<4000x1xf32>
    %mul3A_58 = arith.constant 5.000000e-01 : f32
    %mul3A_59 = vector.broadcast %mul3A_58 : f32 to vector<4000x1xf32>
    %mul3A_60 = arith.mulf %add3A_57, %mul3A_59 : vector<4000x1xf32>
    %add3A_61 = arith.addf %sub3A_29, %add3A_36 : vector<4000x1xf32>
    %mul3A_62 = arith.constant 5.000000e-01 : f32
    %mul3A_63 = vector.broadcast %mul3A_62 : f32 to vector<4000x1xf32>
    %mul3A_64 = arith.mulf %add3A_61, %mul3A_63 : vector<4000x1xf32>
    %add3A_65 = arith.addf %sub3A_44, %add3A_52 : vector<1x100xf32>
    %mul3A_66 = arith.constant 5.000000e-01 : f32
    %mul3A_67 = vector.broadcast %mul3A_66 : f32 to vector<1x100xf32>
    %mul3A_68 = arith.mulf %add3A_65, %mul3A_67 : vector<1x100xf32>
    %add3A_69 = arith.addf %sub3A_48, %add3A_56 : vector<1x100xf32>
    %mul3A_70 = arith.constant 5.000000e-01 : f32
    %mul3A_71 = vector.broadcast %mul3A_70 : f32 to vector<1x100xf32>
    %mul3A_72 = arith.mulf %add3A_69, %mul3A_71 : vector<1x100xf32>
    %sub3A_73 = arith.subf %add3A_52, %sub3A_44 : vector<1x100xf32>
    %sub3A_74 = arith.subf %add3A_56, %sub3A_48 : vector<1x100xf32>
    %mul3A_75 = arith.constant 5.000000e-01 : f32
    %mul3A_76 = vector.broadcast %mul3A_75 : f32 to vector<1x100xf32>
    %mul3A_77 = arith.mulf %mul3A_76, %sub3A_73 : vector<1x100xf32>
    %sub3A_78 = arith.subf %mul3A_68, %mul3A_77 : vector<1x100xf32>
    %mul3A_79 = arith.constant 5.000000e-01 : f32
    %mul3A_80 = vector.broadcast %mul3A_79 : f32 to vector<1x100xf32>
    %mul3A_81 = arith.mulf %mul3A_80, %sub3A_74 : vector<1x100xf32>
    %sub3A_82 = arith.subf %mul3A_72, %mul3A_81 : vector<1x100xf32>
    %mul3A_83 = arith.constant 5.000000e-01 : f32
    %mul3A_84 = vector.broadcast %mul3A_83 : f32 to vector<1x100xf32>
    %mul3A_85 = arith.mulf %mul3A_84, %sub3A_73 : vector<1x100xf32>
    %add3A_86 = arith.addf %mul3A_68, %mul3A_85 : vector<1x100xf32>
    %mul3A_87 = arith.constant 5.000000e-01 : f32
    %mul3A_88 = vector.broadcast %mul3A_87 : f32 to vector<1x100xf32>
    %mul3A_89 = arith.mulf %mul3A_88, %sub3A_74 : vector<1x100xf32>
    %add3A_90 = arith.addf %mul3A_72, %mul3A_89 : vector<1x100xf32>
    %gt3A = vector.broadcast %mul3A_60 : vector<4000x1xf32> to vector<4000x100xf32>
    %gt3A_91 = vector.broadcast %sub3A_78 : vector<1x100xf32> to vector<4000x100xf32>
    %gt3A_92 = arith.cmpf ogt, %gt3A, %gt3A_91 : vector<4000x100xf32>
    %lt3A = vector.broadcast %mul3A_60 : vector<4000x1xf32> to vector<4000x100xf32>
    %lt3A_93 = vector.broadcast %add3A_86 : vector<1x100xf32> to vector<4000x100xf32>
    %lt3A_94 = arith.cmpf olt, %lt3A, %lt3A_93 : vector<4000x100xf32>
    %and3A = arith.andi %gt3A_92, %lt3A_94 : vector<4000x100xi1>
    %gt3A_95 = vector.broadcast %mul3A_64 : vector<4000x1xf32> to vector<4000x100xf32>
    %gt3A_96 = vector.broadcast %sub3A_82 : vector<1x100xf32> to vector<4000x100xf32>
    %gt3A_97 = arith.cmpf ogt, %gt3A_95, %gt3A_96 : vector<4000x100xf32>
    %and3A_98 = arith.andi %and3A, %gt3A_97 : vector<4000x100xi1>
    %lt3A_99 = vector.broadcast %mul3A_64 : vector<4000x1xf32> to vector<4000x100xf32>
    %lt3A_100 = vector.broadcast %add3A_90 : vector<1x100xf32> to vector<4000x100xf32>
    %lt3A_101 = arith.cmpf olt, %lt3A_99, %lt3A_100 : vector<4000x100xf32>
    %and3A_102 = arith.andi %and3A_98, %lt3A_101 : vector<4000x100xi1>
    %sub3A_103 = arith.subf %add3A_86, %sub3A_78 : vector<1x100xf32>
    %sub3A_104 = arith.subf %add3A_90, %sub3A_82 : vector<1x100xf32>
    %mul3A_105 = arith.constant 2.500000e+00 : f32
    %mul3A_106 = vector.broadcast %mul3A_105 : f32 to vector<1x100xf32>
    %mul3A_107 = arith.mulf %mul3A_106, %sub3A_103 : vector<1x100xf32>
    %sub3A_108 = arith.subf %mul3A_68, %mul3A_107 : vector<1x100xf32>
    %gt3A_109 = vector.broadcast %mul3A_60 : vector<4000x1xf32> to vector<4000x100xf32>
    %gt3A_110 = vector.broadcast %sub3A_108 : vector<1x100xf32> to vector<4000x100xf32>
    %gt3A_111 = arith.cmpf ogt, %gt3A_109, %gt3A_110 : vector<4000x100xf32>
    %mul3A_112 = arith.constant 2.500000e+00 : f32
    %mul3A_113 = vector.broadcast %mul3A_112 : f32 to vector<1x100xf32>
    %mul3A_114 = arith.mulf %mul3A_113, %sub3A_103 : vector<1x100xf32>
    %add3A_115 = arith.addf %mul3A_68, %mul3A_114 : vector<1x100xf32>
    %lt3A_116 = vector.broadcast %mul3A_60 : vector<4000x1xf32> to vector<4000x100xf32>
    %lt3A_117 = vector.broadcast %add3A_115 : vector<1x100xf32> to vector<4000x100xf32>
    %lt3A_118 = arith.cmpf olt, %lt3A_116, %lt3A_117 : vector<4000x100xf32>
    %and3A_119 = arith.andi %gt3A_111, %lt3A_118 : vector<4000x100xi1>
    %mul3A_120 = arith.constant 2.500000e+00 : f32
    %mul3A_121 = vector.broadcast %mul3A_120 : f32 to vector<1x100xf32>
    %mul3A_122 = arith.mulf %mul3A_121, %sub3A_104 : vector<1x100xf32>
    %sub3A_123 = arith.subf %mul3A_72, %mul3A_122 : vector<1x100xf32>
    %gt3A_124 = vector.broadcast %mul3A_64 : vector<4000x1xf32> to vector<4000x100xf32>
    %gt3A_125 = vector.broadcast %sub3A_123 : vector<1x100xf32> to vector<4000x100xf32>
    %gt3A_126 = arith.cmpf ogt, %gt3A_124, %gt3A_125 : vector<4000x100xf32>
    %and3A_127 = arith.andi %and3A_119, %gt3A_126 : vector<4000x100xi1>
    %mul3A_128 = arith.constant 2.500000e+00 : f32
    %mul3A_129 = vector.broadcast %mul3A_128 : f32 to vector<1x100xf32>
    %mul3A_130 = arith.mulf %mul3A_129, %sub3A_104 : vector<1x100xf32>
    %add3A_131 = arith.addf %mul3A_72, %mul3A_130 : vector<1x100xf32>
    %lt3A_132 = vector.broadcast %mul3A_64 : vector<4000x1xf32> to vector<4000x100xf32>
    %lt3A_133 = vector.broadcast %add3A_131 : vector<1x100xf32> to vector<4000x100xf32>
    %lt3A_134 = arith.cmpf olt, %lt3A_132, %lt3A_133 : vector<4000x100xf32>
    %and3A_135 = arith.andi %and3A_127, %lt3A_134 : vector<4000x100xi1>
    %convert_element_type3A_136 = arith.extui %and3A_102 : vector<4000x100xi1> to vector<4000x100xi32>
    %reduce_sum3A = arith.constant dense<0> : vector<4000xi32>
    %reduce_sum3A_137 = vector.multi_reduction <add>, %convert_element_type3A_136, %reduce_sum3A [1] : vector<4000x100xi32> to vector<4000xi32>
    %broadcast_in_dim3A = vector.shape_cast %reduce_sum3A_137 : vector<4000xi32> to vector<4000x1xi32>
    %gt3A_138 = arith.constant 0 : i32
    %gt3A_139 = vector.broadcast %gt3A_138 : i32 to vector<4000x1xi32>
    %gt3A_140 = arith.cmpi sgt, %broadcast_in_dim3A, %gt3A_139 : vector<4000x1xi32>
    %convert_element_type3A_141 = arith.extui %and3A_135 : vector<4000x100xi1> to vector<4000x100xi32>
    %reduce_sum3A_142 = arith.constant dense<0> : vector<4000xi32>
    %reduce_sum3A_143 = vector.multi_reduction <add>, %convert_element_type3A_141, %reduce_sum3A_142 [1] : vector<4000x100xi32> to vector<4000xi32>
    %broadcast_in_dim3A_144 = vector.shape_cast %reduce_sum3A_143 : vector<4000xi32> to vector<4000x1xi32>
    %gt3A_145 = arith.constant 0 : i32
    %gt3A_146 = vector.broadcast %gt3A_145 : i32 to vector<4000x1xi32>
    %gt3A_147 = arith.cmpi sgt, %broadcast_in_dim3A_144, %gt3A_146 : vector<4000x1xi32>
    %or3A = arith.ori %gt3A_140, %gt3A_147 : vector<4000x1xi1>
    %and3A_148 = arith.andi %and3A_102, %and3A_135 : vector<4000x100xi1>
    %iota3A = tpu.iota {dimensions = array<i32: 0>} : vector<80x100xi32>
    %eq3A_149 = vector.broadcast %get3A_20 : vector<1x100xi32> to vector<80x100xi32>
    %eq3A_150 = arith.cmpi eq, %iota3A, %eq3A_149 : vector<80x100xi32>
    %convert_element_type3A_151 = arith.extui %eq3A_150 : vector<80x100xi1> to vector<80x100xi32>
    %convert_element_type3A_152 = arith.sitofp %convert_element_type3A_151 : vector<80x100xi32> to vector<80x100xf32>
    %dot_general3A = arith.constant dense<0.000000e+00> : vector<4000x100xf32>
    %dot_general3A_153 = tpu.matmul %get3A_5, %convert_element_type3A_152, %dot_general3A {dimension_numbers = #tpu.dot_dimension_numbers<[1], [0], [0], [1], [0, 0, 1, 1], [], []>, precision = #tpu.contract_precision<fp32>, transpose_lhs_hint = false} : vector<4000x80xf32>, vector<80x100xf32>, vector<4000x100xf32> -> vector<4000x100xf32>
    %logistic3A = arith.negf %dot_general3A_153 : vector<4000x100xf32>
    %logistic3A_154 = math.exp %logistic3A : vector<4000x100xf32>
    %logistic3A_155 = arith.constant 1.000000e+00 : f32
    %logistic3A_156 = vector.broadcast %logistic3A_155 : f32 to vector<4000x100xf32>
    %logistic3A_157 = arith.addf %logistic3A_156, %logistic3A_154 : vector<4000x100xf32>
    %logistic3A_158 = arith.divf %logistic3A_156, %logistic3A_157 : vector<4000x100xf32>
    %mul3A_159 = arith.mulf %logistic3A_158, %logistic3A_158 : vector<4000x100xf32>
    %mul3A_160 = arith.constant 7.500000e-01 : f32
    %mul3A_161 = vector.broadcast %mul3A_160 : f32 to vector<4000x100xf32>
    %mul3A_162 = arith.mulf %mul3A_161, %mul3A_159 : vector<4000x100xf32>
    %sub3A_163 = arith.constant 1.000000e+00 : f32
    %sub3A_164 = vector.broadcast %sub3A_163 : f32 to vector<4000x100xf32>
    %sub3A_165 = arith.subf %sub3A_164, %logistic3A_158 : vector<4000x100xf32>
    %add3A_166 = arith.constant 9.99999993E-9 : f32
    %add3A_167 = vector.broadcast %add3A_166 : f32 to vector<4000x100xf32>
    %add3A_168 = arith.addf %sub3A_165, %add3A_167 : vector<4000x100xf32>
    %log3A = math.log %add3A_168 : vector<4000x100xf32>
    %neg3A = arith.constant 0.000000e+00 : f32
    %neg3A_169 = vector.broadcast %neg3A : f32 to vector<4000x100xf32>
    %neg3A_170 = arith.subf %neg3A_169, %log3A : vector<4000x100xf32>
    %mul3A_171 = arith.mulf %mul3A_162, %neg3A_170 : vector<4000x100xf32>
    %sub3A_172 = arith.constant 1.000000e+00 : f32
    %sub3A_173 = vector.broadcast %sub3A_172 : f32 to vector<4000x100xf32>
    %sub3A_174 = arith.subf %sub3A_173, %logistic3A_158 : vector<4000x100xf32>
    %sub3A_175 = arith.constant 1.000000e+00 : f32
    %sub3A_176 = vector.broadcast %sub3A_175 : f32 to vector<4000x100xf32>
    %sub3A_177 = arith.subf %sub3A_176, %logistic3A_158 : vector<4000x100xf32>
    %mul3A_178 = arith.mulf %sub3A_174, %sub3A_177 : vector<4000x100xf32>
    %mul3A_179 = arith.constant 2.500000e-01 : f32
    %mul3A_180 = vector.broadcast %mul3A_179 : f32 to vector<4000x100xf32>
    %mul3A_181 = arith.mulf %mul3A_180, %mul3A_178 : vector<4000x100xf32>
    %add3A_182 = arith.constant 9.99999993E-9 : f32
    %add3A_183 = vector.broadcast %add3A_182 : f32 to vector<4000x100xf32>
    %add3A_184 = arith.addf %logistic3A_158, %add3A_183 : vector<4000x100xf32>
    %log3A_185 = math.log %add3A_184 : vector<4000x100xf32>
    %neg3A_186 = arith.constant 0.000000e+00 : f32
    %neg3A_187 = vector.broadcast %neg3A_186 : f32 to vector<4000x100xf32>
    %neg3A_188 = arith.subf %neg3A_187, %log3A_185 : vector<4000x100xf32>
    %mul3A_189 = arith.mulf %mul3A_181, %neg3A_188 : vector<4000x100xf32>
    %sub3A_190 = arith.subf %mul3A_189, %mul3A_171 : vector<4000x100xf32>
    %sub3A_191 = vector.broadcast %sub3A : vector<4000x1xf32> to vector<4000x100xf32>
    %sub3A_192 = vector.broadcast %sub3A_44 : vector<1x100xf32> to vector<4000x100xf32>
    %sub3A_193 = arith.subf %sub3A_191, %sub3A_192 : vector<4000x100xf32>
    %abs3A = math.absf %sub3A_193 : vector<4000x100xf32>
    %sub3A_194 = vector.broadcast %sub3A_29 : vector<4000x1xf32> to vector<4000x100xf32>
    %sub3A_195 = vector.broadcast %sub3A_48 : vector<1x100xf32> to vector<4000x100xf32>
    %sub3A_196 = arith.subf %sub3A_194, %sub3A_195 : vector<4000x100xf32>
    %abs3A_197 = math.absf %sub3A_196 : vector<4000x100xf32>
    %add3A_198 = arith.addf %abs3A, %abs3A_197 : vector<4000x100xf32>
    %sub3A_199 = vector.broadcast %add3A : vector<4000x1xf32> to vector<4000x100xf32>
    %sub3A_200 = vector.broadcast %add3A_52 : vector<1x100xf32> to vector<4000x100xf32>
    %sub3A_201 = arith.subf %sub3A_199, %sub3A_200 : vector<4000x100xf32>
    %abs3A_202 = math.absf %sub3A_201 : vector<4000x100xf32>
    %add3A_203 = arith.addf %add3A_198, %abs3A_202 : vector<4000x100xf32>
    %sub3A_204 = vector.broadcast %add3A_36 : vector<4000x1xf32> to vector<4000x100xf32>
    %sub3A_205 = vector.broadcast %add3A_56 : vector<1x100xf32> to vector<4000x100xf32>
    %sub3A_206 = arith.subf %sub3A_204, %sub3A_205 : vector<4000x100xf32>
    %abs3A_207 = math.absf %sub3A_206 : vector<4000x100xf32>
    %add3A_208 = arith.addf %add3A_203, %abs3A_207 : vector<4000x100xf32>
    %sub3A_209 = arith.subf %add3A, %sub3A : vector<4000x1xf32>
    %sub3A_210 = arith.subf %add3A_36, %sub3A_29 : vector<4000x1xf32>
    %mul3A_211 = arith.mulf %sub3A_209, %sub3A_210 : vector<4000x1xf32>
    %sub3A_212 = arith.subf %add3A_52, %sub3A_44 : vector<1x100xf32>
    %sub3A_213 = arith.subf %add3A_56, %sub3A_48 : vector<1x100xf32>
    %mul3A_214 = arith.mulf %sub3A_212, %sub3A_213 : vector<1x100xf32>
    %max3A = vector.broadcast %sub3A : vector<4000x1xf32> to vector<4000x100xf32>
    %max3A_215 = vector.broadcast %sub3A_44 : vector<1x100xf32> to vector<4000x100xf32>
    %max3A_216 = arith.maximumf %max3A, %max3A_215 : vector<4000x100xf32>
    %max3A_217 = vector.broadcast %sub3A_29 : vector<4000x1xf32> to vector<4000x100xf32>
    %max3A_218 = vector.broadcast %sub3A_48 : vector<1x100xf32> to vector<4000x100xf32>
    %max3A_219 = arith.maximumf %max3A_217, %max3A_218 : vector<4000x100xf32>
    %min3A = vector.broadcast %add3A : vector<4000x1xf32> to vector<4000x100xf32>
    %min3A_220 = vector.broadcast %add3A_52 : vector<1x100xf32> to vector<4000x100xf32>
    %min3A_221 = arith.minimumf %min3A, %min3A_220 : vector<4000x100xf32>
    %min3A_222 = vector.broadcast %add3A_36 : vector<4000x1xf32> to vector<4000x100xf32>
    %min3A_223 = vector.broadcast %add3A_56 : vector<1x100xf32> to vector<4000x100xf32>
    %min3A_224 = arith.minimumf %min3A_222, %min3A_223 : vector<4000x100xf32>
    %sub3A_225 = arith.subf %min3A_221, %max3A_216 : vector<4000x100xf32>
    %max3A_226 = arith.constant 0.000000e+00 : f32
    %max3A_227 = vector.broadcast %max3A_226 : f32 to vector<4000x100xf32>
    %max3A_228 = arith.maximumf %sub3A_225, %max3A_227 : vector<4000x100xf32>
    %sub3A_229 = arith.subf %min3A_224, %max3A_219 : vector<4000x100xf32>
    %max3A_230 = arith.constant 0.000000e+00 : f32
    %max3A_231 = vector.broadcast %max3A_230 : f32 to vector<4000x100xf32>
    %max3A_232 = arith.maximumf %sub3A_229, %max3A_231 : vector<4000x100xf32>
    %mul3A_233 = arith.mulf %max3A_228, %max3A_232 : vector<4000x100xf32>
    %add3A_234 = vector.broadcast %mul3A_211 : vector<4000x1xf32> to vector<4000x100xf32>
    %add3A_235 = vector.broadcast %mul3A_214 : vector<1x100xf32> to vector<4000x100xf32>
    %add3A_236 = arith.addf %add3A_234, %add3A_235 : vector<4000x100xf32>
    %sub3A_237 = arith.subf %add3A_236, %mul3A_233 : vector<4000x100xf32>
    %div3A = arith.divf %mul3A_233, %sub3A_237 : vector<4000x100xf32>
    %min3A_238 = vector.broadcast %sub3A : vector<4000x1xf32> to vector<4000x100xf32>
    %min3A_239 = vector.broadcast %sub3A_44 : vector<1x100xf32> to vector<4000x100xf32>
    %min3A_240 = arith.minimumf %min3A_238, %min3A_239 : vector<4000x100xf32>
    %min3A_241 = vector.broadcast %sub3A_29 : vector<4000x1xf32> to vector<4000x100xf32>
    %min3A_242 = vector.broadcast %sub3A_48 : vector<1x100xf32> to vector<4000x100xf32>
    %min3A_243 = arith.minimumf %min3A_241, %min3A_242 : vector<4000x100xf32>
    %max3A_244 = vector.broadcast %add3A : vector<4000x1xf32> to vector<4000x100xf32>
    %max3A_245 = vector.broadcast %add3A_52 : vector<1x100xf32> to vector<4000x100xf32>
    %max3A_246 = arith.maximumf %max3A_244, %max3A_245 : vector<4000x100xf32>
    %max3A_247 = vector.broadcast %add3A_36 : vector<4000x1xf32> to vector<4000x100xf32>
    %max3A_248 = vector.broadcast %add3A_56 : vector<1x100xf32> to vector<4000x100xf32>
    %max3A_249 = arith.maximumf %max3A_247, %max3A_248 : vector<4000x100xf32>
    %sub3A_250 = arith.subf %max3A_246, %min3A_240 : vector<4000x100xf32>
    %max3A_251 = arith.constant 0.000000e+00 : f32
    %max3A_252 = vector.broadcast %max3A_251 : f32 to vector<4000x100xf32>
    %max3A_253 = arith.maximumf %sub3A_250, %max3A_252 : vector<4000x100xf32>
    %sub3A_254 = arith.subf %max3A_249, %min3A_243 : vector<4000x100xf32>
    %max3A_255 = arith.constant 0.000000e+00 : f32
    %max3A_256 = vector.broadcast %max3A_255 : f32 to vector<4000x100xf32>
    %max3A_257 = arith.maximumf %sub3A_254, %max3A_256 : vector<4000x100xf32>
    %mul3A_258 = arith.mulf %max3A_253, %max3A_257 : vector<4000x100xf32>
    %sub3A_259 = arith.subf %mul3A_258, %sub3A_237 : vector<4000x100xf32>
    %div3A_260 = arith.divf %sub3A_259, %mul3A_258 : vector<4000x100xf32>
    %sub3A_261 = arith.subf %div3A, %div3A_260 : vector<4000x100xf32>
    %neg3A_262 = arith.constant 0.000000e+00 : f32
    %neg3A_263 = vector.broadcast %neg3A_262 : f32 to vector<4000x100xf32>
    %neg3A_264 = arith.subf %neg3A_263, %sub3A_261 : vector<4000x100xf32>
    %mul3A_265 = arith.constant 5.000000e+00 : f32
    %mul3A_266 = vector.broadcast %mul3A_265 : f32 to vector<4000x100xf32>
    %mul3A_267 = arith.mulf %mul3A_266, %add3A_208 : vector<4000x100xf32>
    %mul3A_268 = arith.constant 2.000000e+00 : f32
    %mul3A_269 = vector.broadcast %mul3A_268 : f32 to vector<4000x100xf32>
    %mul3A_270 = arith.mulf %mul3A_269, %sub3A_190 : vector<4000x100xf32>
    %add3A_271 = arith.addf %mul3A_267, %mul3A_270 : vector<4000x100xf32>
    %mul3A_272 = arith.constant 2.000000e+00 : f32
    %mul3A_273 = vector.broadcast %mul3A_272 : f32 to vector<4000x100xf32>
    %mul3A_274 = arith.mulf %mul3A_273, %neg3A_264 : vector<4000x100xf32>
    %add3A_275 = arith.addf %add3A_271, %mul3A_274 : vector<4000x100xf32>
    %not3A = arith.constant dense<true> : vector<4000x100xi1>
    %not3A_276 = arith.xori %and3A_148, %not3A : vector<4000x100xi1>
    %convert_element_type3A_277 = arith.extui %not3A_276 : vector<4000x100xi1> to vector<4000x100xi32>
    %convert_element_type3A_278 = arith.sitofp %convert_element_type3A_277 : vector<4000x100xi32> to vector<4000x100xf32>
    %mul3A_279 = arith.constant 1.000000e+02 : f32
    %mul3A_280 = vector.broadcast %mul3A_279 : f32 to vector<4000x100xf32>
    %mul3A_281 = arith.mulf %mul3A_280, %convert_element_type3A_278 : vector<4000x100xf32>
    %add3A_282 = arith.addf %add3A_275, %mul3A_281 : vector<4000x100xf32>
    %add3A_283 = arith.constant 1.000000e+04 : f32
    %add3A_284 = vector.broadcast %add3A_283 : f32 to vector<4000x100xf32>
    %add3A_285 = arith.addf %add3A_282, %add3A_284 : vector<4000x100xf32>
    %broadcast_in_dim3A_286 = vector.shape_cast %or3A : vector<4000x1xi1> to vector<4000x1xi1>
    %broadcast_in_dim3A_287 = vector.broadcast %broadcast_in_dim3A_286 : vector<4000x1xi1> to vector<4000x100xi1>
    %select_n3A = arith.select %broadcast_in_dim3A_287, %add3A_282, %add3A_285 : vector<4000x100xi1>, vector<4000x100xf32>
    %swap3A = arith.constant 0 : index
    %swap3A_288 = arith.constant 0 : index
    %swap3A_289 = arith.constant 0 : index
    %swap3A_290 = vector.load %arg6[%swap3A, %swap3A_288, %swap3A_289] : memref<1x4000x100xf32, #tpu.memory_space<vmem>>, vector<1x4000x100xf32>
    %swap3A_291 = vector.shape_cast %swap3A_290 : vector<1x4000x100xf32> to vector<4000x100xf32>
    %swap3A_292 = vector.shape_cast %select_n3A : vector<4000x100xf32> to vector<1x4000x100xf32>
    tpu.vector_store %arg6[%swap3A, %swap3A_288, %swap3A_289], %swap3A_292 {strides = array<i32>} : memref<1x4000x100xf32, #tpu.memory_space<vmem>>, vector<1x4000x100xf32>,
    %iota3A_293 = tpu.iota {dimensions = array<i32: 0>} : vector<4000x100xi32>
    %mul3A_294 = arith.constant 4000 : i32
    %mul3A_295 = arith.muli %arg1, %mul3A_294 : i32
    %add3A_296 = vector.broadcast %mul3A_295 : i32 to vector<4000x100xi32>
    %add3A_297 = arith.addi %iota3A_293, %add3A_296 : vector<4000x100xi32>
    %reduce_min3A = arith.constant dense<0x7F800000> : vector<100xf32>
    %reduce_min3A_298 = vector.multi_reduction <minimumf>, %select_n3A, %reduce_min3A [0] : vector<4000x100xf32> to vector<100xf32>
    %broadcast_in_dim3A_299 = vector.shape_cast %reduce_min3A_298 : vector<100xf32> to vector<1x100xf32>
    %eq3A_300 = vector.broadcast %broadcast_in_dim3A_299 : vector<1x100xf32> to vector<4000x100xf32>
    %eq3A_301 = arith.cmpf oeq, %select_n3A, %eq3A_300 : vector<4000x100xf32>
    %jit3A = arith.constant 2147483647 : i32
    %broadcast_in_dim3A_302 = vector.broadcast %jit3A : i32 to vector<4000x100xi32>
    %select_n3A_303 = arith.select %eq3A_301, %add3A_297, %broadcast_in_dim3A_302 : vector<4000x100xi1>, vector<4000x100xi32>
    %reduce_min3A_304 = arith.constant dense<2147483647> : vector<100xi32>
    %reduce_min3A_305 = vector.multi_reduction <minsi>, %select_n3A_303, %reduce_min3A_304 [0] : vector<4000x100xi32> to vector<100xi32>
    %broadcast_in_dim3A_306 = vector.shape_cast %reduce_min3A_305 : vector<100xi32> to vector<1x100xi32>
    %get3A_307 = arith.constant 0 : index
    %get3A_308 = arith.constant 0 : index
    %get3A_309 = vector.load %arg9[%get3A_307, %get3A_308] : memref<5x100xf32, #tpu.memory_space<vmem>>, vector<1x100xf32>
    %get3A_310 = arith.constant 0 : index
    %get3A_311 = arith.constant 0 : index
    %get3A_312 = vector.load %arg10[%get3A_310, %get3A_311] : memref<5x100xi32, #tpu.memory_space<vmem>>, vector<1x100xi32>
    %lt3A_313 = arith.cmpf olt, %broadcast_in_dim3A_299, %get3A_309 : vector<1x100xf32>
    %eq3A_314 = arith.cmpf oeq, %broadcast_in_dim3A_299, %get3A_309 : vector<1x100xf32>
    %lt3A_315 = arith.cmpi slt, %broadcast_in_dim3A_306, %get3A_312 : vector<1x100xi32>
    %and3A_316 = arith.andi %eq3A_314, %lt3A_315 : vector<1x100xi1>
    %or3A_317 = arith.ori %lt3A_313, %and3A_316 : vector<1x100xi1>
    %select_n3A_318 = arith.select %or3A_317, %broadcast_in_dim3A_299, %get3A_309 : vector<1x100xi1>, vector<1x100xf32>
    %select_n3A_319 = arith.select %or3A_317, %broadcast_in_dim3A_306, %get3A_312 : vector<1x100xi1>, vector<1x100xi32>
    %select_n3A_320 = arith.select %or3A_317, %get3A_309, %broadcast_in_dim3A_299 : vector<1x100xi1>, vector<1x100xf32>
    %select_n3A_321 = arith.select %or3A_317, %get3A_312, %broadcast_in_dim3A_306 : vector<1x100xi1>, vector<1x100xi32>
    %swap3A_322 = arith.constant 0 : index
    %swap3A_323 = arith.constant 0 : index
    %swap3A_324 = vector.load %arg9[%swap3A_322, %swap3A_323] : memref<5x100xf32, #tpu.memory_space<vmem>>, vector<1x100xf32>
    tpu.vector_store %arg9[%swap3A_322, %swap3A_323], %select_n3A_318 {strides = array<i32>} : memref<5x100xf32, #tpu.memory_space<vmem>>, vector<1x100xf32>,
    %swap3A_325 = arith.constant 0 : index
    %swap3A_326 = arith.constant 0 : index
    %swap3A_327 = vector.load %arg10[%swap3A_325, %swap3A_326] : memref<5x100xi32, #tpu.memory_space<vmem>>, vector<1x100xi32>
    tpu.vector_store %arg10[%swap3A_325, %swap3A_326], %select_n3A_319 {strides = array<i32>} : memref<5x100xi32, #tpu.memory_space<vmem>>, vector<1x100xi32>,
    %get3A_328 = arith.constant 1 : index
    %get3A_329 = arith.constant 0 : index
    %get3A_330 = vector.load %arg9[%get3A_328, %get3A_329] : memref<5x100xf32, #tpu.memory_space<vmem>>, vector<1x100xf32>
    %get3A_331 = arith.constant 1 : index
    %get3A_332 = arith.constant 0 : index
    %get3A_333 = vector.load %arg10[%get3A_331, %get3A_332] : memref<5x100xi32, #tpu.memory_space<vmem>>, vector<1x100xi32>
    %lt3A_334 = arith.cmpf olt, %select_n3A_320, %get3A_330 : vector<1x100xf32>
    %eq3A_335 = arith.cmpf oeq, %select_n3A_320, %get3A_330 : vector<1x100xf32>
    %lt3A_336 = arith.cmpi slt, %select_n3A_321, %get3A_333 : vector<1x100xi32>
    %and3A_337 = arith.andi %eq3A_335, %lt3A_336 : vector<1x100xi1>
    %or3A_338 = arith.ori %lt3A_334, %and3A_337 : vector<1x100xi1>
    %select_n3A_339 = arith.select %or3A_338, %select_n3A_320, %get3A_330 : vector<1x100xi1>, vector<1x100xf32>
    %select_n3A_340 = arith.select %or3A_338, %select_n3A_321, %get3A_333 : vector<1x100xi1>, vector<1x100xi32>
    %select_n3A_341 = arith.select %or3A_338, %get3A_330, %select_n3A_320 : vector<1x100xi1>, vector<1x100xf32>
    %select_n3A_342 = arith.select %or3A_338, %get3A_333, %select_n3A_321 : vector<1x100xi1>, vector<1x100xi32>
    %swap3A_343 = arith.constant 1 : index
    %swap3A_344 = arith.constant 0 : index
    %swap3A_345 = vector.load %arg9[%swap3A_343, %swap3A_344] : memref<5x100xf32, #tpu.memory_space<vmem>>, vector<1x100xf32>
    tpu.vector_store %arg9[%swap3A_343, %swap3A_344], %select_n3A_339 {strides = array<i32>} : memref<5x100xf32, #tpu.memory_space<vmem>>, vector<1x100xf32>,
    %swap3A_346 = arith.constant 1 : index
    %swap3A_347 = arith.constant 0 : index
    %swap3A_348 = vector.load %arg10[%swap3A_346, %swap3A_347] : memref<5x100xi32, #tpu.memory_space<vmem>>, vector<1x100xi32>
    tpu.vector_store %arg10[%swap3A_346, %swap3A_347], %select_n3A_340 {strides = array<i32>} : memref<5x100xi32, #tpu.memory_space<vmem>>, vector<1x100xi32>,
    %get3A_349 = arith.constant 2 : index
    %get3A_350 = arith.constant 0 : index
    %get3A_351 = vector.load %arg9[%get3A_349, %get3A_350] : memref<5x100xf32, #tpu.memory_space<vmem>>, vector<1x100xf32>
    %get3A_352 = arith.constant 2 : index
    %get3A_353 = arith.constant 0 : index
    %get3A_354 = vector.load %arg10[%get3A_352, %get3A_353] : memref<5x100xi32, #tpu.memory_space<vmem>>, vector<1x100xi32>
    %lt3A_355 = arith.cmpf olt, %select_n3A_341, %get3A_351 : vector<1x100xf32>
    %eq3A_356 = arith.cmpf oeq, %select_n3A_341, %get3A_351 : vector<1x100xf32>
    %lt3A_357 = arith.cmpi slt, %select_n3A_342, %get3A_354 : vector<1x100xi32>
    %and3A_358 = arith.andi %eq3A_356, %lt3A_357 : vector<1x100xi1>
    %or3A_359 = arith.ori %lt3A_355, %and3A_358 : vector<1x100xi1>
    %select_n3A_360 = arith.select %or3A_359, %select_n3A_341, %get3A_351 : vector<1x100xi1>, vector<1x100xf32>
    %select_n3A_361 = arith.select %or3A_359, %select_n3A_342, %get3A_354 : vector<1x100xi1>, vector<1x100xi32>
    %select_n3A_362 = arith.select %or3A_359, %get3A_351, %select_n3A_341 : vector<1x100xi1>, vector<1x100xf32>
    %select_n3A_363 = arith.select %or3A_359, %get3A_354, %select_n3A_342 : vector<1x100xi1>, vector<1x100xi32>
    %swap3A_364 = arith.constant 2 : index
    %swap3A_365 = arith.constant 0 : index
    %swap3A_366 = vector.load %arg9[%swap3A_364, %swap3A_365] : memref<5x100xf32, #tpu.memory_space<vmem>>, vector<1x100xf32>
    tpu.vector_store %arg9[%swap3A_364, %swap3A_365], %select_n3A_360 {strides = array<i32>} : memref<5x100xf32, #tpu.memory_space<vmem>>, vector<1x100xf32>,
    %swap3A_367 = arith.constant 2 : index
    %swap3A_368 = arith.constant 0 : index
    %swap3A_369 = vector.load %arg10[%swap3A_367, %swap3A_368] : memref<5x100xi32, #tpu.memory_space<vmem>>, vector<1x100xi32>
    tpu.vector_store %arg10[%swap3A_367, %swap3A_368], %select_n3A_361 {strides = array<i32>} : memref<5x100xi32, #tpu.memory_space<vmem>>, vector<1x100xi32>,
    %get3A_370 = arith.constant 3 : index
    %get3A_371 = arith.constant 0 : index
    %get3A_372 = vector.load %arg9[%get3A_370, %get3A_371] : memref<5x100xf32, #tpu.memory_space<vmem>>, vector<1x100xf32>
    %get3A_373 = arith.constant 3 : index
    %get3A_374 = arith.constant 0 : index
    %get3A_375 = vector.load %arg10[%get3A_373, %get3A_374] : memref<5x100xi32, #tpu.memory_space<vmem>>, vector<1x100xi32>
    %lt3A_376 = arith.cmpf olt, %select_n3A_362, %get3A_372 : vector<1x100xf32>
    %eq3A_377 = arith.cmpf oeq, %select_n3A_362, %get3A_372 : vector<1x100xf32>
    %lt3A_378 = arith.cmpi slt, %select_n3A_363, %get3A_375 : vector<1x100xi32>
    %and3A_379 = arith.andi %eq3A_377, %lt3A_378 : vector<1x100xi1>
    %or3A_380 = arith.ori %lt3A_376, %and3A_379 : vector<1x100xi1>
    %select_n3A_381 = arith.select %or3A_380, %select_n3A_362, %get3A_372 : vector<1x100xi1>, vector<1x100xf32>
    %select_n3A_382 = arith.select %or3A_380, %select_n3A_363, %get3A_375 : vector<1x100xi1>, vector<1x100xi32>
    %select_n3A_383 = arith.select %or3A_380, %get3A_372, %select_n3A_362 : vector<1x100xi1>, vector<1x100xf32>
    %select_n3A_384 = arith.select %or3A_380, %get3A_375, %select_n3A_363 : vector<1x100xi1>, vector<1x100xi32>
    %swap3A_385 = arith.constant 3 : index
    %swap3A_386 = arith.constant 0 : index
    %swap3A_387 = vector.load %arg9[%swap3A_385, %swap3A_386] : memref<5x100xf32, #tpu.memory_space<vmem>>, vector<1x100xf32>
    tpu.vector_store %arg9[%swap3A_385, %swap3A_386], %select_n3A_381 {strides = array<i32>} : memref<5x100xf32, #tpu.memory_space<vmem>>, vector<1x100xf32>,
    %swap3A_388 = arith.constant 3 : index
    %swap3A_389 = arith.constant 0 : index
    %swap3A_390 = vector.load %arg10[%swap3A_388, %swap3A_389] : memref<5x100xi32, #tpu.memory_space<vmem>>, vector<1x100xi32>
    tpu.vector_store %arg10[%swap3A_388, %swap3A_389], %select_n3A_382 {strides = array<i32>} : memref<5x100xi32, #tpu.memory_space<vmem>>, vector<1x100xi32>,
    %get3A_391 = arith.constant 4 : index
    %get3A_392 = arith.constant 0 : index
    %get3A_393 = vector.load %arg9[%get3A_391, %get3A_392] : memref<5x100xf32, #tpu.memory_space<vmem>>, vector<1x100xf32>
    %get3A_394 = arith.constant 4 : index
    %get3A_395 = arith.constant 0 : index
    %get3A_396 = vector.load %arg10[%get3A_394, %get3A_395] : memref<5x100xi32, #tpu.memory_space<vmem>>, vector<1x100xi32>
    %lt3A_397 = arith.cmpf olt, %select_n3A_383, %get3A_393 : vector<1x100xf32>
    %eq3A_398 = arith.cmpf oeq, %select_n3A_383, %get3A_393 : vector<1x100xf32>
    %lt3A_399 = arith.cmpi slt, %select_n3A_384, %get3A_396 : vector<1x100xi32>
    %and3A_400 = arith.andi %eq3A_398, %lt3A_399 : vector<1x100xi1>
    %or3A_401 = arith.ori %lt3A_397, %and3A_400 : vector<1x100xi1>
    %select_n3A_402 = arith.select %or3A_401, %select_n3A_383, %get3A_393 : vector<1x100xi1>, vector<1x100xf32>
    %select_n3A_403 = arith.select %or3A_401, %select_n3A_384, %get3A_396 : vector<1x100xi1>, vector<1x100xi32>
    %swap3A_404 = arith.constant 4 : index
    %swap3A_405 = arith.constant 0 : index
    %swap3A_406 = vector.load %arg9[%swap3A_404, %swap3A_405] : memref<5x100xf32, #tpu.memory_space<vmem>>, vector<1x100xf32>
    tpu.vector_store %arg9[%swap3A_404, %swap3A_405], %select_n3A_402 {strides = array<i32>} : memref<5x100xf32, #tpu.memory_space<vmem>>, vector<1x100xf32>,
    %swap3A_407 = arith.constant 4 : index
    %swap3A_408 = arith.constant 0 : index
    %swap3A_409 = vector.load %arg10[%swap3A_407, %swap3A_408] : memref<5x100xi32, #tpu.memory_space<vmem>>, vector<1x100xi32>
    tpu.vector_store %arg10[%swap3A_407, %swap3A_408], %select_n3A_403 {strides = array<i32>} : memref<5x100xi32, #tpu.memory_space<vmem>>, vector<1x100xi32>,
    %eq3A_410 = vector.broadcast %broadcast_in_dim3A_306 : vector<1x100xi32> to vector<4000x100xi32>
    %eq3A_411 = arith.cmpi eq, %add3A_297, %eq3A_410 : vector<4000x100xi32>
    %jit3A_412 = arith.constant 0x7F800000 : f32
    %broadcast_in_dim3A_413 = vector.broadcast %jit3A_412 : f32 to vector<4000x100xf32>
    %select_n3A_414 = arith.select %eq3A_411, %broadcast_in_dim3A_413, %select_n3A : vector<4000x100xi1>, vector<4000x100xf32>
    %reduce_min3A_415 = arith.constant dense<0x7F800000> : vector<100xf32>
    %reduce_min3A_416 = vector.multi_reduction <minimumf>, %select_n3A_414, %reduce_min3A_415 [0] : vector<4000x100xf32> to vector<100xf32>
    %broadcast_in_dim3A_417 = vector.shape_cast %reduce_min3A_416 : vector<100xf32> to vector<1x100xf32>
    %eq3A_418 = vector.broadcast %broadcast_in_dim3A_417 : vector<1x100xf32> to vector<4000x100xf32>
    %eq3A_419 = arith.cmpf oeq, %select_n3A_414, %eq3A_418 : vector<4000x100xf32>
    %jit3A_420 = arith.constant 2147483647 : i32
    %broadcast_in_dim3A_421 = vector.broadcast %jit3A_420 : i32 to vector<4000x100xi32>
    %select_n3A_422 = arith.select %eq3A_419, %add3A_297, %broadcast_in_dim3A_421 : vector<4000x100xi1>, vector<4000x100xi32>
    %reduce_min3A_423 = arith.constant dense<2147483647> : vector<100xi32>
    %reduce_min3A_424 = vector.multi_reduction <minsi>, %select_n3A_422, %reduce_min3A_423 [0] : vector<4000x100xi32> to vector<100xi32>
    %broadcast_in_dim3A_425 = vector.shape_cast %reduce_min3A_424 : vector<100xi32> to vector<1x100xi32>
    %get3A_426 = arith.constant 0 : index
    %get3A_427 = arith.constant 0 : index
    %get3A_428 = vector.load %arg9[%get3A_426, %get3A_427] : memref<5x100xf32, #tpu.memory_space<vmem>>, vector<1x100xf32>
    %get3A_429 = arith.constant 0 : index
    %get3A_430 = arith.constant 0 : index
    %get3A_431 = vector.load %arg10[%get3A_429, %get3A_430] : memref<5x100xi32, #tpu.memory_space<vmem>>, vector<1x100xi32>
    %lt3A_432 = arith.cmpf olt, %broadcast_in_dim3A_417, %get3A_428 : vector<1x100xf32>
    %eq3A_433 = arith.cmpf oeq, %broadcast_in_dim3A_417, %get3A_428 : vector<1x100xf32>
    %lt3A_434 = arith.cmpi slt, %broadcast_in_dim3A_425, %get3A_431 : vector<1x100xi32>
    %and3A_435 = arith.andi %eq3A_433, %lt3A_434 : vector<1x100xi1>
    %or3A_436 = arith.ori %lt3A_432, %and3A_435 : vector<1x100xi1>
    %select_n3A_437 = arith.select %or3A_436, %broadcast_in_dim3A_417, %get3A_428 : vector<1x100xi1>, vector<1x100xf32>
    %select_n3A_438 = arith.select %or3A_436, %broadcast_in_dim3A_425, %get3A_431 : vector<1x100xi1>, vector<1x100xi32>
    %select_n3A_439 = arith.select %or3A_436, %get3A_428, %broadcast_in_dim3A_417 : vector<1x100xi1>, vector<1x100xf32>
    %select_n3A_440 = arith.select %or3A_436, %get3A_431, %broadcast_in_dim3A_425 : vector<1x100xi1>, vector<1x100xi32>
    %swap3A_441 = arith.constant 0 : index
    %swap3A_442 = arith.constant 0 : index
    %swap3A_443 = vector.load %arg9[%swap3A_441, %swap3A_442] : memref<5x100xf32, #tpu.memory_space<vmem>>, vector<1x100xf32>
    tpu.vector_store %arg9[%swap3A_441, %swap3A_442], %select_n3A_437 {strides = array<i32>} : memref<5x100xf32, #tpu.memory_space<vmem>>, vector<1x100xf32>,
    %swap3A_444 = arith.constant 0 : index
    %swap3A_445 = arith.constant 0 : index
    %swap3A_446 = vector.load %arg10[%swap3A_444, %swap3A_445] : memref<5x100xi32, #tpu.memory_space<vmem>>, vector<1x100xi32>
    tpu.vector_store %arg10[%swap3A_444, %swap3A_445], %select_n3A_438 {strides = array<i32>} : memref<5x100xi32, #tpu.memory_space<vmem>>, vector<1x100xi32>,
    %get3A_447 = arith.constant 1 : index
    %get3A_448 = arith.constant 0 : index
    %get3A_449 = vector.load %arg9[%get3A_447, %get3A_448] : memref<5x100xf32, #tpu.memory_space<vmem>>, vector<1x100xf32>
    %get3A_450 = arith.constant 1 : index
    %get3A_451 = arith.constant 0 : index
    %get3A_452 = vector.load %arg10[%get3A_450, %get3A_451] : memref<5x100xi32, #tpu.memory_space<vmem>>, vector<1x100xi32>
    %lt3A_453 = arith.cmpf olt, %select_n3A_439, %get3A_449 : vector<1x100xf32>
    %eq3A_454 = arith.cmpf oeq, %select_n3A_439, %get3A_449 : vector<1x100xf32>
    %lt3A_455 = arith.cmpi slt, %select_n3A_440, %get3A_452 : vector<1x100xi32>
    %and3A_456 = arith.andi %eq3A_454, %lt3A_455 : vector<1x100xi1>
    %or3A_457 = arith.ori %lt3A_453, %and3A_456 : vector<1x100xi1>
    %select_n3A_458 = arith.select %or3A_457, %select_n3A_439, %get3A_449 : vector<1x100xi1>, vector<1x100xf32>
    %select_n3A_459 = arith.select %or3A_457, %select_n3A_440, %get3A_452 : vector<1x100xi1>, vector<1x100xi32>
    %select_n3A_460 = arith.select %or3A_457, %get3A_449, %select_n3A_439 : vector<1x100xi1>, vector<1x100xf32>
    %select_n3A_461 = arith.select %or3A_457, %get3A_452, %select_n3A_440 : vector<1x100xi1>, vector<1x100xi32>
    %swap3A_462 = arith.constant 1 : index
    %swap3A_463 = arith.constant 0 : index
    %swap3A_464 = vector.load %arg9[%swap3A_462, %swap3A_463] : memref<5x100xf32, #tpu.memory_space<vmem>>, vector<1x100xf32>
    tpu.vector_store %arg9[%swap3A_462, %swap3A_463], %select_n3A_458 {strides = array<i32>} : memref<5x100xf32, #tpu.memory_space<vmem>>, vector<1x100xf32>,
    %swap3A_465 = arith.constant 1 : index
    %swap3A_466 = arith.constant 0 : index
    %swap3A_467 = vector.load %arg10[%swap3A_465, %swap3A_466] : memref<5x100xi32, #tpu.memory_space<vmem>>, vector<1x100xi32>
    tpu.vector_store %arg10[%swap3A_465, %swap3A_466], %select_n3A_459 {strides = array<i32>} : memref<5x100xi32, #tpu.memory_space<vmem>>, vector<1x100xi32>,
    %get3A_468 = arith.constant 2 : index
    %get3A_469 = arith.constant 0 : index
    %get3A_470 = vector.load %arg9[%get3A_468, %get3A_469] : memref<5x100xf32, #tpu.memory_space<vmem>>, vector<1x100xf32>
    %get3A_471 = arith.constant 2 : index
    %get3A_472 = arith.constant 0 : index
    %get3A_473 = vector.load %arg10[%get3A_471, %get3A_472] : memref<5x100xi32, #tpu.memory_space<vmem>>, vector<1x100xi32>
    %lt3A_474 = arith.cmpf olt, %select_n3A_460, %get3A_470 : vector<1x100xf32>
    %eq3A_475 = arith.cmpf oeq, %select_n3A_460, %get3A_470 : vector<1x100xf32>
    %lt3A_476 = arith.cmpi slt, %select_n3A_461, %get3A_473 : vector<1x100xi32>
    %and3A_477 = arith.andi %eq3A_475, %lt3A_476 : vector<1x100xi1>
    %or3A_478 = arith.ori %lt3A_474, %and3A_477 : vector<1x100xi1>
    %select_n3A_479 = arith.select %or3A_478, %select_n3A_460, %get3A_470 : vector<1x100xi1>, vector<1x100xf32>
    %select_n3A_480 = arith.select %or3A_478, %select_n3A_461, %get3A_473 : vector<1x100xi1>, vector<1x100xi32>
    %select_n3A_481 = arith.select %or3A_478, %get3A_470, %select_n3A_460 : vector<1x100xi1>, vector<1x100xf32>
    %select_n3A_482 = arith.select %or3A_478, %get3A_473, %select_n3A_461 : vector<1x100xi1>, vector<1x100xi32>
    %swap3A_483 = arith.constant 2 : index
    %swap3A_484 = arith.constant 0 : index
    %swap3A_485 = vector.load %arg9[%swap3A_483, %swap3A_484] : memref<5x100xf32, #tpu.memory_space<vmem>>, vector<1x100xf32>
    tpu.vector_store %arg9[%swap3A_483, %swap3A_484], %select_n3A_479 {strides = array<i32>} : memref<5x100xf32, #tpu.memory_space<vmem>>, vector<1x100xf32>,
    %swap3A_486 = arith.constant 2 : index
    %swap3A_487 = arith.constant 0 : index
    %swap3A_488 = vector.load %arg10[%swap3A_486, %swap3A_487] : memref<5x100xi32, #tpu.memory_space<vmem>>, vector<1x100xi32>
    tpu.vector_store %arg10[%swap3A_486, %swap3A_487], %select_n3A_480 {strides = array<i32>} : memref<5x100xi32, #tpu.memory_space<vmem>>, vector<1x100xi32>,
    %get3A_489 = arith.constant 3 : index
    %get3A_490 = arith.constant 0 : index
    %get3A_491 = vector.load %arg9[%get3A_489, %get3A_490] : memref<5x100xf32, #tpu.memory_space<vmem>>, vector<1x100xf32>
    %get3A_492 = arith.constant 3 : index
    %get3A_493 = arith.constant 0 : index
    %get3A_494 = vector.load %arg10[%get3A_492, %get3A_493] : memref<5x100xi32, #tpu.memory_space<vmem>>, vector<1x100xi32>
    %lt3A_495 = arith.cmpf olt, %select_n3A_481, %get3A_491 : vector<1x100xf32>
    %eq3A_496 = arith.cmpf oeq, %select_n3A_481, %get3A_491 : vector<1x100xf32>
    %lt3A_497 = arith.cmpi slt, %select_n3A_482, %get3A_494 : vector<1x100xi32>
    %and3A_498 = arith.andi %eq3A_496, %lt3A_497 : vector<1x100xi1>
    %or3A_499 = arith.ori %lt3A_495, %and3A_498 : vector<1x100xi1>
    %select_n3A_500 = arith.select %or3A_499, %select_n3A_481, %get3A_491 : vector<1x100xi1>, vector<1x100xf32>
    %select_n3A_501 = arith.select %or3A_499, %select_n3A_482, %get3A_494 : vector<1x100xi1>, vector<1x100xi32>
    %select_n3A_502 = arith.select %or3A_499, %get3A_491, %select_n3A_481 : vector<1x100xi1>, vector<1x100xf32>
    %select_n3A_503 = arith.select %or3A_499, %get3A_494, %select_n3A_482 : vector<1x100xi1>, vector<1x100xi32>
    %swap3A_504 = arith.constant 3 : index
    %swap3A_505 = arith.constant 0 : index
    %swap3A_506 = vector.load %arg9[%swap3A_504, %swap3A_505] : memref<5x100xf32, #tpu.memory_space<vmem>>, vector<1x100xf32>
    tpu.vector_store %arg9[%swap3A_504, %swap3A_505], %select_n3A_500 {strides = array<i32>} : memref<5x100xf32, #tpu.memory_space<vmem>>, vector<1x100xf32>,
    %swap3A_507 = arith.constant 3 : index
    %swap3A_508 = arith.constant 0 : index
    %swap3A_509 = vector.load %arg10[%swap3A_507, %swap3A_508] : memref<5x100xi32, #tpu.memory_space<vmem>>, vector<1x100xi32>
    tpu.vector_store %arg10[%swap3A_507, %swap3A_508], %select_n3A_501 {strides = array<i32>} : memref<5x100xi32, #tpu.memory_space<vmem>>, vector<1x100xi32>,
    %get3A_510 = arith.constant 4 : index
    %get3A_511 = arith.constant 0 : index
    %get3A_512 = vector.load %arg9[%get3A_510, %get3A_511] : memref<5x100xf32, #tpu.memory_space<vmem>>, vector<1x100xf32>
    %get3A_513 = arith.constant 4 : index
    %get3A_514 = arith.constant 0 : index
    %get3A_515 = vector.load %arg10[%get3A_513, %get3A_514] : memref<5x100xi32, #tpu.memory_space<vmem>>, vector<1x100xi32>
    %lt3A_516 = arith.cmpf olt, %select_n3A_502, %get3A_512 : vector<1x100xf32>
    %eq3A_517 = arith.cmpf oeq, %select_n3A_502, %get3A_512 : vector<1x100xf32>
    %lt3A_518 = arith.cmpi slt, %select_n3A_503, %get3A_515 : vector<1x100xi32>
    %and3A_519 = arith.andi %eq3A_517, %lt3A_518 : vector<1x100xi1>
    %or3A_520 = arith.ori %lt3A_516, %and3A_519 : vector<1x100xi1>
    %select_n3A_521 = arith.select %or3A_520, %select_n3A_502, %get3A_512 : vector<1x100xi1>, vector<1x100xf32>
    %select_n3A_522 = arith.select %or3A_520, %select_n3A_503, %get3A_515 : vector<1x100xi1>, vector<1x100xi32>
    %swap3A_523 = arith.constant 4 : index
    %swap3A_524 = arith.constant 0 : index
    %swap3A_525 = vector.load %arg9[%swap3A_523, %swap3A_524] : memref<5x100xf32, #tpu.memory_space<vmem>>, vector<1x100xf32>
    tpu.vector_store %arg9[%swap3A_523, %swap3A_524], %select_n3A_521 {strides = array<i32>} : memref<5x100xf32, #tpu.memory_space<vmem>>, vector<1x100xf32>,
    %swap3A_526 = arith.constant 4 : index
    %swap3A_527 = arith.constant 0 : index
    %swap3A_528 = vector.load %arg10[%swap3A_526, %swap3A_527] : memref<5x100xi32, #tpu.memory_space<vmem>>, vector<1x100xi32>
    tpu.vector_store %arg10[%swap3A_526, %swap3A_527], %select_n3A_522 {strides = array<i32>} : memref<5x100xi32, #tpu.memory_space<vmem>>, vector<1x100xi32>,
    %eq3A_529 = vector.broadcast %broadcast_in_dim3A_425 : vector<1x100xi32> to vector<4000x100xi32>
    %eq3A_530 = arith.cmpi eq, %add3A_297, %eq3A_529 : vector<4000x100xi32>
    %jit3A_531 = arith.constant 0x7F800000 : f32
    %broadcast_in_dim3A_532 = vector.broadcast %jit3A_531 : f32 to vector<4000x100xf32>
    %select_n3A_533 = arith.select %eq3A_530, %broadcast_in_dim3A_532, %select_n3A_414 : vector<4000x100xi1>, vector<4000x100xf32>
    %reduce_min3A_534 = arith.constant dense<0x7F800000> : vector<100xf32>
    %reduce_min3A_535 = vector.multi_reduction <minimumf>, %select_n3A_533, %reduce_min3A_534 [0] : vector<4000x100xf32> to vector<100xf32>
    %broadcast_in_dim3A_536 = vector.shape_cast %reduce_min3A_535 : vector<100xf32> to vector<1x100xf32>
    %eq3A_537 = vector.broadcast %broadcast_in_dim3A_536 : vector<1x100xf32> to vector<4000x100xf32>
    %eq3A_538 = arith.cmpf oeq, %select_n3A_533, %eq3A_537 : vector<4000x100xf32>
    %jit3A_539 = arith.constant 2147483647 : i32
    %broadcast_in_dim3A_540 = vector.broadcast %jit3A_539 : i32 to vector<4000x100xi32>
    %select_n3A_541 = arith.select %eq3A_538, %add3A_297, %broadcast_in_dim3A_540 : vector<4000x100xi1>, vector<4000x100xi32>
    %reduce_min3A_542 = arith.constant dense<2147483647> : vector<100xi32>
    %reduce_min3A_543 = vector.multi_reduction <minsi>, %select_n3A_541, %reduce_min3A_542 [0] : vector<4000x100xi32> to vector<100xi32>
    %broadcast_in_dim3A_544 = vector.shape_cast %reduce_min3A_543 : vector<100xi32> to vector<1x100xi32>
    %get3A_545 = arith.constant 0 : index
    %get3A_546 = arith.constant 0 : index
    %get3A_547 = vector.load %arg9[%get3A_545, %get3A_546] : memref<5x100xf32, #tpu.memory_space<vmem>>, vector<1x100xf32>
    %get3A_548 = arith.constant 0 : index
    %get3A_549 = arith.constant 0 : index
    %get3A_550 = vector.load %arg10[%get3A_548, %get3A_549] : memref<5x100xi32, #tpu.memory_space<vmem>>, vector<1x100xi32>
    %lt3A_551 = arith.cmpf olt, %broadcast_in_dim3A_536, %get3A_547 : vector<1x100xf32>
    %eq3A_552 = arith.cmpf oeq, %broadcast_in_dim3A_536, %get3A_547 : vector<1x100xf32>
    %lt3A_553 = arith.cmpi slt, %broadcast_in_dim3A_544, %get3A_550 : vector<1x100xi32>
    %and3A_554 = arith.andi %eq3A_552, %lt3A_553 : vector<1x100xi1>
    %or3A_555 = arith.ori %lt3A_551, %and3A_554 : vector<1x100xi1>
    %select_n3A_556 = arith.select %or3A_555, %broadcast_in_dim3A_536, %get3A_547 : vector<1x100xi1>, vector<1x100xf32>
    %select_n3A_557 = arith.select %or3A_555, %broadcast_in_dim3A_544, %get3A_550 : vector<1x100xi1>, vector<1x100xi32>
    %select_n3A_558 = arith.select %or3A_555, %get3A_547, %broadcast_in_dim3A_536 : vector<1x100xi1>, vector<1x100xf32>
    %select_n3A_559 = arith.select %or3A_555, %get3A_550, %broadcast_in_dim3A_544 : vector<1x100xi1>, vector<1x100xi32>
    %swap3A_560 = arith.constant 0 : index
    %swap3A_561 = arith.constant 0 : index
    %swap3A_562 = vector.load %arg9[%swap3A_560, %swap3A_561] : memref<5x100xf32, #tpu.memory_space<vmem>>, vector<1x100xf32>
    tpu.vector_store %arg9[%swap3A_560, %swap3A_561], %select_n3A_556 {strides = array<i32>} : memref<5x100xf32, #tpu.memory_space<vmem>>, vector<1x100xf32>,
    %swap3A_563 = arith.constant 0 : index
    %swap3A_564 = arith.constant 0 : index
    %swap3A_565 = vector.load %arg10[%swap3A_563, %swap3A_564] : memref<5x100xi32, #tpu.memory_space<vmem>>, vector<1x100xi32>
    tpu.vector_store %arg10[%swap3A_563, %swap3A_564], %select_n3A_557 {strides = array<i32>} : memref<5x100xi32, #tpu.memory_space<vmem>>, vector<1x100xi32>,
    %get3A_566 = arith.constant 1 : index
    %get3A_567 = arith.constant 0 : index
    %get3A_568 = vector.load %arg9[%get3A_566, %get3A_567] : memref<5x100xf32, #tpu.memory_space<vmem>>, vector<1x100xf32>
    %get3A_569 = arith.constant 1 : index
    %get3A_570 = arith.constant 0 : index
    %get3A_571 = vector.load %arg10[%get3A_569, %get3A_570] : memref<5x100xi32, #tpu.memory_space<vmem>>, vector<1x100xi32>
    %lt3A_572 = arith.cmpf olt, %select_n3A_558, %get3A_568 : vector<1x100xf32>
    %eq3A_573 = arith.cmpf oeq, %select_n3A_558, %get3A_568 : vector<1x100xf32>
    %lt3A_574 = arith.cmpi slt, %select_n3A_559, %get3A_571 : vector<1x100xi32>
    %and3A_575 = arith.andi %eq3A_573, %lt3A_574 : vector<1x100xi1>
    %or3A_576 = arith.ori %lt3A_572, %and3A_575 : vector<1x100xi1>
    %select_n3A_577 = arith.select %or3A_576, %select_n3A_558, %get3A_568 : vector<1x100xi1>, vector<1x100xf32>
    %select_n3A_578 = arith.select %or3A_576, %select_n3A_559, %get3A_571 : vector<1x100xi1>, vector<1x100xi32>
    %select_n3A_579 = arith.select %or3A_576, %get3A_568, %select_n3A_558 : vector<1x100xi1>, vector<1x100xf32>
    %select_n3A_580 = arith.select %or3A_576, %get3A_571, %select_n3A_559 : vector<1x100xi1>, vector<1x100xi32>
    %swap3A_581 = arith.constant 1 : index
    %swap3A_582 = arith.constant 0 : index
    %swap3A_583 = vector.load %arg9[%swap3A_581, %swap3A_582] : memref<5x100xf32, #tpu.memory_space<vmem>>, vector<1x100xf32>
    tpu.vector_store %arg9[%swap3A_581, %swap3A_582], %select_n3A_577 {strides = array<i32>} : memref<5x100xf32, #tpu.memory_space<vmem>>, vector<1x100xf32>,
    %swap3A_584 = arith.constant 1 : index
    %swap3A_585 = arith.constant 0 : index
    %swap3A_586 = vector.load %arg10[%swap3A_584, %swap3A_585] : memref<5x100xi32, #tpu.memory_space<vmem>>, vector<1x100xi32>
    tpu.vector_store %arg10[%swap3A_584, %swap3A_585], %select_n3A_578 {strides = array<i32>} : memref<5x100xi32, #tpu.memory_space<vmem>>, vector<1x100xi32>,
    %get3A_587 = arith.constant 2 : index
    %get3A_588 = arith.constant 0 : index
    %get3A_589 = vector.load %arg9[%get3A_587, %get3A_588] : memref<5x100xf32, #tpu.memory_space<vmem>>, vector<1x100xf32>
    %get3A_590 = arith.constant 2 : index
    %get3A_591 = arith.constant 0 : index
    %get3A_592 = vector.load %arg10[%get3A_590, %get3A_591] : memref<5x100xi32, #tpu.memory_space<vmem>>, vector<1x100xi32>
    %lt3A_593 = arith.cmpf olt, %select_n3A_579, %get3A_589 : vector<1x100xf32>
    %eq3A_594 = arith.cmpf oeq, %select_n3A_579, %get3A_589 : vector<1x100xf32>
    %lt3A_595 = arith.cmpi slt, %select_n3A_580, %get3A_592 : vector<1x100xi32>
    %and3A_596 = arith.andi %eq3A_594, %lt3A_595 : vector<1x100xi1>
    %or3A_597 = arith.ori %lt3A_593, %and3A_596 : vector<1x100xi1>
    %select_n3A_598 = arith.select %or3A_597, %select_n3A_579, %get3A_589 : vector<1x100xi1>, vector<1x100xf32>
    %select_n3A_599 = arith.select %or3A_597, %select_n3A_580, %get3A_592 : vector<1x100xi1>, vector<1x100xi32>
    %select_n3A_600 = arith.select %or3A_597, %get3A_589, %select_n3A_579 : vector<1x100xi1>, vector<1x100xf32>
    %select_n3A_601 = arith.select %or3A_597, %get3A_592, %select_n3A_580 : vector<1x100xi1>, vector<1x100xi32>
    %swap3A_602 = arith.constant 2 : index
    %swap3A_603 = arith.constant 0 : index
    %swap3A_604 = vector.load %arg9[%swap3A_602, %swap3A_603] : memref<5x100xf32, #tpu.memory_space<vmem>>, vector<1x100xf32>
    tpu.vector_store %arg9[%swap3A_602, %swap3A_603], %select_n3A_598 {strides = array<i32>} : memref<5x100xf32, #tpu.memory_space<vmem>>, vector<1x100xf32>,
    %swap3A_605 = arith.constant 2 : index
    %swap3A_606 = arith.constant 0 : index
    %swap3A_607 = vector.load %arg10[%swap3A_605, %swap3A_606] : memref<5x100xi32, #tpu.memory_space<vmem>>, vector<1x100xi32>
    tpu.vector_store %arg10[%swap3A_605, %swap3A_606], %select_n3A_599 {strides = array<i32>} : memref<5x100xi32, #tpu.memory_space<vmem>>, vector<1x100xi32>,
    %get3A_608 = arith.constant 3 : index
    %get3A_609 = arith.constant 0 : index
    %get3A_610 = vector.load %arg9[%get3A_608, %get3A_609] : memref<5x100xf32, #tpu.memory_space<vmem>>, vector<1x100xf32>
    %get3A_611 = arith.constant 3 : index
    %get3A_612 = arith.constant 0 : index
    %get3A_613 = vector.load %arg10[%get3A_611, %get3A_612] : memref<5x100xi32, #tpu.memory_space<vmem>>, vector<1x100xi32>
    %lt3A_614 = arith.cmpf olt, %select_n3A_600, %get3A_610 : vector<1x100xf32>
    %eq3A_615 = arith.cmpf oeq, %select_n3A_600, %get3A_610 : vector<1x100xf32>
    %lt3A_616 = arith.cmpi slt, %select_n3A_601, %get3A_613 : vector<1x100xi32>
    %and3A_617 = arith.andi %eq3A_615, %lt3A_616 : vector<1x100xi1>
    %or3A_618 = arith.ori %lt3A_614, %and3A_617 : vector<1x100xi1>
    %select_n3A_619 = arith.select %or3A_618, %select_n3A_600, %get3A_610 : vector<1x100xi1>, vector<1x100xf32>
    %select_n3A_620 = arith.select %or3A_618, %select_n3A_601, %get3A_613 : vector<1x100xi1>, vector<1x100xi32>
    %select_n3A_621 = arith.select %or3A_618, %get3A_610, %select_n3A_600 : vector<1x100xi1>, vector<1x100xf32>
    %select_n3A_622 = arith.select %or3A_618, %get3A_613, %select_n3A_601 : vector<1x100xi1>, vector<1x100xi32>
    %swap3A_623 = arith.constant 3 : index
    %swap3A_624 = arith.constant 0 : index
    %swap3A_625 = vector.load %arg9[%swap3A_623, %swap3A_624] : memref<5x100xf32, #tpu.memory_space<vmem>>, vector<1x100xf32>
    tpu.vector_store %arg9[%swap3A_623, %swap3A_624], %select_n3A_619 {strides = array<i32>} : memref<5x100xf32, #tpu.memory_space<vmem>>, vector<1x100xf32>,
    %swap3A_626 = arith.constant 3 : index
    %swap3A_627 = arith.constant 0 : index
    %swap3A_628 = vector.load %arg10[%swap3A_626, %swap3A_627] : memref<5x100xi32, #tpu.memory_space<vmem>>, vector<1x100xi32>
    tpu.vector_store %arg10[%swap3A_626, %swap3A_627], %select_n3A_620 {strides = array<i32>} : memref<5x100xi32, #tpu.memory_space<vmem>>, vector<1x100xi32>,
    %get3A_629 = arith.constant 4 : index
    %get3A_630 = arith.constant 0 : index
    %get3A_631 = vector.load %arg9[%get3A_629, %get3A_630] : memref<5x100xf32, #tpu.memory_space<vmem>>, vector<1x100xf32>
    %get3A_632 = arith.constant 4 : index
    %get3A_633 = arith.constant 0 : index
    %get3A_634 = vector.load %arg10[%get3A_632, %get3A_633] : memref<5x100xi32, #tpu.memory_space<vmem>>, vector<1x100xi32>
    %lt3A_635 = arith.cmpf olt, %select_n3A_621, %get3A_631 : vector<1x100xf32>
    %eq3A_636 = arith.cmpf oeq, %select_n3A_621, %get3A_631 : vector<1x100xf32>
    %lt3A_637 = arith.cmpi slt, %select_n3A_622, %get3A_634 : vector<1x100xi32>
    %and3A_638 = arith.andi %eq3A_636, %lt3A_637 : vector<1x100xi1>
    %or3A_639 = arith.ori %lt3A_635, %and3A_638 : vector<1x100xi1>
    %select_n3A_640 = arith.select %or3A_639, %select_n3A_621, %get3A_631 : vector<1x100xi1>, vector<1x100xf32>
    %select_n3A_641 = arith.select %or3A_639, %select_n3A_622, %get3A_634 : vector<1x100xi1>, vector<1x100xi32>
    %swap3A_642 = arith.constant 4 : index
    %swap3A_643 = arith.constant 0 : index
    %swap3A_644 = vector.load %arg9[%swap3A_642, %swap3A_643] : memref<5x100xf32, #tpu.memory_space<vmem>>, vector<1x100xf32>
    tpu.vector_store %arg9[%swap3A_642, %swap3A_643], %select_n3A_640 {strides = array<i32>} : memref<5x100xf32, #tpu.memory_space<vmem>>, vector<1x100xf32>,
    %swap3A_645 = arith.constant 4 : index
    %swap3A_646 = arith.constant 0 : index
    %swap3A_647 = vector.load %arg10[%swap3A_645, %swap3A_646] : memref<5x100xi32, #tpu.memory_space<vmem>>, vector<1x100xi32>
    tpu.vector_store %arg10[%swap3A_645, %swap3A_646], %select_n3A_641 {strides = array<i32>} : memref<5x100xi32, #tpu.memory_space<vmem>>, vector<1x100xi32>,
    %eq3A_648 = vector.broadcast %broadcast_in_dim3A_544 : vector<1x100xi32> to vector<4000x100xi32>
    %eq3A_649 = arith.cmpi eq, %add3A_297, %eq3A_648 : vector<4000x100xi32>
    %jit3A_650 = arith.constant 0x7F800000 : f32
    %broadcast_in_dim3A_651 = vector.broadcast %jit3A_650 : f32 to vector<4000x100xf32>
    %select_n3A_652 = arith.select %eq3A_649, %broadcast_in_dim3A_651, %select_n3A_533 : vector<4000x100xi1>, vector<4000x100xf32>
    %reduce_min3A_653 = arith.constant dense<0x7F800000> : vector<100xf32>
    %reduce_min3A_654 = vector.multi_reduction <minimumf>, %select_n3A_652, %reduce_min3A_653 [0] : vector<4000x100xf32> to vector<100xf32>
    %broadcast_in_dim3A_655 = vector.shape_cast %reduce_min3A_654 : vector<100xf32> to vector<1x100xf32>
    %eq3A_656 = vector.broadcast %broadcast_in_dim3A_655 : vector<1x100xf32> to vector<4000x100xf32>
    %eq3A_657 = arith.cmpf oeq, %select_n3A_652, %eq3A_656 : vector<4000x100xf32>
    %jit3A_658 = arith.constant 2147483647 : i32
    %broadcast_in_dim3A_659 = vector.broadcast %jit3A_658 : i32 to vector<4000x100xi32>
    %select_n3A_660 = arith.select %eq3A_657, %add3A_297, %broadcast_in_dim3A_659 : vector<4000x100xi1>, vector<4000x100xi32>
    %reduce_min3A_661 = arith.constant dense<2147483647> : vector<100xi32>
    %reduce_min3A_662 = vector.multi_reduction <minsi>, %select_n3A_660, %reduce_min3A_661 [0] : vector<4000x100xi32> to vector<100xi32>
    %broadcast_in_dim3A_663 = vector.shape_cast %reduce_min3A_662 : vector<100xi32> to vector<1x100xi32>
    %get3A_664 = arith.constant 0 : index
    %get3A_665 = arith.constant 0 : index
    %get3A_666 = vector.load %arg9[%get3A_664, %get3A_665] : memref<5x100xf32, #tpu.memory_space<vmem>>, vector<1x100xf32>
    %get3A_667 = arith.constant 0 : index
    %get3A_668 = arith.constant 0 : index
    %get3A_669 = vector.load %arg10[%get3A_667, %get3A_668] : memref<5x100xi32, #tpu.memory_space<vmem>>, vector<1x100xi32>
    %lt3A_670 = arith.cmpf olt, %broadcast_in_dim3A_655, %get3A_666 : vector<1x100xf32>
    %eq3A_671 = arith.cmpf oeq, %broadcast_in_dim3A_655, %get3A_666 : vector<1x100xf32>
    %lt3A_672 = arith.cmpi slt, %broadcast_in_dim3A_663, %get3A_669 : vector<1x100xi32>
    %and3A_673 = arith.andi %eq3A_671, %lt3A_672 : vector<1x100xi1>
    %or3A_674 = arith.ori %lt3A_670, %and3A_673 : vector<1x100xi1>
    %select_n3A_675 = arith.select %or3A_674, %broadcast_in_dim3A_655, %get3A_666 : vector<1x100xi1>, vector<1x100xf32>
    %select_n3A_676 = arith.select %or3A_674, %broadcast_in_dim3A_663, %get3A_669 : vector<1x100xi1>, vector<1x100xi32>
    %select_n3A_677 = arith.select %or3A_674, %get3A_666, %broadcast_in_dim3A_655 : vector<1x100xi1>, vector<1x100xf32>
    %select_n3A_678 = arith.select %or3A_674, %get3A_669, %broadcast_in_dim3A_663 : vector<1x100xi1>, vector<1x100xi32>
    %swap3A_679 = arith.constant 0 : index
    %swap3A_680 = arith.constant 0 : index
    %swap3A_681 = vector.load %arg9[%swap3A_679, %swap3A_680] : memref<5x100xf32, #tpu.memory_space<vmem>>, vector<1x100xf32>
    tpu.vector_store %arg9[%swap3A_679, %swap3A_680], %select_n3A_675 {strides = array<i32>} : memref<5x100xf32, #tpu.memory_space<vmem>>, vector<1x100xf32>,
    %swap3A_682 = arith.constant 0 : index
    %swap3A_683 = arith.constant 0 : index
    %swap3A_684 = vector.load %arg10[%swap3A_682, %swap3A_683] : memref<5x100xi32, #tpu.memory_space<vmem>>, vector<1x100xi32>
    tpu.vector_store %arg10[%swap3A_682, %swap3A_683], %select_n3A_676 {strides = array<i32>} : memref<5x100xi32, #tpu.memory_space<vmem>>, vector<1x100xi32>,
    %get3A_685 = arith.constant 1 : index
    %get3A_686 = arith.constant 0 : index
    %get3A_687 = vector.load %arg9[%get3A_685, %get3A_686] : memref<5x100xf32, #tpu.memory_space<vmem>>, vector<1x100xf32>
    %get3A_688 = arith.constant 1 : index
    %get3A_689 = arith.constant 0 : index
    %get3A_690 = vector.load %arg10[%get3A_688, %get3A_689] : memref<5x100xi32, #tpu.memory_space<vmem>>, vector<1x100xi32>
    %lt3A_691 = arith.cmpf olt, %select_n3A_677, %get3A_687 : vector<1x100xf32>
    %eq3A_692 = arith.cmpf oeq, %select_n3A_677, %get3A_687 : vector<1x100xf32>
    %lt3A_693 = arith.cmpi slt, %select_n3A_678, %get3A_690 : vector<1x100xi32>
    %and3A_694 = arith.andi %eq3A_692, %lt3A_693 : vector<1x100xi1>
    %or3A_695 = arith.ori %lt3A_691, %and3A_694 : vector<1x100xi1>
    %select_n3A_696 = arith.select %or3A_695, %select_n3A_677, %get3A_687 : vector<1x100xi1>, vector<1x100xf32>
    %select_n3A_697 = arith.select %or3A_695, %select_n3A_678, %get3A_690 : vector<1x100xi1>, vector<1x100xi32>
    %select_n3A_698 = arith.select %or3A_695, %get3A_687, %select_n3A_677 : vector<1x100xi1>, vector<1x100xf32>
    %select_n3A_699 = arith.select %or3A_695, %get3A_690, %select_n3A_678 : vector<1x100xi1>, vector<1x100xi32>
    %swap3A_700 = arith.constant 1 : index
    %swap3A_701 = arith.constant 0 : index
    %swap3A_702 = vector.load %arg9[%swap3A_700, %swap3A_701] : memref<5x100xf32, #tpu.memory_space<vmem>>, vector<1x100xf32>
    tpu.vector_store %arg9[%swap3A_700, %swap3A_701], %select_n3A_696 {strides = array<i32>} : memref<5x100xf32, #tpu.memory_space<vmem>>, vector<1x100xf32>,
    %swap3A_703 = arith.constant 1 : index
    %swap3A_704 = arith.constant 0 : index
    %swap3A_705 = vector.load %arg10[%swap3A_703, %swap3A_704] : memref<5x100xi32, #tpu.memory_space<vmem>>, vector<1x100xi32>
    tpu.vector_store %arg10[%swap3A_703, %swap3A_704], %select_n3A_697 {strides = array<i32>} : memref<5x100xi32, #tpu.memory_space<vmem>>, vector<1x100xi32>,
    %get3A_706 = arith.constant 2 : index
    %get3A_707 = arith.constant 0 : index
    %get3A_708 = vector.load %arg9[%get3A_706, %get3A_707] : memref<5x100xf32, #tpu.memory_space<vmem>>, vector<1x100xf32>
    %get3A_709 = arith.constant 2 : index
    %get3A_710 = arith.constant 0 : index
    %get3A_711 = vector.load %arg10[%get3A_709, %get3A_710] : memref<5x100xi32, #tpu.memory_space<vmem>>, vector<1x100xi32>
    %lt3A_712 = arith.cmpf olt, %select_n3A_698, %get3A_708 : vector<1x100xf32>
    %eq3A_713 = arith.cmpf oeq, %select_n3A_698, %get3A_708 : vector<1x100xf32>
    %lt3A_714 = arith.cmpi slt, %select_n3A_699, %get3A_711 : vector<1x100xi32>
    %and3A_715 = arith.andi %eq3A_713, %lt3A_714 : vector<1x100xi1>
    %or3A_716 = arith.ori %lt3A_712, %and3A_715 : vector<1x100xi1>
    %select_n3A_717 = arith.select %or3A_716, %select_n3A_698, %get3A_708 : vector<1x100xi1>, vector<1x100xf32>
    %select_n3A_718 = arith.select %or3A_716, %select_n3A_699, %get3A_711 : vector<1x100xi1>, vector<1x100xi32>
    %select_n3A_719 = arith.select %or3A_716, %get3A_708, %select_n3A_698 : vector<1x100xi1>, vector<1x100xf32>
    %select_n3A_720 = arith.select %or3A_716, %get3A_711, %select_n3A_699 : vector<1x100xi1>, vector<1x100xi32>
    %swap3A_721 = arith.constant 2 : index
    %swap3A_722 = arith.constant 0 : index
    %swap3A_723 = vector.load %arg9[%swap3A_721, %swap3A_722] : memref<5x100xf32, #tpu.memory_space<vmem>>, vector<1x100xf32>
    tpu.vector_store %arg9[%swap3A_721, %swap3A_722], %select_n3A_717 {strides = array<i32>} : memref<5x100xf32, #tpu.memory_space<vmem>>, vector<1x100xf32>,
    %swap3A_724 = arith.constant 2 : index
    %swap3A_725 = arith.constant 0 : index
    %swap3A_726 = vector.load %arg10[%swap3A_724, %swap3A_725] : memref<5x100xi32, #tpu.memory_space<vmem>>, vector<1x100xi32>
    tpu.vector_store %arg10[%swap3A_724, %swap3A_725], %select_n3A_718 {strides = array<i32>} : memref<5x100xi32, #tpu.memory_space<vmem>>, vector<1x100xi32>,
    %get3A_727 = arith.constant 3 : index
    %get3A_728 = arith.constant 0 : index
    %get3A_729 = vector.load %arg9[%get3A_727, %get3A_728] : memref<5x100xf32, #tpu.memory_space<vmem>>, vector<1x100xf32>
    %get3A_730 = arith.constant 3 : index
    %get3A_731 = arith.constant 0 : index
    %get3A_732 = vector.load %arg10[%get3A_730, %get3A_731] : memref<5x100xi32, #tpu.memory_space<vmem>>, vector<1x100xi32>
    %lt3A_733 = arith.cmpf olt, %select_n3A_719, %get3A_729 : vector<1x100xf32>
    %eq3A_734 = arith.cmpf oeq, %select_n3A_719, %get3A_729 : vector<1x100xf32>
    %lt3A_735 = arith.cmpi slt, %select_n3A_720, %get3A_732 : vector<1x100xi32>
    %and3A_736 = arith.andi %eq3A_734, %lt3A_735 : vector<1x100xi1>
    %or3A_737 = arith.ori %lt3A_733, %and3A_736 : vector<1x100xi1>
    %select_n3A_738 = arith.select %or3A_737, %select_n3A_719, %get3A_729 : vector<1x100xi1>, vector<1x100xf32>
    %select_n3A_739 = arith.select %or3A_737, %select_n3A_720, %get3A_732 : vector<1x100xi1>, vector<1x100xi32>
    %select_n3A_740 = arith.select %or3A_737, %get3A_729, %select_n3A_719 : vector<1x100xi1>, vector<1x100xf32>
    %select_n3A_741 = arith.select %or3A_737, %get3A_732, %select_n3A_720 : vector<1x100xi1>, vector<1x100xi32>
    %swap3A_742 = arith.constant 3 : index
    %swap3A_743 = arith.constant 0 : index
    %swap3A_744 = vector.load %arg9[%swap3A_742, %swap3A_743] : memref<5x100xf32, #tpu.memory_space<vmem>>, vector<1x100xf32>
    tpu.vector_store %arg9[%swap3A_742, %swap3A_743], %select_n3A_738 {strides = array<i32>} : memref<5x100xf32, #tpu.memory_space<vmem>>, vector<1x100xf32>,
    %swap3A_745 = arith.constant 3 : index
    %swap3A_746 = arith.constant 0 : index
    %swap3A_747 = vector.load %arg10[%swap3A_745, %swap3A_746] : memref<5x100xi32, #tpu.memory_space<vmem>>, vector<1x100xi32>
    tpu.vector_store %arg10[%swap3A_745, %swap3A_746], %select_n3A_739 {strides = array<i32>} : memref<5x100xi32, #tpu.memory_space<vmem>>, vector<1x100xi32>,
    %get3A_748 = arith.constant 4 : index
    %get3A_749 = arith.constant 0 : index
    %get3A_750 = vector.load %arg9[%get3A_748, %get3A_749] : memref<5x100xf32, #tpu.memory_space<vmem>>, vector<1x100xf32>
    %get3A_751 = arith.constant 4 : index
    %get3A_752 = arith.constant 0 : index
    %get3A_753 = vector.load %arg10[%get3A_751, %get3A_752] : memref<5x100xi32, #tpu.memory_space<vmem>>, vector<1x100xi32>
    %lt3A_754 = arith.cmpf olt, %select_n3A_740, %get3A_750 : vector<1x100xf32>
    %eq3A_755 = arith.cmpf oeq, %select_n3A_740, %get3A_750 : vector<1x100xf32>
    %lt3A_756 = arith.cmpi slt, %select_n3A_741, %get3A_753 : vector<1x100xi32>
    %and3A_757 = arith.andi %eq3A_755, %lt3A_756 : vector<1x100xi1>
    %or3A_758 = arith.ori %lt3A_754, %and3A_757 : vector<1x100xi1>
    %select_n3A_759 = arith.select %or3A_758, %select_n3A_740, %get3A_750 : vector<1x100xi1>, vector<1x100xf32>
    %select_n3A_760 = arith.select %or3A_758, %select_n3A_741, %get3A_753 : vector<1x100xi1>, vector<1x100xi32>
    %swap3A_761 = arith.constant 4 : index
    %swap3A_762 = arith.constant 0 : index
    %swap3A_763 = vector.load %arg9[%swap3A_761, %swap3A_762] : memref<5x100xf32, #tpu.memory_space<vmem>>, vector<1x100xf32>
    tpu.vector_store %arg9[%swap3A_761, %swap3A_762], %select_n3A_759 {strides = array<i32>} : memref<5x100xf32, #tpu.memory_space<vmem>>, vector<1x100xf32>,
    %swap3A_764 = arith.constant 4 : index
    %swap3A_765 = arith.constant 0 : index
    %swap3A_766 = vector.load %arg10[%swap3A_764, %swap3A_765] : memref<5x100xi32, #tpu.memory_space<vmem>>, vector<1x100xi32>
    tpu.vector_store %arg10[%swap3A_764, %swap3A_765], %select_n3A_760 {strides = array<i32>} : memref<5x100xi32, #tpu.memory_space<vmem>>, vector<1x100xi32>,
    %eq3A_767 = vector.broadcast %broadcast_in_dim3A_663 : vector<1x100xi32> to vector<4000x100xi32>
    %eq3A_768 = arith.cmpi eq, %add3A_297, %eq3A_767 : vector<4000x100xi32>
    %jit3A_769 = arith.constant 0x7F800000 : f32
    %broadcast_in_dim3A_770 = vector.broadcast %jit3A_769 : f32 to vector<4000x100xf32>
    %select_n3A_771 = arith.select %eq3A_768, %broadcast_in_dim3A_770, %select_n3A_652 : vector<4000x100xi1>, vector<4000x100xf32>
    %reduce_min3A_772 = arith.constant dense<0x7F800000> : vector<100xf32>
    %reduce_min3A_773 = vector.multi_reduction <minimumf>, %select_n3A_771, %reduce_min3A_772 [0] : vector<4000x100xf32> to vector<100xf32>
    %broadcast_in_dim3A_774 = vector.shape_cast %reduce_min3A_773 : vector<100xf32> to vector<1x100xf32>
    %eq3A_775 = vector.broadcast %broadcast_in_dim3A_774 : vector<1x100xf32> to vector<4000x100xf32>
    %eq3A_776 = arith.cmpf oeq, %select_n3A_771, %eq3A_775 : vector<4000x100xf32>
    %jit3A_777 = arith.constant 2147483647 : i32
    %broadcast_in_dim3A_778 = vector.broadcast %jit3A_777 : i32 to vector<4000x100xi32>
    %select_n3A_779 = arith.select %eq3A_776, %add3A_297, %broadcast_in_dim3A_778 : vector<4000x100xi1>, vector<4000x100xi32>
    %reduce_min3A_780 = arith.constant dense<2147483647> : vector<100xi32>
    %reduce_min3A_781 = vector.multi_reduction <minsi>, %select_n3A_779, %reduce_min3A_780 [0] : vector<4000x100xi32> to vector<100xi32>
    %broadcast_in_dim3A_782 = vector.shape_cast %reduce_min3A_781 : vector<100xi32> to vector<1x100xi32>
    %get3A_783 = arith.constant 0 : index
    %get3A_784 = arith.constant 0 : index
    %get3A_785 = vector.load %arg9[%get3A_783, %get3A_784] : memref<5x100xf32, #tpu.memory_space<vmem>>, vector<1x100xf32>
    %get3A_786 = arith.constant 0 : index
    %get3A_787 = arith.constant 0 : index
    %get3A_788 = vector.load %arg10[%get3A_786, %get3A_787] : memref<5x100xi32, #tpu.memory_space<vmem>>, vector<1x100xi32>
    %lt3A_789 = arith.cmpf olt, %broadcast_in_dim3A_774, %get3A_785 : vector<1x100xf32>
    %eq3A_790 = arith.cmpf oeq, %broadcast_in_dim3A_774, %get3A_785 : vector<1x100xf32>
    %lt3A_791 = arith.cmpi slt, %broadcast_in_dim3A_782, %get3A_788 : vector<1x100xi32>
    %and3A_792 = arith.andi %eq3A_790, %lt3A_791 : vector<1x100xi1>
    %or3A_793 = arith.ori %lt3A_789, %and3A_792 : vector<1x100xi1>
    %select_n3A_794 = arith.select %or3A_793, %broadcast_in_dim3A_774, %get3A_785 : vector<1x100xi1>, vector<1x100xf32>
    %select_n3A_795 = arith.select %or3A_793, %broadcast_in_dim3A_782, %get3A_788 : vector<1x100xi1>, vector<1x100xi32>
    %select_n3A_796 = arith.select %or3A_793, %get3A_785, %broadcast_in_dim3A_774 : vector<1x100xi1>, vector<1x100xf32>
    %select_n3A_797 = arith.select %or3A_793, %get3A_788, %broadcast_in_dim3A_782 : vector<1x100xi1>, vector<1x100xi32>
    %swap3A_798 = arith.constant 0 : index
    %swap3A_799 = arith.constant 0 : index
    %swap3A_800 = vector.load %arg9[%swap3A_798, %swap3A_799] : memref<5x100xf32, #tpu.memory_space<vmem>>, vector<1x100xf32>
    tpu.vector_store %arg9[%swap3A_798, %swap3A_799], %select_n3A_794 {strides = array<i32>} : memref<5x100xf32, #tpu.memory_space<vmem>>, vector<1x100xf32>,
    %swap3A_801 = arith.constant 0 : index
    %swap3A_802 = arith.constant 0 : index
    %swap3A_803 = vector.load %arg10[%swap3A_801, %swap3A_802] : memref<5x100xi32, #tpu.memory_space<vmem>>, vector<1x100xi32>
    tpu.vector_store %arg10[%swap3A_801, %swap3A_802], %select_n3A_795 {strides = array<i32>} : memref<5x100xi32, #tpu.memory_space<vmem>>, vector<1x100xi32>,
    %get3A_804 = arith.constant 1 : index
    %get3A_805 = arith.constant 0 : index
    %get3A_806 = vector.load %arg9[%get3A_804, %get3A_805] : memref<5x100xf32, #tpu.memory_space<vmem>>, vector<1x100xf32>
    %get3A_807 = arith.constant 1 : index
    %get3A_808 = arith.constant 0 : index
    %get3A_809 = vector.load %arg10[%get3A_807, %get3A_808] : memref<5x100xi32, #tpu.memory_space<vmem>>, vector<1x100xi32>
    %lt3A_810 = arith.cmpf olt, %select_n3A_796, %get3A_806 : vector<1x100xf32>
    %eq3A_811 = arith.cmpf oeq, %select_n3A_796, %get3A_806 : vector<1x100xf32>
    %lt3A_812 = arith.cmpi slt, %select_n3A_797, %get3A_809 : vector<1x100xi32>
    %and3A_813 = arith.andi %eq3A_811, %lt3A_812 : vector<1x100xi1>
    %or3A_814 = arith.ori %lt3A_810, %and3A_813 : vector<1x100xi1>
    %select_n3A_815 = arith.select %or3A_814, %select_n3A_796, %get3A_806 : vector<1x100xi1>, vector<1x100xf32>
    %select_n3A_816 = arith.select %or3A_814, %select_n3A_797, %get3A_809 : vector<1x100xi1>, vector<1x100xi32>
    %select_n3A_817 = arith.select %or3A_814, %get3A_806, %select_n3A_796 : vector<1x100xi1>, vector<1x100xf32>
    %select_n3A_818 = arith.select %or3A_814, %get3A_809, %select_n3A_797 : vector<1x100xi1>, vector<1x100xi32>
    %swap3A_819 = arith.constant 1 : index
    %swap3A_820 = arith.constant 0 : index
    %swap3A_821 = vector.load %arg9[%swap3A_819, %swap3A_820] : memref<5x100xf32, #tpu.memory_space<vmem>>, vector<1x100xf32>
    tpu.vector_store %arg9[%swap3A_819, %swap3A_820], %select_n3A_815 {strides = array<i32>} : memref<5x100xf32, #tpu.memory_space<vmem>>, vector<1x100xf32>,
    %swap3A_822 = arith.constant 1 : index
    %swap3A_823 = arith.constant 0 : index
    %swap3A_824 = vector.load %arg10[%swap3A_822, %swap3A_823] : memref<5x100xi32, #tpu.memory_space<vmem>>, vector<1x100xi32>
    tpu.vector_store %arg10[%swap3A_822, %swap3A_823], %select_n3A_816 {strides = array<i32>} : memref<5x100xi32, #tpu.memory_space<vmem>>, vector<1x100xi32>,
    %get3A_825 = arith.constant 2 : index
    %get3A_826 = arith.constant 0 : index
    %get3A_827 = vector.load %arg9[%get3A_825, %get3A_826] : memref<5x100xf32, #tpu.memory_space<vmem>>, vector<1x100xf32>
    %get3A_828 = arith.constant 2 : index
    %get3A_829 = arith.constant 0 : index
    %get3A_830 = vector.load %arg10[%get3A_828, %get3A_829] : memref<5x100xi32, #tpu.memory_space<vmem>>, vector<1x100xi32>
    %lt3A_831 = arith.cmpf olt, %select_n3A_817, %get3A_827 : vector<1x100xf32>
    %eq3A_832 = arith.cmpf oeq, %select_n3A_817, %get3A_827 : vector<1x100xf32>
    %lt3A_833 = arith.cmpi slt, %select_n3A_818, %get3A_830 : vector<1x100xi32>
    %and3A_834 = arith.andi %eq3A_832, %lt3A_833 : vector<1x100xi1>
    %or3A_835 = arith.ori %lt3A_831, %and3A_834 : vector<1x100xi1>
    %select_n3A_836 = arith.select %or3A_835, %select_n3A_817, %get3A_827 : vector<1x100xi1>, vector<1x100xf32>
    %select_n3A_837 = arith.select %or3A_835, %select_n3A_818, %get3A_830 : vector<1x100xi1>, vector<1x100xi32>
    %select_n3A_838 = arith.select %or3A_835, %get3A_827, %select_n3A_817 : vector<1x100xi1>, vector<1x100xf32>
    %select_n3A_839 = arith.select %or3A_835, %get3A_830, %select_n3A_818 : vector<1x100xi1>, vector<1x100xi32>
    %swap3A_840 = arith.constant 2 : index
    %swap3A_841 = arith.constant 0 : index
    %swap3A_842 = vector.load %arg9[%swap3A_840, %swap3A_841] : memref<5x100xf32, #tpu.memory_space<vmem>>, vector<1x100xf32>
    tpu.vector_store %arg9[%swap3A_840, %swap3A_841], %select_n3A_836 {strides = array<i32>} : memref<5x100xf32, #tpu.memory_space<vmem>>, vector<1x100xf32>,
    %swap3A_843 = arith.constant 2 : index
    %swap3A_844 = arith.constant 0 : index
    %swap3A_845 = vector.load %arg10[%swap3A_843, %swap3A_844] : memref<5x100xi32, #tpu.memory_space<vmem>>, vector<1x100xi32>
    tpu.vector_store %arg10[%swap3A_843, %swap3A_844], %select_n3A_837 {strides = array<i32>} : memref<5x100xi32, #tpu.memory_space<vmem>>, vector<1x100xi32>,
    %get3A_846 = arith.constant 3 : index
    %get3A_847 = arith.constant 0 : index
    %get3A_848 = vector.load %arg9[%get3A_846, %get3A_847] : memref<5x100xf32, #tpu.memory_space<vmem>>, vector<1x100xf32>
    %get3A_849 = arith.constant 3 : index
    %get3A_850 = arith.constant 0 : index
    %get3A_851 = vector.load %arg10[%get3A_849, %get3A_850] : memref<5x100xi32, #tpu.memory_space<vmem>>, vector<1x100xi32>
    %lt3A_852 = arith.cmpf olt, %select_n3A_838, %get3A_848 : vector<1x100xf32>
    %eq3A_853 = arith.cmpf oeq, %select_n3A_838, %get3A_848 : vector<1x100xf32>
    %lt3A_854 = arith.cmpi slt, %select_n3A_839, %get3A_851 : vector<1x100xi32>
    %and3A_855 = arith.andi %eq3A_853, %lt3A_854 : vector<1x100xi1>
    %or3A_856 = arith.ori %lt3A_852, %and3A_855 : vector<1x100xi1>
    %select_n3A_857 = arith.select %or3A_856, %select_n3A_838, %get3A_848 : vector<1x100xi1>, vector<1x100xf32>
    %select_n3A_858 = arith.select %or3A_856, %select_n3A_839, %get3A_851 : vector<1x100xi1>, vector<1x100xi32>
    %select_n3A_859 = arith.select %or3A_856, %get3A_848, %select_n3A_838 : vector<1x100xi1>, vector<1x100xf32>
    %select_n3A_860 = arith.select %or3A_856, %get3A_851, %select_n3A_839 : vector<1x100xi1>, vector<1x100xi32>
    %swap3A_861 = arith.constant 3 : index
    %swap3A_862 = arith.constant 0 : index
    %swap3A_863 = vector.load %arg9[%swap3A_861, %swap3A_862] : memref<5x100xf32, #tpu.memory_space<vmem>>, vector<1x100xf32>
    tpu.vector_store %arg9[%swap3A_861, %swap3A_862], %select_n3A_857 {strides = array<i32>} : memref<5x100xf32, #tpu.memory_space<vmem>>, vector<1x100xf32>,
    %swap3A_864 = arith.constant 3 : index
    %swap3A_865 = arith.constant 0 : index
    %swap3A_866 = vector.load %arg10[%swap3A_864, %swap3A_865] : memref<5x100xi32, #tpu.memory_space<vmem>>, vector<1x100xi32>
    tpu.vector_store %arg10[%swap3A_864, %swap3A_865], %select_n3A_858 {strides = array<i32>} : memref<5x100xi32, #tpu.memory_space<vmem>>, vector<1x100xi32>,
    %get3A_867 = arith.constant 4 : index
    %get3A_868 = arith.constant 0 : index
    %get3A_869 = vector.load %arg9[%get3A_867, %get3A_868] : memref<5x100xf32, #tpu.memory_space<vmem>>, vector<1x100xf32>
    %get3A_870 = arith.constant 4 : index
    %get3A_871 = arith.constant 0 : index
    %get3A_872 = vector.load %arg10[%get3A_870, %get3A_871] : memref<5x100xi32, #tpu.memory_space<vmem>>, vector<1x100xi32>
    %lt3A_873 = arith.cmpf olt, %select_n3A_859, %get3A_869 : vector<1x100xf32>
    %eq3A_874 = arith.cmpf oeq, %select_n3A_859, %get3A_869 : vector<1x100xf32>
    %lt3A_875 = arith.cmpi slt, %select_n3A_860, %get3A_872 : vector<1x100xi32>
    %and3A_876 = arith.andi %eq3A_874, %lt3A_875 : vector<1x100xi1>
    %or3A_877 = arith.ori %lt3A_873, %and3A_876 : vector<1x100xi1>
    %select_n3A_878 = arith.select %or3A_877, %select_n3A_859, %get3A_869 : vector<1x100xi1>, vector<1x100xf32>
    %select_n3A_879 = arith.select %or3A_877, %select_n3A_860, %get3A_872 : vector<1x100xi1>, vector<1x100xi32>
    %swap3A_880 = arith.constant 4 : index
    %swap3A_881 = arith.constant 0 : index
    %swap3A_882 = vector.load %arg9[%swap3A_880, %swap3A_881] : memref<5x100xf32, #tpu.memory_space<vmem>>, vector<1x100xf32>
    tpu.vector_store %arg9[%swap3A_880, %swap3A_881], %select_n3A_878 {strides = array<i32>} : memref<5x100xf32, #tpu.memory_space<vmem>>, vector<1x100xf32>,
    %swap3A_883 = arith.constant 4 : index
    %swap3A_884 = arith.constant 0 : index
    %swap3A_885 = vector.load %arg10[%swap3A_883, %swap3A_884] : memref<5x100xi32, #tpu.memory_space<vmem>>, vector<1x100xi32>
    tpu.vector_store %arg10[%swap3A_883, %swap3A_884], %select_n3A_879 {strides = array<i32>} : memref<5x100xi32, #tpu.memory_space<vmem>>, vector<1x100xi32>,
    %reduce_max3A = arith.constant dense<0xFF800000> : vector<100xf32>
    %reduce_max3A_886 = vector.multi_reduction <maximumf>, %div3A, %reduce_max3A [0] : vector<4000x100xf32> to vector<100xf32>
    %broadcast_in_dim3A_887 = vector.shape_cast %reduce_max3A_886 : vector<100xf32> to vector<1x100xf32>
    %eq3A_888 = vector.broadcast %broadcast_in_dim3A_887 : vector<1x100xf32> to vector<4000x100xf32>
    %eq3A_889 = arith.cmpf oeq, %div3A, %eq3A_888 : vector<4000x100xf32>
    %jit3A_890 = arith.constant 2147483647 : i32
    %broadcast_in_dim3A_891 = vector.broadcast %jit3A_890 : i32 to vector<4000x100xi32>
    %select_n3A_892 = arith.select %eq3A_889, %add3A_297, %broadcast_in_dim3A_891 : vector<4000x100xi1>, vector<4000x100xi32>
    %reduce_min3A_893 = arith.constant dense<2147483647> : vector<100xi32>
    %reduce_min3A_894 = vector.multi_reduction <minsi>, %select_n3A_892, %reduce_min3A_893 [0] : vector<4000x100xi32> to vector<100xi32>
    %broadcast_in_dim3A_895 = vector.shape_cast %reduce_min3A_894 : vector<100xi32> to vector<1x100xi32>
    %get3A_896 = arith.constant 0 : index
    %get3A_897 = arith.constant 0 : index
    %get3A_898 = vector.load %arg11[%get3A_896, %get3A_897] : memref<5x100xf32, #tpu.memory_space<vmem>>, vector<1x100xf32>
    %max3A_899 = arith.maximumf %broadcast_in_dim3A_887, %get3A_898 : vector<1x100xf32>
    %min3A_900 = arith.minimumf %broadcast_in_dim3A_887, %get3A_898 : vector<1x100xf32>
    %swap3A_901 = arith.constant 0 : index
    %swap3A_902 = arith.constant 0 : index
    %swap3A_903 = vector.load %arg11[%swap3A_901, %swap3A_902] : memref<5x100xf32, #tpu.memory_space<vmem>>, vector<1x100xf32>
    tpu.vector_store %arg11[%swap3A_901, %swap3A_902], %max3A_899 {strides = array<i32>} : memref<5x100xf32, #tpu.memory_space<vmem>>, vector<1x100xf32>,
    %get3A_904 = arith.constant 1 : index
    %get3A_905 = arith.constant 0 : index
    %get3A_906 = vector.load %arg11[%get3A_904, %get3A_905] : memref<5x100xf32, #tpu.memory_space<vmem>>, vector<1x100xf32>
    %max3A_907 = arith.maximumf %min3A_900, %get3A_906 : vector<1x100xf32>
    %min3A_908 = arith.minimumf %min3A_900, %get3A_906 : vector<1x100xf32>
    %swap3A_909 = arith.constant 1 : index
    %swap3A_910 = arith.constant 0 : index
    %swap3A_911 = vector.load %arg11[%swap3A_909, %swap3A_910] : memref<5x100xf32, #tpu.memory_space<vmem>>, vector<1x100xf32>
    tpu.vector_store %arg11[%swap3A_909, %swap3A_910], %max3A_907 {strides = array<i32>} : memref<5x100xf32, #tpu.memory_space<vmem>>, vector<1x100xf32>,
    %get3A_912 = arith.constant 2 : index
    %get3A_913 = arith.constant 0 : index
    %get3A_914 = vector.load %arg11[%get3A_912, %get3A_913] : memref<5x100xf32, #tpu.memory_space<vmem>>, vector<1x100xf32>
    %max3A_915 = arith.maximumf %min3A_908, %get3A_914 : vector<1x100xf32>
    %min3A_916 = arith.minimumf %min3A_908, %get3A_914 : vector<1x100xf32>
    %swap3A_917 = arith.constant 2 : index
    %swap3A_918 = arith.constant 0 : index
    %swap3A_919 = vector.load %arg11[%swap3A_917, %swap3A_918] : memref<5x100xf32, #tpu.memory_space<vmem>>, vector<1x100xf32>
    tpu.vector_store %arg11[%swap3A_917, %swap3A_918], %max3A_915 {strides = array<i32>} : memref<5x100xf32, #tpu.memory_space<vmem>>, vector<1x100xf32>,
    %get3A_920 = arith.constant 3 : index
    %get3A_921 = arith.constant 0 : index
    %get3A_922 = vector.load %arg11[%get3A_920, %get3A_921] : memref<5x100xf32, #tpu.memory_space<vmem>>, vector<1x100xf32>
    %max3A_923 = arith.maximumf %min3A_916, %get3A_922 : vector<1x100xf32>
    %min3A_924 = arith.minimumf %min3A_916, %get3A_922 : vector<1x100xf32>
    %swap3A_925 = arith.constant 3 : index
    %swap3A_926 = arith.constant 0 : index
    %swap3A_927 = vector.load %arg11[%swap3A_925, %swap3A_926] : memref<5x100xf32, #tpu.memory_space<vmem>>, vector<1x100xf32>
    tpu.vector_store %arg11[%swap3A_925, %swap3A_926], %max3A_923 {strides = array<i32>} : memref<5x100xf32, #tpu.memory_space<vmem>>, vector<1x100xf32>,
    %get3A_928 = arith.constant 4 : index
    %get3A_929 = arith.constant 0 : index
    %get3A_930 = vector.load %arg11[%get3A_928, %get3A_929] : memref<5x100xf32, #tpu.memory_space<vmem>>, vector<1x100xf32>
    %max3A_931 = arith.maximumf %min3A_924, %get3A_930 : vector<1x100xf32>
    %swap3A_932 = arith.constant 4 : index
    %swap3A_933 = arith.constant 0 : index
    %swap3A_934 = vector.load %arg11[%swap3A_932, %swap3A_933] : memref<5x100xf32, #tpu.memory_space<vmem>>, vector<1x100xf32>
    tpu.vector_store %arg11[%swap3A_932, %swap3A_933], %max3A_931 {strides = array<i32>} : memref<5x100xf32, #tpu.memory_space<vmem>>, vector<1x100xf32>,
    %eq3A_935 = vector.broadcast %broadcast_in_dim3A_895 : vector<1x100xi32> to vector<4000x100xi32>
    %eq3A_936 = arith.cmpi eq, %add3A_297, %eq3A_935 : vector<4000x100xi32>
    %jit3A_937 = arith.constant 0xFF800000 : f32
    %broadcast_in_dim3A_938 = vector.broadcast %jit3A_937 : f32 to vector<4000x100xf32>
    %select_n3A_939 = arith.select %eq3A_936, %broadcast_in_dim3A_938, %div3A : vector<4000x100xi1>, vector<4000x100xf32>
    %reduce_max3A_940 = arith.constant dense<0xFF800000> : vector<100xf32>
    %reduce_max3A_941 = vector.multi_reduction <maximumf>, %select_n3A_939, %reduce_max3A_940 [0] : vector<4000x100xf32> to vector<100xf32>
    %broadcast_in_dim3A_942 = vector.shape_cast %reduce_max3A_941 : vector<100xf32> to vector<1x100xf32>
    %eq3A_943 = vector.broadcast %broadcast_in_dim3A_942 : vector<1x100xf32> to vector<4000x100xf32>
    %eq3A_944 = arith.cmpf oeq, %select_n3A_939, %eq3A_943 : vector<4000x100xf32>
    %jit3A_945 = arith.constant 2147483647 : i32
    %broadcast_in_dim3A_946 = vector.broadcast %jit3A_945 : i32 to vector<4000x100xi32>
    %select_n3A_947 = arith.select %eq3A_944, %add3A_297, %broadcast_in_dim3A_946 : vector<4000x100xi1>, vector<4000x100xi32>
    %reduce_min3A_948 = arith.constant dense<2147483647> : vector<100xi32>
    %reduce_min3A_949 = vector.multi_reduction <minsi>, %select_n3A_947, %reduce_min3A_948 [0] : vector<4000x100xi32> to vector<100xi32>
    %broadcast_in_dim3A_950 = vector.shape_cast %reduce_min3A_949 : vector<100xi32> to vector<1x100xi32>
    %get3A_951 = arith.constant 0 : index
    %get3A_952 = arith.constant 0 : index
    %get3A_953 = vector.load %arg11[%get3A_951, %get3A_952] : memref<5x100xf32, #tpu.memory_space<vmem>>, vector<1x100xf32>
    %max3A_954 = arith.maximumf %broadcast_in_dim3A_942, %get3A_953 : vector<1x100xf32>
    %min3A_955 = arith.minimumf %broadcast_in_dim3A_942, %get3A_953 : vector<1x100xf32>
    %swap3A_956 = arith.constant 0 : index
    %swap3A_957 = arith.constant 0 : index
    %swap3A_958 = vector.load %arg11[%swap3A_956, %swap3A_957] : memref<5x100xf32, #tpu.memory_space<vmem>>, vector<1x100xf32>
    tpu.vector_store %arg11[%swap3A_956, %swap3A_957], %max3A_954 {strides = array<i32>} : memref<5x100xf32, #tpu.memory_space<vmem>>, vector<1x100xf32>,
    %get3A_959 = arith.constant 1 : index
    %get3A_960 = arith.constant 0 : index
    %get3A_961 = vector.load %arg11[%get3A_959, %get3A_960] : memref<5x100xf32, #tpu.memory_space<vmem>>, vector<1x100xf32>
    %max3A_962 = arith.maximumf %min3A_955, %get3A_961 : vector<1x100xf32>
    %min3A_963 = arith.minimumf %min3A_955, %get3A_961 : vector<1x100xf32>
    %swap3A_964 = arith.constant 1 : index
    %swap3A_965 = arith.constant 0 : index
    %swap3A_966 = vector.load %arg11[%swap3A_964, %swap3A_965] : memref<5x100xf32, #tpu.memory_space<vmem>>, vector<1x100xf32>
    tpu.vector_store %arg11[%swap3A_964, %swap3A_965], %max3A_962 {strides = array<i32>} : memref<5x100xf32, #tpu.memory_space<vmem>>, vector<1x100xf32>,
    %get3A_967 = arith.constant 2 : index
    %get3A_968 = arith.constant 0 : index
    %get3A_969 = vector.load %arg11[%get3A_967, %get3A_968] : memref<5x100xf32, #tpu.memory_space<vmem>>, vector<1x100xf32>
    %max3A_970 = arith.maximumf %min3A_963, %get3A_969 : vector<1x100xf32>
    %min3A_971 = arith.minimumf %min3A_963, %get3A_969 : vector<1x100xf32>
    %swap3A_972 = arith.constant 2 : index
    %swap3A_973 = arith.constant 0 : index
    %swap3A_974 = vector.load %arg11[%swap3A_972, %swap3A_973] : memref<5x100xf32, #tpu.memory_space<vmem>>, vector<1x100xf32>
    tpu.vector_store %arg11[%swap3A_972, %swap3A_973], %max3A_970 {strides = array<i32>} : memref<5x100xf32, #tpu.memory_space<vmem>>, vector<1x100xf32>,
    %get3A_975 = arith.constant 3 : index
    %get3A_976 = arith.constant 0 : index
    %get3A_977 = vector.load %arg11[%get3A_975, %get3A_976] : memref<5x100xf32, #tpu.memory_space<vmem>>, vector<1x100xf32>
    %max3A_978 = arith.maximumf %min3A_971, %get3A_977 : vector<1x100xf32>
    %min3A_979 = arith.minimumf %min3A_971, %get3A_977 : vector<1x100xf32>
    %swap3A_980 = arith.constant 3 : index
    %swap3A_981 = arith.constant 0 : index
    %swap3A_982 = vector.load %arg11[%swap3A_980, %swap3A_981] : memref<5x100xf32, #tpu.memory_space<vmem>>, vector<1x100xf32>
    tpu.vector_store %arg11[%swap3A_980, %swap3A_981], %max3A_978 {strides = array<i32>} : memref<5x100xf32, #tpu.memory_space<vmem>>, vector<1x100xf32>,
    %get3A_983 = arith.constant 4 : index
    %get3A_984 = arith.constant 0 : index
    %get3A_985 = vector.load %arg11[%get3A_983, %get3A_984] : memref<5x100xf32, #tpu.memory_space<vmem>>, vector<1x100xf32>
    %max3A_986 = arith.maximumf %min3A_979, %get3A_985 : vector<1x100xf32>
    %swap3A_987 = arith.constant 4 : index
    %swap3A_988 = arith.constant 0 : index
    %swap3A_989 = vector.load %arg11[%swap3A_987, %swap3A_988] : memref<5x100xf32, #tpu.memory_space<vmem>>, vector<1x100xf32>
    tpu.vector_store %arg11[%swap3A_987, %swap3A_988], %max3A_986 {strides = array<i32>} : memref<5x100xf32, #tpu.memory_space<vmem>>, vector<1x100xf32>,
    %eq3A_990 = vector.broadcast %broadcast_in_dim3A_950 : vector<1x100xi32> to vector<4000x100xi32>
    %eq3A_991 = arith.cmpi eq, %add3A_297, %eq3A_990 : vector<4000x100xi32>
    %jit3A_992 = arith.constant 0xFF800000 : f32
    %broadcast_in_dim3A_993 = vector.broadcast %jit3A_992 : f32 to vector<4000x100xf32>
    %select_n3A_994 = arith.select %eq3A_991, %broadcast_in_dim3A_993, %select_n3A_939 : vector<4000x100xi1>, vector<4000x100xf32>
    %reduce_max3A_995 = arith.constant dense<0xFF800000> : vector<100xf32>
    %reduce_max3A_996 = vector.multi_reduction <maximumf>, %select_n3A_994, %reduce_max3A_995 [0] : vector<4000x100xf32> to vector<100xf32>
    %broadcast_in_dim3A_997 = vector.shape_cast %reduce_max3A_996 : vector<100xf32> to vector<1x100xf32>
    %eq3A_998 = vector.broadcast %broadcast_in_dim3A_997 : vector<1x100xf32> to vector<4000x100xf32>
    %eq3A_999 = arith.cmpf oeq, %select_n3A_994, %eq3A_998 : vector<4000x100xf32>
    %jit3A_1000 = arith.constant 2147483647 : i32
    %broadcast_in_dim3A_1001 = vector.broadcast %jit3A_1000 : i32 to vector<4000x100xi32>
    %select_n3A_1002 = arith.select %eq3A_999, %add3A_297, %broadcast_in_dim3A_1001 : vector<4000x100xi1>, vector<4000x100xi32>
    %reduce_min3A_1003 = arith.constant dense<2147483647> : vector<100xi32>
    %reduce_min3A_1004 = vector.multi_reduction <minsi>, %select_n3A_1002, %reduce_min3A_1003 [0] : vector<4000x100xi32> to vector<100xi32>
    %broadcast_in_dim3A_1005 = vector.shape_cast %reduce_min3A_1004 : vector<100xi32> to vector<1x100xi32>
    %get3A_1006 = arith.constant 0 : index
    %get3A_1007 = arith.constant 0 : index
    %get3A_1008 = vector.load %arg11[%get3A_1006, %get3A_1007] : memref<5x100xf32, #tpu.memory_space<vmem>>, vector<1x100xf32>
    %max3A_1009 = arith.maximumf %broadcast_in_dim3A_997, %get3A_1008 : vector<1x100xf32>
    %min3A_1010 = arith.minimumf %broadcast_in_dim3A_997, %get3A_1008 : vector<1x100xf32>
    %swap3A_1011 = arith.constant 0 : index
    %swap3A_1012 = arith.constant 0 : index
    %swap3A_1013 = vector.load %arg11[%swap3A_1011, %swap3A_1012] : memref<5x100xf32, #tpu.memory_space<vmem>>, vector<1x100xf32>
    tpu.vector_store %arg11[%swap3A_1011, %swap3A_1012], %max3A_1009 {strides = array<i32>} : memref<5x100xf32, #tpu.memory_space<vmem>>, vector<1x100xf32>,
    %get3A_1014 = arith.constant 1 : index
    %get3A_1015 = arith.constant 0 : index
    %get3A_1016 = vector.load %arg11[%get3A_1014, %get3A_1015] : memref<5x100xf32, #tpu.memory_space<vmem>>, vector<1x100xf32>
    %max3A_1017 = arith.maximumf %min3A_1010, %get3A_1016 : vector<1x100xf32>
    %min3A_1018 = arith.minimumf %min3A_1010, %get3A_1016 : vector<1x100xf32>
    %swap3A_1019 = arith.constant 1 : index
    %swap3A_1020 = arith.constant 0 : index
    %swap3A_1021 = vector.load %arg11[%swap3A_1019, %swap3A_1020] : memref<5x100xf32, #tpu.memory_space<vmem>>, vector<1x100xf32>
    tpu.vector_store %arg11[%swap3A_1019, %swap3A_1020], %max3A_1017 {strides = array<i32>} : memref<5x100xf32, #tpu.memory_space<vmem>>, vector<1x100xf32>,
    %get3A_1022 = arith.constant 2 : index
    %get3A_1023 = arith.constant 0 : index
    %get3A_1024 = vector.load %arg11[%get3A_1022, %get3A_1023] : memref<5x100xf32, #tpu.memory_space<vmem>>, vector<1x100xf32>
    %max3A_1025 = arith.maximumf %min3A_1018, %get3A_1024 : vector<1x100xf32>
    %min3A_1026 = arith.minimumf %min3A_1018, %get3A_1024 : vector<1x100xf32>
    %swap3A_1027 = arith.constant 2 : index
    %swap3A_1028 = arith.constant 0 : index
    %swap3A_1029 = vector.load %arg11[%swap3A_1027, %swap3A_1028] : memref<5x100xf32, #tpu.memory_space<vmem>>, vector<1x100xf32>
    tpu.vector_store %arg11[%swap3A_1027, %swap3A_1028], %max3A_1025 {strides = array<i32>} : memref<5x100xf32, #tpu.memory_space<vmem>>, vector<1x100xf32>,
    %get3A_1030 = arith.constant 3 : index
    %get3A_1031 = arith.constant 0 : index
    %get3A_1032 = vector.load %arg11[%get3A_1030, %get3A_1031] : memref<5x100xf32, #tpu.memory_space<vmem>>, vector<1x100xf32>
    %max3A_1033 = arith.maximumf %min3A_1026, %get3A_1032 : vector<1x100xf32>
    %min3A_1034 = arith.minimumf %min3A_1026, %get3A_1032 : vector<1x100xf32>
    %swap3A_1035 = arith.constant 3 : index
    %swap3A_1036 = arith.constant 0 : index
    %swap3A_1037 = vector.load %arg11[%swap3A_1035, %swap3A_1036] : memref<5x100xf32, #tpu.memory_space<vmem>>, vector<1x100xf32>
    tpu.vector_store %arg11[%swap3A_1035, %swap3A_1036], %max3A_1033 {strides = array<i32>} : memref<5x100xf32, #tpu.memory_space<vmem>>, vector<1x100xf32>,
    %get3A_1038 = arith.constant 4 : index
    %get3A_1039 = arith.constant 0 : index
    %get3A_1040 = vector.load %arg11[%get3A_1038, %get3A_1039] : memref<5x100xf32, #tpu.memory_space<vmem>>, vector<1x100xf32>
    %max3A_1041 = arith.maximumf %min3A_1034, %get3A_1040 : vector<1x100xf32>
    %swap3A_1042 = arith.constant 4 : index
    %swap3A_1043 = arith.constant 0 : index
    %swap3A_1044 = vector.load %arg11[%swap3A_1042, %swap3A_1043] : memref<5x100xf32, #tpu.memory_space<vmem>>, vector<1x100xf32>
    tpu.vector_store %arg11[%swap3A_1042, %swap3A_1043], %max3A_1041 {strides = array<i32>} : memref<5x100xf32, #tpu.memory_space<vmem>>, vector<1x100xf32>,
    %eq3A_1045 = vector.broadcast %broadcast_in_dim3A_1005 : vector<1x100xi32> to vector<4000x100xi32>
    %eq3A_1046 = arith.cmpi eq, %add3A_297, %eq3A_1045 : vector<4000x100xi32>
    %jit3A_1047 = arith.constant 0xFF800000 : f32
    %broadcast_in_dim3A_1048 = vector.broadcast %jit3A_1047 : f32 to vector<4000x100xf32>
    %select_n3A_1049 = arith.select %eq3A_1046, %broadcast_in_dim3A_1048, %select_n3A_994 : vector<4000x100xi1>, vector<4000x100xf32>
    %reduce_max3A_1050 = arith.constant dense<0xFF800000> : vector<100xf32>
    %reduce_max3A_1051 = vector.multi_reduction <maximumf>, %select_n3A_1049, %reduce_max3A_1050 [0] : vector<4000x100xf32> to vector<100xf32>
    %broadcast_in_dim3A_1052 = vector.shape_cast %reduce_max3A_1051 : vector<100xf32> to vector<1x100xf32>
    %eq3A_1053 = vector.broadcast %broadcast_in_dim3A_1052 : vector<1x100xf32> to vector<4000x100xf32>
    %eq3A_1054 = arith.cmpf oeq, %select_n3A_1049, %eq3A_1053 : vector<4000x100xf32>
    %jit3A_1055 = arith.constant 2147483647 : i32
    %broadcast_in_dim3A_1056 = vector.broadcast %jit3A_1055 : i32 to vector<4000x100xi32>
    %select_n3A_1057 = arith.select %eq3A_1054, %add3A_297, %broadcast_in_dim3A_1056 : vector<4000x100xi1>, vector<4000x100xi32>
    %reduce_min3A_1058 = arith.constant dense<2147483647> : vector<100xi32>
    %reduce_min3A_1059 = vector.multi_reduction <minsi>, %select_n3A_1057, %reduce_min3A_1058 [0] : vector<4000x100xi32> to vector<100xi32>
    %broadcast_in_dim3A_1060 = vector.shape_cast %reduce_min3A_1059 : vector<100xi32> to vector<1x100xi32>
    %get3A_1061 = arith.constant 0 : index
    %get3A_1062 = arith.constant 0 : index
    %get3A_1063 = vector.load %arg11[%get3A_1061, %get3A_1062] : memref<5x100xf32, #tpu.memory_space<vmem>>, vector<1x100xf32>
    %max3A_1064 = arith.maximumf %broadcast_in_dim3A_1052, %get3A_1063 : vector<1x100xf32>
    %min3A_1065 = arith.minimumf %broadcast_in_dim3A_1052, %get3A_1063 : vector<1x100xf32>
    %swap3A_1066 = arith.constant 0 : index
    %swap3A_1067 = arith.constant 0 : index
    %swap3A_1068 = vector.load %arg11[%swap3A_1066, %swap3A_1067] : memref<5x100xf32, #tpu.memory_space<vmem>>, vector<1x100xf32>
    tpu.vector_store %arg11[%swap3A_1066, %swap3A_1067], %max3A_1064 {strides = array<i32>} : memref<5x100xf32, #tpu.memory_space<vmem>>, vector<1x100xf32>,
    %get3A_1069 = arith.constant 1 : index
    %get3A_1070 = arith.constant 0 : index
    %get3A_1071 = vector.load %arg11[%get3A_1069, %get3A_1070] : memref<5x100xf32, #tpu.memory_space<vmem>>, vector<1x100xf32>
    %max3A_1072 = arith.maximumf %min3A_1065, %get3A_1071 : vector<1x100xf32>
    %min3A_1073 = arith.minimumf %min3A_1065, %get3A_1071 : vector<1x100xf32>
    %swap3A_1074 = arith.constant 1 : index
    %swap3A_1075 = arith.constant 0 : index
    %swap3A_1076 = vector.load %arg11[%swap3A_1074, %swap3A_1075] : memref<5x100xf32, #tpu.memory_space<vmem>>, vector<1x100xf32>
    tpu.vector_store %arg11[%swap3A_1074, %swap3A_1075], %max3A_1072 {strides = array<i32>} : memref<5x100xf32, #tpu.memory_space<vmem>>, vector<1x100xf32>,
    %get3A_1077 = arith.constant 2 : index
    %get3A_1078 = arith.constant 0 : index
    %get3A_1079 = vector.load %arg11[%get3A_1077, %get3A_1078] : memref<5x100xf32, #tpu.memory_space<vmem>>, vector<1x100xf32>
    %max3A_1080 = arith.maximumf %min3A_1073, %get3A_1079 : vector<1x100xf32>
    %min3A_1081 = arith.minimumf %min3A_1073, %get3A_1079 : vector<1x100xf32>
    %swap3A_1082 = arith.constant 2 : index
    %swap3A_1083 = arith.constant 0 : index
    %swap3A_1084 = vector.load %arg11[%swap3A_1082, %swap3A_1083] : memref<5x100xf32, #tpu.memory_space<vmem>>, vector<1x100xf32>
    tpu.vector_store %arg11[%swap3A_1082, %swap3A_1083], %max3A_1080 {strides = array<i32>} : memref<5x100xf32, #tpu.memory_space<vmem>>, vector<1x100xf32>,
    %get3A_1085 = arith.constant 3 : index
    %get3A_1086 = arith.constant 0 : index
    %get3A_1087 = vector.load %arg11[%get3A_1085, %get3A_1086] : memref<5x100xf32, #tpu.memory_space<vmem>>, vector<1x100xf32>
    %max3A_1088 = arith.maximumf %min3A_1081, %get3A_1087 : vector<1x100xf32>
    %min3A_1089 = arith.minimumf %min3A_1081, %get3A_1087 : vector<1x100xf32>
    %swap3A_1090 = arith.constant 3 : index
    %swap3A_1091 = arith.constant 0 : index
    %swap3A_1092 = vector.load %arg11[%swap3A_1090, %swap3A_1091] : memref<5x100xf32, #tpu.memory_space<vmem>>, vector<1x100xf32>
    tpu.vector_store %arg11[%swap3A_1090, %swap3A_1091], %max3A_1088 {strides = array<i32>} : memref<5x100xf32, #tpu.memory_space<vmem>>, vector<1x100xf32>,
    %get3A_1093 = arith.constant 4 : index
    %get3A_1094 = arith.constant 0 : index
    %get3A_1095 = vector.load %arg11[%get3A_1093, %get3A_1094] : memref<5x100xf32, #tpu.memory_space<vmem>>, vector<1x100xf32>
    %max3A_1096 = arith.maximumf %min3A_1089, %get3A_1095 : vector<1x100xf32>
    %swap3A_1097 = arith.constant 4 : index
    %swap3A_1098 = arith.constant 0 : index
    %swap3A_1099 = vector.load %arg11[%swap3A_1097, %swap3A_1098] : memref<5x100xf32, #tpu.memory_space<vmem>>, vector<1x100xf32>
    tpu.vector_store %arg11[%swap3A_1097, %swap3A_1098], %max3A_1096 {strides = array<i32>} : memref<5x100xf32, #tpu.memory_space<vmem>>, vector<1x100xf32>,
    %eq3A_1100 = vector.broadcast %broadcast_in_dim3A_1060 : vector<1x100xi32> to vector<4000x100xi32>
    %eq3A_1101 = arith.cmpi eq, %add3A_297, %eq3A_1100 : vector<4000x100xi32>
    %jit3A_1102 = arith.constant 0xFF800000 : f32
    %broadcast_in_dim3A_1103 = vector.broadcast %jit3A_1102 : f32 to vector<4000x100xf32>
    %select_n3A_1104 = arith.select %eq3A_1101, %broadcast_in_dim3A_1103, %select_n3A_1049 : vector<4000x100xi1>, vector<4000x100xf32>
    %reduce_max3A_1105 = arith.constant dense<0xFF800000> : vector<100xf32>
    %reduce_max3A_1106 = vector.multi_reduction <maximumf>, %select_n3A_1104, %reduce_max3A_1105 [0] : vector<4000x100xf32> to vector<100xf32>
    %broadcast_in_dim3A_1107 = vector.shape_cast %reduce_max3A_1106 : vector<100xf32> to vector<1x100xf32>
    %get3A_1108 = arith.constant 0 : index
    %get3A_1109 = arith.constant 0 : index
    %get3A_1110 = vector.load %arg11[%get3A_1108, %get3A_1109] : memref<5x100xf32, #tpu.memory_space<vmem>>, vector<1x100xf32>
    %max3A_1111 = arith.maximumf %broadcast_in_dim3A_1107, %get3A_1110 : vector<1x100xf32>
    %min3A_1112 = arith.minimumf %broadcast_in_dim3A_1107, %get3A_1110 : vector<1x100xf32>
    %swap3A_1113 = arith.constant 0 : index
    %swap3A_1114 = arith.constant 0 : index
    %swap3A_1115 = vector.load %arg11[%swap3A_1113, %swap3A_1114] : memref<5x100xf32, #tpu.memory_space<vmem>>, vector<1x100xf32>
    tpu.vector_store %arg11[%swap3A_1113, %swap3A_1114], %max3A_1111 {strides = array<i32>} : memref<5x100xf32, #tpu.memory_space<vmem>>, vector<1x100xf32>,
    %get3A_1116 = arith.constant 1 : index
    %get3A_1117 = arith.constant 0 : index
    %get3A_1118 = vector.load %arg11[%get3A_1116, %get3A_1117] : memref<5x100xf32, #tpu.memory_space<vmem>>, vector<1x100xf32>
    %max3A_1119 = arith.maximumf %min3A_1112, %get3A_1118 : vector<1x100xf32>
    %min3A_1120 = arith.minimumf %min3A_1112, %get3A_1118 : vector<1x100xf32>
    %swap3A_1121 = arith.constant 1 : index
    %swap3A_1122 = arith.constant 0 : index
    %swap3A_1123 = vector.load %arg11[%swap3A_1121, %swap3A_1122] : memref<5x100xf32, #tpu.memory_space<vmem>>, vector<1x100xf32>
    tpu.vector_store %arg11[%swap3A_1121, %swap3A_1122], %max3A_1119 {strides = array<i32>} : memref<5x100xf32, #tpu.memory_space<vmem>>, vector<1x100xf32>,
    %get3A_1124 = arith.constant 2 : index
    %get3A_1125 = arith.constant 0 : index
    %get3A_1126 = vector.load %arg11[%get3A_1124, %get3A_1125] : memref<5x100xf32, #tpu.memory_space<vmem>>, vector<1x100xf32>
    %max3A_1127 = arith.maximumf %min3A_1120, %get3A_1126 : vector<1x100xf32>
    %min3A_1128 = arith.minimumf %min3A_1120, %get3A_1126 : vector<1x100xf32>
    %swap3A_1129 = arith.constant 2 : index
    %swap3A_1130 = arith.constant 0 : index
    %swap3A_1131 = vector.load %arg11[%swap3A_1129, %swap3A_1130] : memref<5x100xf32, #tpu.memory_space<vmem>>, vector<1x100xf32>
    tpu.vector_store %arg11[%swap3A_1129, %swap3A_1130], %max3A_1127 {strides = array<i32>} : memref<5x100xf32, #tpu.memory_space<vmem>>, vector<1x100xf32>,
    %get3A_1132 = arith.constant 3 : index
    %get3A_1133 = arith.constant 0 : index
    %get3A_1134 = vector.load %arg11[%get3A_1132, %get3A_1133] : memref<5x100xf32, #tpu.memory_space<vmem>>, vector<1x100xf32>
    %max3A_1135 = arith.maximumf %min3A_1128, %get3A_1134 : vector<1x100xf32>
    %min3A_1136 = arith.minimumf %min3A_1128, %get3A_1134 : vector<1x100xf32>
    %swap3A_1137 = arith.constant 3 : index
    %swap3A_1138 = arith.constant 0 : index
    %swap3A_1139 = vector.load %arg11[%swap3A_1137, %swap3A_1138] : memref<5x100xf32, #tpu.memory_space<vmem>>, vector<1x100xf32>
    tpu.vector_store %arg11[%swap3A_1137, %swap3A_1138], %max3A_1135 {strides = array<i32>} : memref<5x100xf32, #tpu.memory_space<vmem>>, vector<1x100xf32>,
    %get3A_1140 = arith.constant 4 : index
    %get3A_1141 = arith.constant 0 : index
    %get3A_1142 = vector.load %arg11[%get3A_1140, %get3A_1141] : memref<5x100xf32, #tpu.memory_space<vmem>>, vector<1x100xf32>
    %max3A_1143 = arith.maximumf %min3A_1136, %get3A_1142 : vector<1x100xf32>
    %swap3A_1144 = arith.constant 4 : index
    %swap3A_1145 = arith.constant 0 : index
    %swap3A_1146 = vector.load %arg11[%swap3A_1144, %swap3A_1145] : memref<5x100xf32, #tpu.memory_space<vmem>>, vector<1x100xf32>
    tpu.vector_store %arg11[%swap3A_1144, %swap3A_1145], %max3A_1143 {strides = array<i32>} : memref<5x100xf32, #tpu.memory_space<vmem>>, vector<1x100xf32>,
    %eq3A_1147 = arith.constant 4 : i32
    %eq3A_1148 = arith.cmpi eq, %arg1, %eq3A_1147 : i32
    %convert_element_type3A_1149 = arith.extui %eq3A_1148 : i1 to i32
    %cond3A_1150 = arith.constant 0 : i32
    %cond3A_1151 = arith.cmpi ne, %convert_element_type3A_1149, %cond3A_1150 : i32
    scf.if %cond3A_1151 {
      %get3A_1152 = arith.constant 4 : index
      %get3A_1153 = arith.constant 0 : index
      %get3A_1154 = vector.load %arg11[%get3A_1152, %get3A_1153] : memref<5x100xf32, #tpu.memory_space<vmem>>, vector<1x100xf32>
      %broadcast_in_dim3A_1155 = arith.constant 0.000000e+00 : f32
      %broadcast_in_dim3A_1156 = vector.broadcast %broadcast_in_dim3A_1155 : f32 to vector<1x100xf32>
      %get3A_1157 = arith.constant 3 : index
      %get3A_1158 = arith.constant 0 : index
      %get3A_1159 = vector.load %arg11[%get3A_1157, %get3A_1158] : memref<5x100xf32, #tpu.memory_space<vmem>>, vector<1x100xf32>
      %add3A_1160 = arith.addf %get3A_1154, %get3A_1159 : vector<1x100xf32>
      %sub3A_1161 = arith.subf %add3A_1160, %get3A_1154 : vector<1x100xf32>
      %sub3A_1162 = arith.subf %add3A_1160, %sub3A_1161 : vector<1x100xf32>
      %sub3A_1163 = arith.subf %get3A_1154, %sub3A_1162 : vector<1x100xf32>
      %sub3A_1164 = arith.subf %get3A_1159, %sub3A_1161 : vector<1x100xf32>
      %add3A_1165 = arith.addf %sub3A_1163, %sub3A_1164 : vector<1x100xf32>
      %add3A_1166 = arith.addf %broadcast_in_dim3A_1156, %add3A_1165 : vector<1x100xf32>
      %get3A_1167 = arith.constant 2 : index
      %get3A_1168 = arith.constant 0 : index
      %get3A_1169 = vector.load %arg11[%get3A_1167, %get3A_1168] : memref<5x100xf32, #tpu.memory_space<vmem>>, vector<1x100xf32>
      %add3A_1170 = arith.addf %add3A_1160, %get3A_1169 : vector<1x100xf32>
      %sub3A_1171 = arith.subf %add3A_1170, %add3A_1160 : vector<1x100xf32>
      %sub3A_1172 = arith.subf %add3A_1170, %sub3A_1171 : vector<1x100xf32>
      %sub3A_1173 = arith.subf %add3A_1160, %sub3A_1172 : vector<1x100xf32>
      %sub3A_1174 = arith.subf %get3A_1169, %sub3A_1171 : vector<1x100xf32>
      %add3A_1175 = arith.addf %sub3A_1173, %sub3A_1174 : vector<1x100xf32>
      %add3A_1176 = arith.addf %add3A_1166, %add3A_1175 : vector<1x100xf32>
      %get3A_1177 = arith.constant 1 : index
      %get3A_1178 = arith.constant 0 : index
      %get3A_1179 = vector.load %arg11[%get3A_1177, %get3A_1178] : memref<5x100xf32, #tpu.memory_space<vmem>>, vector<1x100xf32>
      %add3A_1180 = arith.addf %add3A_1170, %get3A_1179 : vector<1x100xf32>
      %sub3A_1181 = arith.subf %add3A_1180, %add3A_1170 : vector<1x100xf32>
      %sub3A_1182 = arith.subf %add3A_1180, %sub3A_1181 : vector<1x100xf32>
      %sub3A_1183 = arith.subf %add3A_1170, %sub3A_1182 : vector<1x100xf32>
      %sub3A_1184 = arith.subf %get3A_1179, %sub3A_1181 : vector<1x100xf32>
      %add3A_1185 = arith.addf %sub3A_1183, %sub3A_1184 : vector<1x100xf32>
      %add3A_1186 = arith.addf %add3A_1176, %add3A_1185 : vector<1x100xf32>
      %get3A_1187 = arith.constant 0 : index
      %get3A_1188 = arith.constant 0 : index
      %get3A_1189 = vector.load %arg11[%get3A_1187, %get3A_1188] : memref<5x100xf32, #tpu.memory_space<vmem>>, vector<1x100xf32>
      %add3A_1190 = arith.addf %add3A_1180, %get3A_1189 : vector<1x100xf32>
      %sub3A_1191 = arith.subf %add3A_1190, %add3A_1180 : vector<1x100xf32>
      %sub3A_1192 = arith.subf %add3A_1190, %sub3A_1191 : vector<1x100xf32>
      %sub3A_1193 = arith.subf %add3A_1180, %sub3A_1192 : vector<1x100xf32>
      %sub3A_1194 = arith.subf %get3A_1189, %sub3A_1191 : vector<1x100xf32>
      %add3A_1195 = arith.addf %sub3A_1193, %sub3A_1194 : vector<1x100xf32>
      %add3A_1196 = arith.addf %add3A_1186, %add3A_1195 : vector<1x100xf32>
      %floor3A = math.floor %add3A_1190 : vector<1x100xf32>
      %sub3A_1197 = arith.subf %add3A_1190, %floor3A : vector<1x100xf32>
      %add3A_1198 = arith.addf %sub3A_1197, %add3A_1196 : vector<1x100xf32>
      %floor3A_1199 = math.floor %add3A_1198 : vector<1x100xf32>
      %add3A_1200 = arith.addf %floor3A, %floor3A_1199 : vector<1x100xf32>
      %convert_element_type3A_1201 = arith.fptosi %add3A_1200 : vector<1x100xf32> to vector<1x100xi32>
      %max3A_1202 = arith.constant 1 : i32
      %max3A_1203 = vector.broadcast %max3A_1202 : i32 to vector<1x100xi32>
      %max3A_1204 = arith.maxsi %convert_element_type3A_1201, %max3A_1203 : vector<1x100xi32>
      %broadcast_in_dim3A_1205 = arith.constant 0.000000e+00 : f32
      %broadcast_in_dim3A_1206 = vector.broadcast %broadcast_in_dim3A_1205 : f32 to vector<1x100xf32>
      %broadcast_in_dim3A_1207 = arith.constant 0 : i32
      %broadcast_in_dim3A_1208 = vector.broadcast %broadcast_in_dim3A_1207 : i32 to vector<1x100xi32>
      %eq3A_1209 = arith.constant 1 : i32
      %eq3A_1210 = vector.broadcast %eq3A_1209 : i32 to vector<1x100xi32>
      %eq3A_1211 = arith.cmpi eq, %max3A_1204, %eq3A_1210 : vector<1x100xi32>
      %get3A_1212 = arith.constant 0 : index
      %get3A_1213 = arith.constant 0 : index
      %get3A_1214 = vector.load %arg9[%get3A_1212, %get3A_1213] : memref<5x100xf32, #tpu.memory_space<vmem>>, vector<1x100xf32>
      %select_n3A_1215 = arith.select %eq3A_1211, %get3A_1214, %broadcast_in_dim3A_1206 : vector<1x100xi1>, vector<1x100xf32>
      %get3A_1216 = arith.constant 0 : index
      %get3A_1217 = arith.constant 0 : index
      %get3A_1218 = vector.load %arg10[%get3A_1216, %get3A_1217] : memref<5x100xi32, #tpu.memory_space<vmem>>, vector<1x100xi32>
      %select_n3A_1219 = arith.select %eq3A_1211, %get3A_1218, %broadcast_in_dim3A_1208 : vector<1x100xi1>, vector<1x100xi32>
      %eq3A_1220 = arith.constant 2 : i32
      %eq3A_1221 = vector.broadcast %eq3A_1220 : i32 to vector<1x100xi32>
      %eq3A_1222 = arith.cmpi eq, %max3A_1204, %eq3A_1221 : vector<1x100xi32>
      %get3A_1223 = arith.constant 1 : index
      %get3A_1224 = arith.constant 0 : index
      %get3A_1225 = vector.load %arg9[%get3A_1223, %get3A_1224] : memref<5x100xf32, #tpu.memory_space<vmem>>, vector<1x100xf32>
      %select_n3A_1226 = arith.select %eq3A_1222, %get3A_1225, %select_n3A_1215 : vector<1x100xi1>, vector<1x100xf32>
      %get3A_1227 = arith.constant 1 : index
      %get3A_1228 = arith.constant 0 : index
      %get3A_1229 = vector.load %arg10[%get3A_1227, %get3A_1228] : memref<5x100xi32, #tpu.memory_space<vmem>>, vector<1x100xi32>
      %select_n3A_1230 = arith.select %eq3A_1222, %get3A_1229, %select_n3A_1219 : vector<1x100xi1>, vector<1x100xi32>
      %eq3A_1231 = arith.constant 3 : i32
      %eq3A_1232 = vector.broadcast %eq3A_1231 : i32 to vector<1x100xi32>
      %eq3A_1233 = arith.cmpi eq, %max3A_1204, %eq3A_1232 : vector<1x100xi32>
      %get3A_1234 = arith.constant 2 : index
      %get3A_1235 = arith.constant 0 : index
      %get3A_1236 = vector.load %arg9[%get3A_1234, %get3A_1235] : memref<5x100xf32, #tpu.memory_space<vmem>>, vector<1x100xf32>
      %select_n3A_1237 = arith.select %eq3A_1233, %get3A_1236, %select_n3A_1226 : vector<1x100xi1>, vector<1x100xf32>
      %get3A_1238 = arith.constant 2 : index
      %get3A_1239 = arith.constant 0 : index
      %get3A_1240 = vector.load %arg10[%get3A_1238, %get3A_1239] : memref<5x100xi32, #tpu.memory_space<vmem>>, vector<1x100xi32>
      %select_n3A_1241 = arith.select %eq3A_1233, %get3A_1240, %select_n3A_1230 : vector<1x100xi1>, vector<1x100xi32>
      %eq3A_1242 = arith.constant 4 : i32
      %eq3A_1243 = vector.broadcast %eq3A_1242 : i32 to vector<1x100xi32>
      %eq3A_1244 = arith.cmpi eq, %max3A_1204, %eq3A_1243 : vector<1x100xi32>
      %get3A_1245 = arith.constant 3 : index
      %get3A_1246 = arith.constant 0 : index
      %get3A_1247 = vector.load %arg9[%get3A_1245, %get3A_1246] : memref<5x100xf32, #tpu.memory_space<vmem>>, vector<1x100xf32>
      %select_n3A_1248 = arith.select %eq3A_1244, %get3A_1247, %select_n3A_1237 : vector<1x100xi1>, vector<1x100xf32>
      %get3A_1249 = arith.constant 3 : index
      %get3A_1250 = arith.constant 0 : index
      %get3A_1251 = vector.load %arg10[%get3A_1249, %get3A_1250] : memref<5x100xi32, #tpu.memory_space<vmem>>, vector<1x100xi32>
      %select_n3A_1252 = arith.select %eq3A_1244, %get3A_1251, %select_n3A_1241 : vector<1x100xi1>, vector<1x100xi32>
      %eq3A_1253 = arith.constant 5 : i32
      %eq3A_1254 = vector.broadcast %eq3A_1253 : i32 to vector<1x100xi32>
      %eq3A_1255 = arith.cmpi eq, %max3A_1204, %eq3A_1254 : vector<1x100xi32>
      %get3A_1256 = arith.constant 4 : index
      %get3A_1257 = arith.constant 0 : index
      %get3A_1258 = vector.load %arg9[%get3A_1256, %get3A_1257] : memref<5x100xf32, #tpu.memory_space<vmem>>, vector<1x100xf32>
      %select_n3A_1259 = arith.select %eq3A_1255, %get3A_1258, %select_n3A_1248 : vector<1x100xi1>, vector<1x100xf32>
      %get3A_1260 = arith.constant 4 : index
      %get3A_1261 = arith.constant 0 : index
      %get3A_1262 = vector.load %arg10[%get3A_1260, %get3A_1261] : memref<5x100xi32, #tpu.memory_space<vmem>>, vector<1x100xi32>
      %select_n3A_1263 = arith.select %eq3A_1255, %get3A_1262, %select_n3A_1252 : vector<1x100xi1>, vector<1x100xi32>
      %swap3A_1264 = arith.constant 0 : index
      %swap3A_1265 = arith.constant 0 : index
      %swap3A_1266 = arith.constant 0 : index
      %swap3A_1267 = vector.load %arg7[%swap3A_1264, %swap3A_1265, %swap3A_1266] : memref<1x1x100xf32, #tpu.memory_space<vmem>>, vector<1x1x100xf32>
      %swap3A_1268 = vector.shape_cast %swap3A_1267 : vector<1x1x100xf32> to vector<1x100xf32>
      %swap3A_1269 = vector.shape_cast %select_n3A_1259 : vector<1x100xf32> to vector<1x1x100xf32>
      tpu.vector_store %arg7[%swap3A_1264, %swap3A_1265, %swap3A_1266], %swap3A_1269 {strides = array<i32>} : memref<1x1x100xf32, #tpu.memory_space<vmem>>, vector<1x1x100xf32>,
      %swap3A_1270 = arith.constant 0 : index
      %swap3A_1271 = arith.constant 0 : index
      %swap3A_1272 = arith.constant 0 : index
      %swap3A_1273 = vector.load %arg8[%swap3A_1270, %swap3A_1271, %swap3A_1272] : memref<1x1x100xi32, #tpu.memory_space<vmem>>, vector<1x1x100xi32>
      %swap3A_1274 = vector.shape_cast %swap3A_1273 : vector<1x1x100xi32> to vector<1x100xi32>
      %swap3A_1275 = vector.shape_cast %select_n3A_1263 : vector<1x100xi32> to vector<1x1x100xi32>
      tpu.vector_store %arg8[%swap3A_1270, %swap3A_1271, %swap3A_1272], %swap3A_1275 {strides = array<i32>} : memref<1x1x100xi32, #tpu.memory_space<vmem>>, vector<1x1x100xi32>,
    } else {
    }
    return
  }
  func.func @transform_0(%arg0: i32, %arg1: i32) -> (i32, i32, i32) {
    %c0_i32 = arith.constant 0 : i32
    %c0_i32_0 = arith.constant 0 : i32
    return %arg0, %arg1, %c0_i32 : i32, i32, i32
  }
  func.func @transform_1(%arg0: i32, %arg1: i32) -> (i32, i32, i32) {
    %c0_i32 = arith.constant 0 : i32
    %c0_i32_0 = arith.constant 0 : i32
    return %arg0, %arg1, %c0_i32 : i32, i32, i32
  }
  func.func @transform_2(%arg0: i32, %arg1: i32) -> (i32, i32, i32) {
    %c0_i32 = arith.constant 0 : i32
    %c0_i32_0 = arith.constant 0 : i32
    %c0_i32_1 = arith.constant 0 : i32
    return %arg0, %c0_i32, %c0_i32_0 : i32, i32, i32
  }
  func.func @transform_3(%arg0: i32, %arg1: i32) -> (i32, i32, i32) {
    %c0_i32 = arith.constant 0 : i32
    %c0_i32_0 = arith.constant 0 : i32
    %c0_i32_1 = arith.constant 0 : i32
    return %arg0, %c0_i32, %c0_i32_0 : i32, i32, i32
  }
  func.func @transform_4(%arg0: i32, %arg1: i32) -> (i32, i32, i32) {
    %c0_i32 = arith.constant 0 : i32
    %c0_i32_0 = arith.constant 0 : i32
    return %arg0, %arg1, %c0_i32 : i32, i32, i32
  }
  func.func @transform_5(%arg0: i32, %arg1: i32) -> (i32, i32, i32) {
    %c0_i32 = arith.constant 0 : i32
    %c0_i32_0 = arith.constant 0 : i32
    %c0_i32_1 = arith.constant 0 : i32
    return %arg0, %c0_i32, %c0_i32_0 : i32, i32, i32
  }
  func.func @transform_6(%arg0: i32, %arg1: i32) -> (i32, i32, i32) {
    %c0_i32 = arith.constant 0 : i32
    %c0_i32_0 = arith.constant 0 : i32
    %c0_i32_1 = arith.constant 0 : i32
    return %arg0, %c0_i32, %c0_i32_0 : i32, i32, i32
  }
}

</mosaic_0001>

<sc_bundles>
// kernel: kernel.5.cloned.1.call-start
scs
__scs_entry_jumppad:
0x0: {  	(pc) =	sbr.rel $0x88, $3  }
0x1: {  	(tag) =	ssettag $0x0;
	lr =	simm.s32 $0x1  }
0x2: {  	[smem:$0x3F9D] =	sst lr;
	_ =	strace $0xD0000000  }
0x3: {  	_ = 	snop  }
0x4: {  	_ = 	snop  }
0x5: {  	_ = 	snop  }
0x6: {  	_ = 	snop  }
0x7: {  	_ = 	snop  }
__scs_overlays_trampoline_lowered:
0x8: {  	[smem:$0x3FAC] =	sst s0  }
0x9: {  	[smem:$0x3FAD] =	sst s1  }
0xa: {  	[smem:$0x3FAE] =	sst s2  }
0xb: {  	[smem:$0x3FAF] =	sst s3  }
0xc: {  	[smem:$0x3FB0] =	sst s4  }
0xd: {  	[smem:$0x3FB1] =	sst s5  }
0xe: {  	[smem:$0x3FB2] =	sst s6  }
0xf: {  	[smem:$0x3FB3] =	sst s7  }
0x10: {  	[smem:$0x3FB4] =	sst s8  }
0x11: {  	[smem:$0x3FB5] =	sst s9;
	s0 =	simm.s32 @!p0 $0x0  }
0x12: {  	s1 =	sld [smem:$0x3F9B];
	s0 =	simm.s32 @p0 $0x1  }
0x13: {  	[smem:$0x3FB6] =	sst s0;
	s0 =	simm.s32 @!p1 $0x0  }
0x14: {  	s2 =	sld [smem:$0x3F9A];
	s0 =	simm.s32 @p1 $0x1  }
0x15: {  	[smem:$0x3FB7] =	sst s0;
	s0 =	simm.s32 @!p2 $0x0  }
0x16: {  	s3 =	sld [smem:$0x3FDB];
	s0 =	simm.s32 @p2 $0x1  }
0x17: {  	s4 =	simm.s32 $0x1BF5;
	[smem:$0x3FB9] =	sst s0  }
0x18: {  	s0 =	sld [smem:$0x3F9C];
	_ =	swait.ge [sflag:s4], $0x0  }
0x19: {  	s7 =	sld [smem:$0x3F9D]  }
0x1a: {  	s8 =	sadd.s32 $0xFFFFE003, lr  }
0x1b: {  	s9 =	sadd.s32 $0xFFFFFEF7, lr;
	s5 =	simm.s32 $0xFFFFFFFF;
	p2 =	slt.u32 s8, $0xFFFFF086  }
0x1c: {  	p1 =	slt.u32 s9, $0xF7A;
	s5 =	simm.s32 @!p2 $0x0  }
0x1d: {  	s5 =	simm.s32 @p1 $0x1;
	p0 =	seq.s32 s7, s2  }
0x1e: {  	s7 =	smul.u32 @!p0 $0xF7A, s2;
	p2 =	seq.s32 @!p0 s5, $0x0  }
0x1f: {  	s9 =	smul.u32 $0xF7A, s1;
	s8 =	simm.s32 @!p0 $0x1BF5;
	p2 =	por !p2, p0  }
0x20: {  	[sflag:s8] =	ssyncset.s32 @!p0 $0xFFFFF086;
	s6 =	sadd.s32 @!p0 s3, s7;
	s7 =	simm.s32 @!p0 $0x108  }
0x21: {  	s3 =	sadd.s32 s3, s9;
	s6 =	sadd.s32 @!p0 $0x88, s6;
	s7 =	simm.s32 @p2 $0x1082  }
0x22: {  	[simem:s7], [sflag:s8] =	dma.local @!p0 [hbm:s6], $0xF7A  }
0x23: {  	s9 =	sor.u32 $0xD0000000, s2;
	s6 =	simm.s32 $0x108;
	_ =	swait.ge @!p0 [sflag:s8], $0x0  }
0x24: {  	s3 =	sadd.s32 $0x88, s3;
	s6 =	simm.s32 @!p1 $0x1082;
	[sflag:s4] =	ssyncset.s32 $0xFFFFF086  }
0x25: {  	[simem:s6], [sflag:s4] =	dma.local [hbm:s3], $0xF7A  }
0x26: {  	[smem:$0x3F9D] =	sst s1;
	(tag) =	ssettag s2;
	_ =	strace s9  }
0x27: {  	s1 =	sld [smem:$0x3FAD]  }
0x28: {  	s2 =	sld [smem:$0x3FAE]  }
0x29: {  	s4 =	sld [smem:$0x3FB0]  }
0x2a: {  	p0 =	seq.s32 s5, $0x0;
	s5 =	sld [smem:$0x3FB1]  }
0x2b: {  	s6 =	sld [smem:$0x3FB2]  }
0x2c: {  	s7 =	sld [smem:$0x3FB3]  }
0x2d: {  	s3 =	simm.s32 $0x108;
	s8 =	sld [smem:$0x3FB4]  }
0x2e: {  	s3 =	simm.s32 @!p0 $0x1082;
	s9 =	sld [smem:$0x3FB5]  }
0x2f: {  	lr =	sadd.s32 s0, s3;
	s0 =	sld [smem:$0x3FAC]  }
0x30: {  	s3 =	sld [smem:$0x3FAF]  }
0x31: {  	[smem:$0x3FB8] =	sst s10  }
0x32: {  	s10 =	sld [smem:$0x3FB6];
	_ =	sdelay $0x3  }
0x33: {  	p0 =	seq.s32 s10, $0x1;
	s10 =	sld [smem:$0x3FB8];
	_ =	sdelay $0x3  }
0x34: {  	[smem:$0x3FB8] =	sst s10  }
0x35: {  	s10 =	sld [smem:$0x3FB7];
	_ =	sdelay $0x3  }
0x36: {  	p1 =	seq.s32 s10, $0x1;
	s10 =	sld [smem:$0x3FB8];
	_ =	sdelay $0x3  }
0x37: {  	[smem:$0x3FB8] =	sst s10  }
0x38: {  	s10 =	sld [smem:$0x3FB9]  }
0x39: {  	_ = 	snop;
	(pc) =	sbr.ind lr, $3  }
0x3a: {  	_ = 	snop  }
0x3b: {  	_ = 	snop  }
0x3c: {  	p2 =	seq.s32 s10, $0x1;
	s10 =	sld [smem:$0x3FB8]  }
0x3d: {  	_ =	shalt  }
0x3e: {  	_ =	shalt  }
0x3f: {  	_ =	shalt  }
0x40: {  	_ =	shalt  }
0x41: {  	_ =	shalt  }
0x42: {  	_ =	shalt  }
0x43: {  	_ =	shalt  }
0x44: {  	_ =	shalt  }
0x45: {  	_ =	shalt  }
0x46: {  	_ =	shalt  }
0x47: {  	_ =	shalt  }
0x48: {  	_ =	shalt  }
0x49: {  	_ =	shalt  }
0x4a: {  	_ =	shalt  }
0x4b: {  	_ =	shalt  }
0x4c: {  	_ =	shalt  }
0x4d: {  	_ =	shalt  }
0x4e: {  	_ =	shalt  }
0x4f: {  	_ =	shalt  }
0x50: {  	_ =	shalt  }
0x51: {  	_ =	shalt  }
0x52: {  	_ =	shalt  }
0x53: {  	_ =	shalt  }
0x54: {  	_ =	shalt  }
0x55: {  	_ =	shalt  }
0x56: {  	_ =	shalt  }
0x57: {  	_ =	shalt  }
0x58: {  	_ =	shalt  }
0x59: {  	_ =	shalt  }
0x5a: {  	_ =	shalt  }
0x5b: {  	_ =	shalt  }
0x5c: {  	_ =	shalt  }
0x5d: {  	_ =	shalt  }
0x5e: {  	_ =	shalt  }
0x5f: {  	_ =	shalt  }
0x60: {  	_ =	shalt  }
0x61: {  	_ =	shalt  }
0x62: {  	_ =	shalt  }
0x63: {  	_ =	shalt  }
0x64: {  	_ =	shalt  }
0x65: {  	_ =	shalt  }
0x66: {  	_ =	shalt  }
0x67: {  	_ =	shalt  }
0x68: {  	_ =	shalt  }
0x69: {  	_ =	shalt  }
0x6a: {  	_ =	shalt  }
0x6b: {  	_ =	shalt  }
0x6c: {  	_ =	shalt  }
0x6d: {  	_ =	shalt  }
0x6e: {  	_ =	shalt  }
0x6f: {  	_ =	shalt  }
0x70: {  	_ =	shalt  }
0x71: {  	_ =	shalt  }
0x72: {  	_ =	shalt  }
0x73: {  	_ =	shalt  }
0x74: {  	_ =	shalt  }
0x75: {  	_ =	shalt  }
0x76: {  	_ =	shalt  }
0x77: {  	_ =	shalt  }
0x78: {  	_ =	shalt  }
0x79: {  	_ =	shalt  }
0x7a: {  	_ =	shalt  }
0x7b: {  	_ =	shalt  }
0x7c: {  	_ =	shalt  }
0x7d: {  	_ =	shalt  }
0x7e: {  	_ =	shalt  }
0x7f: {  	_ =	shalt  }
0x80: {  	_ =	shalt  }
0x81: {  	_ =	shalt  }
0x82: {  	_ =	shalt  }
0x83: {  	_ =	shalt  }
0x84: {  	_ =	shalt  }
0x85: {  	_ =	shalt  }
0x86: {  	_ =	shalt  }
0x87: {  	_ =	shalt  }
.Lfunc_end0:
.L_simem_size_0:
called_computation_lowered:
.L_overlay_start_0:
0x88: {  	s2 =	sld [smem:$0x3FD9]  }
0x89: {  	s3 =	sld [smem:$0x3FFE];
	_ =	sdelay $0x1  }
0x8a: {  	s1 =	srdreg.scid  }
0x8b: {  	s0 =	sand.u32 $0x1, s1  }
0x8c: {  	s17 =	sshll.u32 s0, $0xA;
	s2 =	sadd.s32 s3, s2  }
0x8d: {  	s2 =	sadd.s32 s2, s17  }
0x8e: {  	[smem:$0x3FC4] =	sst s2  }
0x8f: {  	_ = 	snop  }
0x90: {  	s2 =	sld [smem:$0x3FD0];
	(tm) =	ssettm $0x1  }
0x91: {  	s18 =	sld [smem:$0x3FFB];
	_ =	sdelay $0x3  }
0x92: {  	_ =	strace s18  }
0x93: {  	s3 =	sld [smem:$0x3FFC];
	_ =	sdelay $0x3  }
0x94: {  	_ =	strace s3  }
0x95: {  	s3 =	sld [smem:$0x3FFD];
	_ =	sdelay $0x3  }
0x96: {  	_ =	strace s3  }
0x97: {  	_ =	strace $0x8FFFFFFF  }
0x98: {  	s19 =	sld [smem:$0x3FDB];
	_ =	sdelay $0x1  }
0x99: {  	s4 =	simm.s32 $_scs_section_size  }
0x9a: {  	s5 =	simm.s32 $_size__tile_overlayer_lowered;
	s6 =	simm.s32 $_tile_overlayer_lowered  }
0x9b: {  	s22 =	simm.s32 $0x1BFF;
	s21 =	sshll.u32 s6, $0x1;
	s3 =	sadd.s32 s4, s19  }
0x9c: {  	s7 =	simm.s32 $0x0;
	s20 =	sshll.u32 s5, $0x1;
	s5 =	sadd.s32 s21, s3  }
0x9d: {  	[timem:s7], [sflag:s22] =	dma.local [hbm:s5], s20  }
0x9e: {  	_ =	swait.ge [sflag:s22], s20  }
0x9f: {  	s4 =	ssub.s32 $0x0, s20;
	[sflag:s22] =	ssyncset.done $0x0  }
0xa0: {  	[sflag:s22] =	ssyncadd.s32 s4;
	_ =	sdelay $0x1  }
0xa1: {  	s23 =	simm.s32 $0x1B8B  }
0xa2: {  	_ =	swait.ge [sflag:s23], $0x1  }
0xa3: {  	[sflag:s23] =	ssyncset.done $0x0  }
0xa4: {  	s25 =	simm.s32 $0x1B8E;
	s24 =	sld [smem:$0x3FFE];
	[sflag:s23] =	ssyncadd.s32 $0xFFFFFFFF  }
0xa5: {  	s26 =	simm.s32 $execute0_lowered;
	[smem:$0x3FD2] =	sst s25  }
0xa6: {  	s5 =	sshll.u32 s26, $0x1;
	_ =	strace $0x80000046;
	[dreg:$0x1] =	wrdreg $0xFFFFFFFF  }
0xa7: {  	s28 =	simm.s32 $_size_execute0_lowered;
	s3 =	sadd.s32 s3, s5;
	[dreg:$0x0] =	wrdreg $0x0  }
0xa8: {  	s5 =	sshll.u32 s28, $0x1;
	[dreg:$0x2] =	wrdreg s3  }
0xa9: {  	[dreg:$0x3] =	wrdreg s5  }
0xaa: {  	[dreg:$0x4] =	wrdreg $0xC0  }
0xab: {  	_ =	task [dreg:s7], $0x5FFFF  }
0xac: {  	[dreg:$0x1] =	wrdreg $0xFFFFFFFF  }
0xad: {  	[dreg:$0x0] =	wrdreg $0x60  }
0xae: {  	[dreg:$0x2] =	wrdreg s24  }
0xaf: {  	[dreg:$0x3] =	wrdreg s2  }
0xb0: {  	[dreg:$0x4] =	wrdreg $0x9  }
0xb1: {  	_ =	task.clear_ibuf [dreg:s7], $0x5FFFF;
	_ =	strace $0x90000046  }
0xb2: {  	s29 =	simm.s32 $0x9;
	_ =	strace $0x80000048  }
0xb3: {  	_ =	swait.ge [sflag:s29], $0x1  }
0xb4: {  	[sflag:s29] =	ssyncadd.s32 $0xFFFFFFFF  }
0xb5: {  	_ =	strace $0x90000048  }
0xb6: {  	_ =	sfence  }
0xb7: {  	s30 =	sld [smem:$0x0];
	_ =	sdelay $0x2  }
0xb8: {  	s31 =	sshll.u32 s1, $0xD;
	s1 =	sshrl.u32 s1, $0x2  }
0xb9: {  	s3 =	sand.u32 $0x4000, s31;
	s1 =	sadd.s32 s1, s30  }
0xba: {  	s0 =	sor.u32 s3, s0;
	s1 =	sshll.u32 s1, $0x11  }
0xbb: {  	s0 =	sor.u32 s1, s0  }
0xbc: {  	s0 =	sadd.s32 $0x8F2B, s0  }
0xbd: {  	[sflag:s0] =	ssyncadd.remote.s32 $0x1  }
0xbe: {  	_ =	sfence.sel $0xFFFF  }
0xbf: {  	[dreg:$0x0] =	wrdreg $0xFFFFFFFF;
	(pc) =	sbr.abs _section_cstart, $3  }
0xc0: {  	[dreg:$0x1] =	wrdreg $0xFFFFFFFF  }
0xc1: {  	_ =	task.clear_ibuf [dreg:s7], $0x2FFFF;
	_ =	strace $0x9FFFFFFF  }
0xc2: {  	(tm) =	ssettm $0x7FFFFFFF  }
0xc3: {  	_ =	shalt  }
tec
execute0_lowered:
.L_overlay_start_1:
0x0: {  	(tag) =	ssettag $0x1  }
0x1: {  	s1 =	srdreg.scid  }
0x2: {  	s14 =	sand.u32 $0x1, s1;
	s1 =	stileid.u32  }
0x3: {  	s4 =	sshll.u32 s14, $0x4;
	s5 =	ssub.s32 $0x0, s1  }
0x4: {  	p0 =	sne.s32 s4, s5  }
.Ltmp0:
0x5: {  	_ = 	snop;
	(pc) =	sbr.rel @p0 .LBB2_4-.Ltmp0, $4  }
0x6: {  	s13 =	rddreg [dreg:$0x0]  }
0x7: {  	s2 =	rddreg [dreg:$0x1];
	s3 =	simm.s32 $0x0  }
0x8: {  	[smem:$0x7FF] =	sst s3  }
0x9: {  	s0 =	rddreg [dreg:$0x2];
	_ =	strace $0x80000047  }
0xa: {  	s4 =	simm.s32 $0x2  }
0xb: {  	[tilespmem:s3], [sflag:$0x2] =	stream.linear.gather [hbm4b:s2+s3], $0x80, $0x38;
	[tilespmem:$0x200] =	vst v63  }
0xc: {  	_ =	swait.ge [sflag:s4], $0x80  }
0xd: {  	[sflag:s4] =	ssyncset.done $0x0  }
0xe: {  	s6 =	sadd.s32 $0x9DA00, s13;
	s5 =	simm.s32 $0x80;
	v0 =	vlaneseq.u32;
	[sflag:s4] =	ssyncadd.s32 $0xFFFFFF80  }
0xf: {  	[tilespmem:s5], [sflag:$0x2] =	stream.linear.gather [hbm4b:s6+s3], $0x80, $0x38;
	[tilespmem:$0x200] =	vst v63  }
0x10: {  	_ =	swait.ge [sflag:s4], $0x80  }
0x11: {  	[sflag:s4] =	ssyncset.done $0x0  }
0x12: {  	[sflag:s4] =	ssyncadd.s32 $0xFFFFFF80  }
0x13: {  	v1 =	vld.idx.msk [tilespmem:v0+s5+$0x0], $0xffff  }
0x14: {  	v3 =	vld.idx.msk [tilespmem:v0+s3+$0x0], $0xffff;
	_ =	sdelay $0x2  }
0x15: {  	v2 =	vor.u32 $0x10, v0  }
0x16: {  	v4 =	vshll.u32 v1, $0x7  }
0x17: {  	v1 =	vimm.f32 $0.0e+00;
	vm0 =	veq.f32 v3, $0.0e+00;
	v4 =	vor.u32 v0, v4  }
0x18: {  	v3 =	vsel vm0, $0x3F800000, v1;
	[tilespmem:$0x100] =	vst v4  }
0x19: {  	[tilespmem:$0x180] =	vst v3  }
0x1a: {  	v4 =	vld.idx.msk [tilespmem:v2+s5+$0x0], $0xffff  }
0x1b: {  	v5 =	vld.idx.msk [tilespmem:v2+s3+$0x0], $0xffff;
	_ =	sdelay $0x2  }
0x1c: {  	v3 =	vor.u32 $0x20, v0  }
0x1d: {  	v4 =	vshll.u32 v4, $0x7  }
0x1e: {  	vm13 =	veq.f32 v5, $0.0e+00;
	v4 =	vor.u32 v2, v4  }
0x1f: {  	[tilespmem:$0x110] =	vst v4;
	v4 =	vsel vm13, $0x3F800000, v1  }
0x20: {  	[tilespmem:$0x190] =	vst v4  }
0x21: {  	v5 =	vld.idx.msk [tilespmem:v3+s5+$0x0], $0xffff  }
0x22: {  	v6 =	vld.idx.msk [tilespmem:v3+s3+$0x0], $0xffff;
	_ =	sdelay $0x2  }
0x23: {  	v4 =	vor.u32 $0x30, v0  }
0x24: {  	v5 =	vshll.u32 v5, $0x7  }
0x25: {  	vm14 =	veq.f32 v6, $0.0e+00;
	v5 =	vor.u32 v3, v5  }
0x26: {  	[tilespmem:$0x120] =	vst v5;
	v5 =	vsel vm14, $0x3F800000, v1  }
0x27: {  	[tilespmem:$0x1A0] =	vst v5  }
0x28: {  	v6 =	vld.idx.msk [tilespmem:v4+s5+$0x0], $0xffff  }
0x29: {  	v7 =	vld.idx.msk [tilespmem:v4+s3+$0x0], $0xffff;
	_ =	sdelay $0x2  }
0x2a: {  	v5 =	vor.u32 $0x40, v0  }
0x2b: {  	v6 =	vshll.u32 v6, $0x7  }
0x2c: {  	vm15 =	veq.f32 v7, $0.0e+00;
	v6 =	vor.u32 v4, v6  }
0x2d: {  	[tilespmem:$0x130] =	vst v6;
	v6 =	vsel vm15, $0x3F800000, v1  }
0x2e: {  	[tilespmem:$0x1B0] =	vst v6  }
0x2f: {  	v7 =	vld.idx.msk [tilespmem:v5+s5+$0x0], $0xffff  }
0x30: {  	v8 =	vld.idx.msk [tilespmem:v5+s3+$0x0], $0xffff;
	_ =	sdelay $0x2  }
0x31: {  	v6 =	vor.u32 $0x50, v0  }
0x32: {  	v7 =	vshll.u32 v7, $0x7  }
0x33: {  	vm4 =	veq.f32 v8, $0.0e+00;
	v7 =	vor.u32 v5, v7  }
0x34: {  	v9 =	vimm.s32 $0x5F5E5D5C;
	v8 =	vimm.s32 $0x5B5A5958;
	[tilespmem:$0x140] =	vst v7;
	v7 =	vsel vm4, $0x3F800000, v1  }
0x35: {  	v10 =	vimm.s32 $0x63626160;
	v11 =	vimm.s32 $0x57565554;
	v8 =	vunpack.c.0.s8.s32 v8;
	[tilespmem:$0x1C0] =	vst v7  }
0x36: {  	v7 =	vunpack.c.0.s8.s32 v9;
	v9 =	vunpack.c.0.s8.s32 v10;
	v10 =	vunpack.c.0.s8.s32 v11;
	v11 =	vld.idx.msk [tilespmem:v6+s5+$0x0], $0xffff  }
0x37: {  	vm5 =	vcmask $0x1F10;
	v12 =	vld.idx.msk [tilespmem:v6+s3+$0x0], $0xffff  }
0x38: {  	v7 =	vsel vm5, v7, v8;
	v8 =	vsel vm5, v10, v9  }
0x39: {  	v7 =	vcombine.low v8, v7;
	_ =	sdelay $0x1  }
0x3a: {  	v8 =	vshll.u32 v11, $0x7  }
0x3b: {  	vm6 =	veq.f32 v12, $0.0e+00;
	v8 =	vor.u32 v6, v8  }
0x3c: {  	[tilespmem:$0x150] =	vst v8;
	v8 =	vsel vm6, $0x3F800000, v1  }
0x3d: {  	[tilespmem:$0x1D0] =	vst v8  }
0x3e: {  	v8 =	vld.idx.msk [tilespmem:v7+s5+$0x0], $0xffff  }
0x3f: {  	v9 =	vld.idx.msk [tilespmem:v7+s3+$0x0], $0xffff;
	_ =	sdelay $0x3  }
0x40: {  	v8 =	vshll.u32 v8, $0x7  }
0x41: {  	vm7 =	veq.f32 v9, $0.0e+00;
	v8 =	vor.u32 v7, v8  }
0x42: {  	s7 =	sadd.s32 $0x1600, s13;
	s8 =	simm.s32 $0x70;
	[tilespmem:$0x160] =	vst v8;
	v8 =	vsel vm7, $0x3F800000, v1  }
0x43: {  	s10 =	simm.s32 $0x100;
	s11 =	simm.s32 $0x180;
	s9 =	simm.s32 $0x1;
	[tilespmem:$0x1E0] =	vst v8  }
0x44: {  	[hbm4b:s7+s8] =	stream.indirect.scatter [tilespmem:s11], [sflag:$0x1], $0x1, s10, s8, $0xb8;
	[tilespmem:$0x200] =	vst v63  }
0x45: {  	_ =	swait.ge [sflag:s9], $0x70  }
0x46: {  	[sflag:s9] =	ssyncset.done $0x0  }
0x47: {  	s12 =	sadd.s32 $0x10, s2;
	[sflag:s9] =	ssyncadd.s32 $0xFFFFFF90  }
0x48: {  	[tilespmem:s3], [sflag:$0x2] =	stream.linear.gather [hbm4b:s12+s3], $0x80, $0x38;
	[tilespmem:$0x200] =	vst v63  }
0x49: {  	_ =	swait.ge [sflag:s4], $0x80  }
0x4a: {  	[sflag:s4] =	ssyncset.done $0x0  }
0x4b: {  	s13 =	sadd.s32 $0x9DA10, s13;
	[sflag:s4] =	ssyncadd.s32 $0xFFFFFF80  }
0x4c: {  	[tilespmem:s5], [sflag:$0x2] =	stream.linear.gather [hbm4b:s13+s3], $0x80, $0x38;
	[tilespmem:$0x200] =	vst v63  }
0x4d: {  	_ =	swait.ge [sflag:s4], $0x80  }
0x4e: {  	[sflag:s4] =	ssyncset.done $0x0  }
0x4f: {  	[sflag:s4] =	ssyncadd.s32 $0xFFFFFF80  }
0x50: {  	v9 =	vld.idx.msk [tilespmem:v0+s5+$0x0], $0xffff  }
0x51: {  	v10 =	vld.idx.msk [tilespmem:v0+s3+$0x0], $0xffff;
	_ =	sdelay $0x3  }
0x52: {  	v8 =	vor.u32 $0x271000, v0;
	v9 =	vshll.u32 v9, $0x7  }
0x53: {  	vm8 =	veq.f32 v10, $0.0e+00;
	v9 =	vadd.s32 v8, v9  }
0x54: {  	[tilespmem:$0x100] =	vst v9;
	v9 =	vsel vm8, $0x3F800000, v1  }
0x55: {  	[tilespmem:$0x180] =	vst v9  }
0x56: {  	v10 =	vld.idx.msk [tilespmem:v2+s5+$0x0], $0xffff  }
0x57: {  	v11 =	vld.idx.msk [tilespmem:v2+s3+$0x0], $0xffff;
	_ =	sdelay $0x3  }
0x58: {  	v9 =	vor.u32 $0x271010, v0;
	v10 =	vshll.u32 v10, $0x7  }
0x59: {  	vm9 =	veq.f32 v11, $0.0e+00;
	v10 =	vadd.s32 v9, v10  }
0x5a: {  	[tilespmem:$0x110] =	vst v10;
	v10 =	vsel vm9, $0x3F800000, v1  }
0x5b: {  	[tilespmem:$0x190] =	vst v10  }
0x5c: {  	v11 =	vld.idx.msk [tilespmem:v3+s5+$0x0], $0xffff  }
0x5d: {  	v12 =	vld.idx.msk [tilespmem:v3+s3+$0x0], $0xffff;
	_ =	sdelay $0x3  }
0x5e: {  	v10 =	vor.u32 $0x271020, v0;
	v11 =	vshll.u32 v11, $0x7  }
0x5f: {  	vm10 =	veq.f32 v12, $0.0e+00;
	v11 =	vadd.s32 v10, v11  }
0x60: {  	[tilespmem:$0x120] =	vst v11;
	v11 =	vsel vm10, $0x3F800000, v1  }
0x61: {  	[tilespmem:$0x1A0] =	vst v11  }
0x62: {  	v12 =	vld.idx.msk [tilespmem:v4+s5+$0x0], $0xffff  }
0x63: {  	v13 =	vld.idx.msk [tilespmem:v4+s3+$0x0], $0xffff;
	_ =	sdelay $0x3  }
0x64: {  	v11 =	vor.u32 $0x271030, v0;
	v12 =	vshll.u32 v12, $0x7  }
0x65: {  	vm11 =	veq.f32 v13, $0.0e+00;
	v12 =	vadd.s32 v11, v12  }
0x66: {  	[tilespmem:$0x130] =	vst v12;
	v12 =	vsel vm11, $0x3F800000, v1  }
0x67: {  	vm12 =	vcmask $0x300;
	v13 =	vimm.s32 $0x27105F;
	[tilespmem:$0x1B0] =	vst v12  }
0x68: {  	v12 =	vsel vm12, $0x271060, v13;
	v13 =	vld.idx.msk [tilespmem:v5+s5+$0x0], $0xffff  }
0x69: {  	vm13 =	vcmask $0x704;
	v14 =	vld.idx.msk [tilespmem:v5+s3+$0x0], $0xffff  }
0x6a: {  	vm14 =	vcmask $0xB08;
	v12 =	vsel vm13, $0x271061, v12  }
0x6b: {  	vm15 =	vcmask $0xF0C;
	vm4 =	vcmask $0x1310;
	v12 =	vsel vm14, $0x271062, v12  }
0x6c: {  	vm5 =	vcmask $0x1714;
	vm6 =	vcmask $0x1B18;
	v12 =	vsel vm15, $0x271063, v12  }
0x6d: {  	v15 =	vsel vm4, $0x271054, v12;
	v12 =	vor.u32 $0x271040, v0;
	v13 =	vshll.u32 v13, $0x7  }
0x6e: {  	v15 =	vsel vm5, $0x271055, v15;
	vm1 =	veq.f32 v14, $0.0e+00;
	v13 =	vadd.s32 v12, v13  }
0x6f: {  	s14 =	ssub.s32 $0x2, s14;
	vm7 =	vcmask $0x1F1C;
	v14 =	vsel vm6, $0x271056, v15;
	[tilespmem:$0x140] =	vst v13;
	v13 =	vsel vm1, $0x3F800000, v1  }
0x70: {  	s15 =	sshrl.u32 s14, $0x1;
	vm8 =	vcmask $0x2320;
	v14 =	vsel vm7, $0x271057, v14;
	[tilespmem:$0x1C0] =	vst v13  }
0x71: {  	s14 =	ssub.s32 s14, s15;
	v13 =	vsel vm8, $0x271058, v14;
	v14 =	vld.idx.msk [tilespmem:v6+s5+$0x0], $0xffff  }
0x72: {  	s14 =	smax.u32 s14, $0x1;
	vm9 =	vcmask $0x2724;
	v15 =	vld.idx.msk [tilespmem:v6+s3+$0x0], $0xffff  }
0x73: {  	p0 =	sne.s32 s14, $0x1;
	vm10 =	vcmask $0x2B28;
	v13 =	vsel vm9, $0x271059, v13  }
.Ltmp1:
0x74: {  	vm11 =	vcmask $0x2F2C;
	vm12 =	vcmask $0x3330;
	v13 =	vsel vm10, $0x27105A, v13;
	(pc) =	sbr.rel @!p0 .LBB2_3-.Ltmp1, $4  }
0x75: {  	vm13 =	vcmask $0x3734;
	vm14 =	vcmask $0x3B38;
	v13 =	vsel vm11, $0x27105B, v13  }
0x76: {  	v16 =	vsel vm12, $0x27105C, v13;
	v13 =	vor.u32 $0x271050, v0;
	v14 =	vshll.u32 v14, $0x7  }
0x77: {  	v16 =	vsel vm13, $0x27105D, v16;
	vm15 =	veq.f32 v15, $0.0e+00;
	v17 =	vadd.s32 v13, v14  }
0x78: {  	s14 =	sadd.s32 $0xFFFFFFFF, s14;
	v14 =	vsel vm14, $0x27105E, v16;
	v15 =	vsel vm15, $0x3F800000, v1;
	[tilespmem:$0x150] =	vst v17  }
.LBB2_2:
0x79: {  	p0 =	sne.s32 s14, $0x1;
	s14 =	sadd.s32 $0xFFFFFFFF, s14;
	[tilespmem:$0x1D0] =	vst v15  }
0x7a: {  	v15 =	vld.idx.msk [tilespmem:v7+s5+$0x0], $0xffff  }
0x7b: {  	v16 =	vld.idx.msk [tilespmem:v7+s3+$0x0], $0xffff;
	_ =	sdelay $0x4  }
0x7c: {  	v15 =	vshll.u32 v15, $0x7  }
0x7d: {  	v15 =	vadd.s32 v14, v15;
	vm0 =	veq.f32 v16, $0.0e+00  }
0x7e: {  	[tilespmem:$0x160] =	vst v15;
	v15 =	vsel vm0, $0x3F800000, v1  }
0x7f: {  	[tilespmem:$0x1E0] =	vst v15  }
0x80: {  	[hbm4b:s7+s8] =	stream.indirect.scatter [tilespmem:s11], [sflag:$0x1], $0x1, s10, s8, $0xb8;
	[tilespmem:$0x200] =	vst v63  }
0x81: {  	_ =	swait.ge [sflag:s9], $0x70  }
0x82: {  	[sflag:s9] =	ssyncset.done $0x0  }
0x83: {  	[sflag:s9] =	ssyncadd.s32 $0xFFFFFF90  }
0x84: {  	[tilespmem:s3], [sflag:$0x2] =	stream.linear.gather [hbm4b:s2+s3], $0x80, $0x38;
	[tilespmem:$0x200] =	vst v63  }
0x85: {  	_ =	swait.ge [sflag:s4], $0x80  }
0x86: {  	[sflag:s4] =	ssyncset.done $0x0  }
0x87: {  	[sflag:s4] =	ssyncadd.s32 $0xFFFFFF80  }
0x88: {  	[tilespmem:s5], [sflag:$0x2] =	stream.linear.gather [hbm4b:s6+s3], $0x80, $0x38;
	[tilespmem:$0x200] =	vst v63  }
0x89: {  	_ =	swait.ge [sflag:s4], $0x80  }
0x8a: {  	[sflag:s4] =	ssyncset.done $0x0  }
0x8b: {  	[sflag:s4] =	ssyncadd.s32 $0xFFFFFF80  }
0x8c: {  	v15 =	vld.idx.msk [tilespmem:v0+s5+$0x0], $0xffff  }
0x8d: {  	v16 =	vld.idx.msk [tilespmem:v0+s3+$0x0], $0xffff;
	_ =	sdelay $0x4  }
0x8e: {  	v15 =	vshll.u32 v15, $0x7  }
0x8f: {  	v15 =	vor.u32 v0, v15;
	vm0 =	veq.f32 v16, $0.0e+00  }
0x90: {  	[tilespmem:$0x100] =	vst v15;
	v15 =	vsel vm0, $0x3F800000, v1  }
0x91: {  	[tilespmem:$0x180] =	vst v15  }
0x92: {  	v15 =	vld.idx.msk [tilespmem:v2+s5+$0x0], $0xffff  }
0x93: {  	v16 =	vld.idx.msk [tilespmem:v2+s3+$0x0], $0xffff;
	_ =	sdelay $0x4  }
0x94: {  	v15 =	vshll.u32 v15, $0x7  }
0x95: {  	v15 =	vor.u32 v2, v15;
	vm0 =	veq.f32 v16, $0.0e+00  }
0x96: {  	[tilespmem:$0x110] =	vst v15;
	v15 =	vsel vm0, $0x3F800000, v1  }
0x97: {  	[tilespmem:$0x190] =	vst v15  }
0x98: {  	v15 =	vld.idx.msk [tilespmem:v3+s5+$0x0], $0xffff  }
0x99: {  	v16 =	vld.idx.msk [tilespmem:v3+s3+$0x0], $0xffff;
	_ =	sdelay $0x4  }
0x9a: {  	v15 =	vshll.u32 v15, $0x7  }
0x9b: {  	v15 =	vor.u32 v3, v15;
	vm0 =	veq.f32 v16, $0.0e+00  }
0x9c: {  	[tilespmem:$0x120] =	vst v15;
	v15 =	vsel vm0, $0x3F800000, v1  }
0x9d: {  	[tilespmem:$0x1A0] =	vst v15  }
0x9e: {  	v15 =	vld.idx.msk [tilespmem:v4+s5+$0x0], $0xffff  }
0x9f: {  	v16 =	vld.idx.msk [tilespmem:v4+s3+$0x0], $0xffff;
	_ =	sdelay $0x4  }
0xa0: {  	v15 =	vshll.u32 v15, $0x7  }
0xa1: {  	v15 =	vor.u32 v4, v15;
	vm0 =	veq.f32 v16, $0.0e+00  }
0xa2: {  	[tilespmem:$0x130] =	vst v15;
	v15 =	vsel vm0, $0x3F800000, v1  }
0xa3: {  	[tilespmem:$0x1B0] =	vst v15  }
0xa4: {  	v15 =	vld.idx.msk [tilespmem:v5+s5+$0x0], $0xffff  }
0xa5: {  	v16 =	vld.idx.msk [tilespmem:v5+s3+$0x0], $0xffff;
	_ =	sdelay $0x4  }
0xa6: {  	v15 =	vshll.u32 v15, $0x7  }
0xa7: {  	v15 =	vor.u32 v5, v15;
	vm0 =	veq.f32 v16, $0.0e+00  }
0xa8: {  	[tilespmem:$0x140] =	vst v15;
	v15 =	vsel vm0, $0x3F800000, v1  }
0xa9: {  	[tilespmem:$0x1C0] =	vst v15  }
0xaa: {  	v15 =	vld.idx.msk [tilespmem:v6+s5+$0x0], $0xffff  }
0xab: {  	v16 =	vld.idx.msk [tilespmem:v6+s3+$0x0], $0xffff;
	_ =	sdelay $0x4  }
0xac: {  	v15 =	vshll.u32 v15, $0x7  }
0xad: {  	v15 =	vor.u32 v6, v15;
	vm0 =	veq.f32 v16, $0.0e+00  }
0xae: {  	[tilespmem:$0x150] =	vst v15;
	v15 =	vsel vm0, $0x3F800000, v1  }
0xaf: {  	[tilespmem:$0x1D0] =	vst v15  }
0xb0: {  	v15 =	vld.idx.msk [tilespmem:v7+s5+$0x0], $0xffff  }
0xb1: {  	v16 =	vld.idx.msk [tilespmem:v7+s3+$0x0], $0xffff;
	_ =	sdelay $0x4  }
0xb2: {  	v15 =	vshll.u32 v15, $0x7  }
0xb3: {  	v15 =	vor.u32 v7, v15;
	vm0 =	veq.f32 v16, $0.0e+00  }
0xb4: {  	[tilespmem:$0x160] =	vst v15;
	v15 =	vsel vm0, $0x3F800000, v1  }
0xb5: {  	[tilespmem:$0x1E0] =	vst v15  }
0xb6: {  	[hbm4b:s7+s8] =	stream.indirect.scatter [tilespmem:s11], [sflag:$0x1], $0x1, s10, s8, $0xb8;
	[tilespmem:$0x200] =	vst v63  }
0xb7: {  	_ =	swait.ge [sflag:s9], $0x70  }
0xb8: {  	[sflag:s9] =	ssyncset.done $0x0  }
0xb9: {  	[sflag:s9] =	ssyncadd.s32 $0xFFFFFF90  }
0xba: {  	[tilespmem:s3], [sflag:$0x2] =	stream.linear.gather [hbm4b:s12+s3], $0x80, $0x38;
	[tilespmem:$0x200] =	vst v63  }
0xbb: {  	_ =	swait.ge [sflag:s4], $0x80  }
0xbc: {  	[sflag:s4] =	ssyncset.done $0x0  }
0xbd: {  	[sflag:s4] =	ssyncadd.s32 $0xFFFFFF80  }
0xbe: {  	[tilespmem:s5], [sflag:$0x2] =	stream.linear.gather [hbm4b:s13+s3], $0x80, $0x38;
	[tilespmem:$0x200] =	vst v63  }
0xbf: {  	_ =	swait.ge [sflag:s4], $0x80  }
0xc0: {  	[sflag:s4] =	ssyncset.done $0x0  }
0xc1: {  	[sflag:s4] =	ssyncadd.s32 $0xFFFFFF80  }
0xc2: {  	v15 =	vld.idx.msk [tilespmem:v0+s5+$0x0], $0xffff  }
0xc3: {  	v16 =	vld.idx.msk [tilespmem:v0+s3+$0x0], $0xffff;
	_ =	sdelay $0x4  }
0xc4: {  	v15 =	vshll.u32 v15, $0x7  }
0xc5: {  	v15 =	vadd.s32 v8, v15;
	vm0 =	veq.f32 v16, $0.0e+00  }
0xc6: {  	[tilespmem:$0x100] =	vst v15;
	v15 =	vsel vm0, $0x3F800000, v1  }
0xc7: {  	[tilespmem:$0x180] =	vst v15  }
0xc8: {  	v15 =	vld.idx.msk [tilespmem:v2+s5+$0x0], $0xffff  }
0xc9: {  	v16 =	vld.idx.msk [tilespmem:v2+s3+$0x0], $0xffff;
	_ =	sdelay $0x4  }
0xca: {  	v15 =	vshll.u32 v15, $0x7  }
0xcb: {  	v15 =	vadd.s32 v9, v15;
	vm0 =	veq.f32 v16, $0.0e+00  }
0xcc: {  	[tilespmem:$0x110] =	vst v15;
	v15 =	vsel vm0, $0x3F800000, v1  }
0xcd: {  	[tilespmem:$0x190] =	vst v15  }
0xce: {  	v15 =	vld.idx.msk [tilespmem:v3+s5+$0x0], $0xffff  }
0xcf: {  	v16 =	vld.idx.msk [tilespmem:v3+s3+$0x0], $0xffff;
	_ =	sdelay $0x4  }
0xd0: {  	v15 =	vshll.u32 v15, $0x7  }
0xd1: {  	v15 =	vadd.s32 v10, v15;
	vm0 =	veq.f32 v16, $0.0e+00  }
0xd2: {  	[tilespmem:$0x120] =	vst v15;
	v15 =	vsel vm0, $0x3F800000, v1  }
0xd3: {  	[tilespmem:$0x1A0] =	vst v15  }
0xd4: {  	v15 =	vld.idx.msk [tilespmem:v4+s5+$0x0], $0xffff  }
0xd5: {  	v16 =	vld.idx.msk [tilespmem:v4+s3+$0x0], $0xffff;
	_ =	sdelay $0x4  }
0xd6: {  	v15 =	vshll.u32 v15, $0x7  }
0xd7: {  	v15 =	vadd.s32 v11, v15;
	vm0 =	veq.f32 v16, $0.0e+00  }
0xd8: {  	[tilespmem:$0x130] =	vst v15;
	v15 =	vsel vm0, $0x3F800000, v1  }
0xd9: {  	[tilespmem:$0x1B0] =	vst v15  }
0xda: {  	v15 =	vld.idx.msk [tilespmem:v5+s5+$0x0], $0xffff  }
0xdb: {  	v16 =	vld.idx.msk [tilespmem:v5+s3+$0x0], $0xffff;
	_ =	sdelay $0x4  }
0xdc: {  	v15 =	vshll.u32 v15, $0x7  }
0xdd: {  	v15 =	vadd.s32 v12, v15;
	vm0 =	veq.f32 v16, $0.0e+00  }
0xde: {  	[tilespmem:$0x140] =	vst v15;
	v15 =	vsel vm0, $0x3F800000, v1  }
0xdf: {  	[tilespmem:$0x1C0] =	vst v15  }
0xe0: {  	v15 =	vld.idx.msk [tilespmem:v6+s5+$0x0], $0xffff  }
0xe1: {  	v16 =	vld.idx.msk [tilespmem:v6+s3+$0x0], $0xffff;
	_ =	sdelay $0x2  }
.Ltmp2:
0xe2: {  	(pc) =	sbr.rel @p0 .LBB2_2-.Ltmp2, $4  }
0xe3: {  	_ = 	snop  }
0xe4: {  	v15 =	vshll.u32 v15, $0x7  }
0xe5: {  	v15 =	vadd.s32 v13, v15;
	vm0 =	veq.f32 v16, $0.0e+00  }
0xe6: {  	[tilespmem:$0x150] =	vst v15;
	v15 =	vsel vm0, $0x3F800000, v1  }
.LBB2_3:
0xe7: {  	_ =	sdelay $0x2  }
0xe8: {  	[tilespmem:$0x1D0] =	vst v15  }
0xe9: {  	v0 =	vld.idx.msk [tilespmem:v7+s5+$0x0], $0xffff  }
0xea: {  	v2 =	vld.idx.msk [tilespmem:v7+s3+$0x0], $0xffff;
	_ =	sdelay $0x3  }
0xeb: {  	v0 =	vshll.u32 v0, $0x7  }
0xec: {  	vm0 =	veq.f32 v2, $0.0e+00;
	v0 =	vadd.s32 v14, v0  }
0xed: {  	v63 =	vsel vm0, $0x3F800000, v1;
	[tilespmem:$0x160] =	vst v0  }
0xee: {  	[tilespmem:$0x1E0] =	vst v63  }
0xef: {  	[hbm4b:s7+s8] =	stream.indirect.scatter [tilespmem:s11], [sflag:$0x1], $0x1, s10, s8, $0xb8;
	[tilespmem:$0x200] =	vst v63  }
0xf0: {  	_ =	swait.ge [sflag:s9], $0x70  }
0xf1: {  	[sflag:s9] =	ssyncset.done $0x0  }
0xf2: {  	[sflag:s9] =	ssyncadd.s32 $0xFFFFFF90  }
.LBB2_4:
0xf3: {  	_ =	sfence.sel $0x180000  }
0xf4: {  	[bflag:$0x0] =	sbarrier.arrive $0xFFFF  }
0xf5: {  	p0 =	sne.s32 s1, $0x0;
	_ =	strace $0x90000047  }
0xf6: {  	s0 =	sadd.s32 @!p0 $0x100000, s0;
	[bflag:$0x2] =	sbarrier.arrive $0xFFFF  }
0xf7: {  	[sflag:s0] =	ssyncadd.tile.s32 @!p0 $0x1;
	_ =	shalt  }
.Lfunc_end2:
_tile_overlayer_lowered:
.L_overlay_start_2:
0xf8: {  	(tag) =	ssettag $0x2  }
0xf9: {  	s0 =	rddreg [dreg:$0x0];
	s2 =	stileid.u32  }
0xfa: {  	s1 =	rddreg [dreg:$0x1];
	p0 =	sne.s32 s2, $0x0  }
0xfb: {  	s3 =	rddreg [dreg:$0x2];
	[bflag:$0x3] =	sbarrier.arrive $0xFFFF;
	s2 =	simm.s32 @!p0 $0x1C02  }
0xfc: {  	[timem:s3], [sflag:s2] =	dma.local @!p0 [hbm:s0], s1  }
0xfd: {  	s0 =	simm.s32 @!p0 $0x2  }
0xfe: {  	_ =	swait.ge @!p0 [sflag:s0], s1  }
0xff: {  	s1 =	ssub.s32 @!p0 $0x0, s1;
	[sflag:s0] =	ssyncset.done @!p0 $0x0  }
0x100: {  	[sflag:s0] =	ssyncadd.s32 @!p0 s1  }
0x101: {  	[bflag:$0x3] =	sbarrier.arrive $0xFFFF  }
0x102: {  	_ =	shalt  }

</sc_bundles>
